<compile_context>
chip_gen: v7x
topology: tpu7x:2x2x1
jax: 0.10.2.dev20260603
libtpu: 0.0.44.dev20260713+nightly
codegen_flags: <defaults>
</compile_context>

<pallas_src>
import functools

import jax
import jax.numpy as jnp
from jax import lax
from jax.experimental import pallas as pl
from jax.experimental.pallas import tpu as pltpu
from jax.experimental.pallas import tpu_sc as plsc

F32 = jnp.float32

NC = 2
NS = 16
CHUNK = 128


def _project_tables(obj_flat, w1a_s, w1a_o):
    n, d = obj_flat.shape
    to = 2000
    grid = (n // to,)

    def body(x_ref, ws_ref, wo_ref, us_ref, uo_ref):
        x = x_ref[...]
        us_ref[...] = jnp.dot(x, ws_ref[...], preferred_element_type=F32)
        uo_ref[...] = jnp.dot(x, wo_ref[...], preferred_element_type=F32)

    return pl.pallas_call(
        body,
        grid=grid,
        in_specs=[
            pl.BlockSpec((to, d), lambda i: (i, 0)),
            pl.BlockSpec((d, d), lambda i: (0, 0)),
            pl.BlockSpec((d, d), lambda i: (0, 0)),
        ],
        out_specs=[
            pl.BlockSpec((to, d), lambda i: (i, 0)),
            pl.BlockSpec((to, d), lambda i: (i, 0)),
        ],
        out_shape=[
            jax.ShapeDtypeStruct((n, d), F32),
            jax.ShapeDtypeStruct((n, d), F32),
        ],
    )(obj_flat, w1a_s, w1a_o)


def _sc_gather(us, uo, sidx, oidx):
    bt = sidx.shape[0]
    d = us.shape[1]
    per_w = bt // (NC * NS)
    n_full = per_w // CHUNK
    tail = per_w - n_full * CHUNK

    mesh = plsc.VectorSubcoreMesh(core_axis_name="c", subcore_axis_name="s")

    @functools.partial(
        pl.kernel,
        out_type=[
            jax.ShapeDtypeStruct((bt, d), F32),
            jax.ShapeDtypeStruct((bt, d), F32),
        ],
        mesh=mesh,
        scratch_types=[
            pltpu.VMEM((CHUNK,), jnp.int32),
            pltpu.VMEM((CHUNK,), jnp.int32),
            pltpu.VMEM((CHUNK, d), F32),
            pltpu.VMEM((CHUNK, d), F32),
            pltpu.VMEM((16,), jnp.int32),
            pltpu.VMEM((16,), jnp.int32),
            pltpu.VMEM((16, d), F32),
            pltpu.VMEM((16, d), F32),
        ],
    )
    def gather_kernel(us_hbm, uo_hbm, sidx_hbm, oidx_hbm, gs_hbm, go_hbm,
                      si_v, oi_v, sr_v, or_v, si_t, oi_t, sr_t, or_t):
        w = lax.axis_index("c") * NS + lax.axis_index("s")
        w_base = w * per_w

        def step(i, carry):
            base = pl.multiple_of(w_base + i * CHUNK, 8)
            pltpu.sync_copy(sidx_hbm.at[pl.ds(base, CHUNK)], si_v)
            pltpu.sync_copy(oidx_hbm.at[pl.ds(base, CHUNK)], oi_v)
            pltpu.sync_copy(us_hbm.at[si_v], sr_v)
            pltpu.sync_copy(uo_hbm.at[oi_v], or_v)
            pltpu.sync_copy(sr_v, gs_hbm.at[pl.ds(base, CHUNK)])
            pltpu.sync_copy(or_v, go_hbm.at[pl.ds(base, CHUNK)])
            return carry

        lax.fori_loop(0, n_full, step, 0)
        if tail:
            base = pl.multiple_of(w_base + n_full * CHUNK, 8)
            pltpu.sync_copy(sidx_hbm.at[pl.ds(base, tail)], si_t)
            pltpu.sync_copy(oidx_hbm.at[pl.ds(base, tail)], oi_t)
            pltpu.sync_copy(us_hbm.at[si_t], sr_t)
            pltpu.sync_copy(uo_hbm.at[oi_t], or_t)
            pltpu.sync_copy(sr_t, gs_hbm.at[pl.ds(base, tail)])
            pltpu.sync_copy(or_t, go_hbm.at[pl.ds(base, tail)])

    return gather_kernel(us, uo, sidx, oidx)


def _edge_mlp(gs, go, pred_flat, indf, w1a_p, b1a, w1b, b1b):
    bt, d = pred_flat.shape
    h2p = w1b.shape[1]
    h = b1a.shape[1]
    tt = 2560
    grid = (bt // tt,)

    def body(gs_ref, go_ref, p_ref, ind_ref, wp_ref, ba_ref, wb_ref, bb_ref,
             np_ref, vso_ref, i16_ref):
        pp = jnp.dot(p_ref[...], wp_ref[...], preferred_element_type=F32)
        hh = jnp.maximum(gs_ref[...] + go_ref[...] + pp + ba_ref[...], 0.0)
        t2 = jnp.dot(hh, wb_ref[...], preferred_element_type=F32) + bb_ref[...]
        t2 = jnp.maximum(t2, 0.0)
        ind = ind_ref[...]
        np_ref[...] = t2[:, h:2 * h]
        vso_ref[0] = t2[:, :h] * ind
        vso_ref[1] = t2[:, 2 * h:] * ind
        col0 = jax.lax.broadcasted_iota(jnp.int32, (tt, h), 1) == 0
        i16_ref[...] = jnp.where(col0, ind, 0.0)

    return pl.pallas_call(
        body,
        grid=grid,
        in_specs=[
            pl.BlockSpec((tt, d), lambda i: (i, 0)),
            pl.BlockSpec((tt, d), lambda i: (i, 0)),
            pl.BlockSpec((tt, d), lambda i: (i, 0)),
            pl.BlockSpec((tt, 1), lambda i: (i, 0)),
            pl.BlockSpec((d, h), lambda i: (0, 0)),
            pl.BlockSpec((1, h), lambda i: (0, 0)),
            pl.BlockSpec((h, h2p), lambda i: (0, 0)),
            pl.BlockSpec((1, h2p), lambda i: (0, 0)),
        ],
        out_specs=[
            pl.BlockSpec((tt, h), lambda i: (i, 0)),
            pl.BlockSpec((2, tt, h), lambda i: (0, i, 0)),
            pl.BlockSpec((tt, h), lambda i: (i, 0)),
        ],
        out_shape=[
            jax.ShapeDtypeStruct((bt, h), F32),
            jax.ShapeDtypeStruct((2, bt, h), F32),
            jax.ShapeDtypeStruct((bt, h), F32),
        ],
    )(gs, go, pred_flat, indf, w1a_p, b1a, w1b, b1b)


def _chunks(total, step):
    out = []
    off = 0
    while off < total:
        out.append((off, min(step, total - off)))
        off += step
    return out


def _sc_scatter(vso, i16, soidx, z128, io32, n_obj, t_per_b):
    bt2, h = vso.shape
    bt = bt2 // 2
    per_w = t_per_b // NS
    n_full = per_w // CHUNK
    tail = per_w - n_full * CHUNK
    osl = (n_obj // NS) // 8 * 8
    ow = n_obj - (NS - 1) * osl
    ow = (ow + CHUNK - 1) // CHUNK * CHUNK
    assert (NS - 1) * osl + ow >= n_obj and ow <= n_obj

    mesh = plsc.VectorSubcoreMesh(core_axis_name="c", subcore_axis_name="s")

    @functools.partial(
        pl.kernel,
        out_type=[
            jax.ShapeDtypeStruct((NC * n_obj, h), F32),
            jax.ShapeDtypeStruct((NC * n_obj, h), F32),
        ],
        mesh=mesh,
        scratch_types=[
            pltpu.VMEM_SHARED((n_obj, h), F32),
            pltpu.VMEM((CHUNK,), jnp.int32),
            pltpu.VMEM((CHUNK, h), F32),
        ],
    )
    def scatter_kernel(vso_hbm, i16_hbm, soidx_hbm, z128_hbm,
                       io32_hbm, pooled_hbm, counts_hbm,
                       acc_sh, idx_v, val_v):
        c = lax.axis_index("c")
        s = lax.axis_index("s")
        sbase = pl.multiple_of(
            jnp.minimum(s * osl, n_obj - ow).astype(jnp.int32), 8)
        w_base = c * t_per_b + s * per_w

        def zero_acc():
            pltpu.sync_copy(z128_hbm, val_v)
            for off, ln in _chunks(ow, CHUNK):
                pltpu.sync_copy(io32_hbm.at[pl.ds(sbase + off, ln)], idx_v)
                pltpu.sync_copy(val_v, acc_sh.at[idx_v])

        def scatter_pass(src_hbm, use_side_offset):
            for side in range(2):
                sv = side * bt
                vv = sv if use_side_offset else 0

                def step(i, carry):
                    base = pl.multiple_of(w_base + i * CHUNK, 8)
                    pltpu.sync_copy(soidx_hbm.at[pl.ds(sv + base, CHUNK)],
                                    idx_v)
                    pltpu.sync_copy(src_hbm.at[pl.ds(vv + base, CHUNK)],
                                    val_v)
                    pltpu.sync_copy(val_v, acc_sh.at[idx_v], add=True)
                    return carry

                lax.fori_loop(0, n_full, step, 0)
                if tail:
                    base = pl.multiple_of(w_base + n_full * CHUNK, 8)
                    pltpu.sync_copy(soidx_hbm.at[pl.ds(sv + base, tail)],
                                    idx_v.at[pl.ds(0, tail)])
                    pltpu.sync_copy(src_hbm.at[pl.ds(vv + base, tail)],
                                    val_v.at[pl.ds(0, tail)])
                    pltpu.sync_copy(z128_hbm.at[pl.ds(0, CHUNK - tail)],
                                    val_v.at[pl.ds(tail, CHUNK - tail)])
                    pltpu.sync_copy(val_v, acc_sh.at[idx_v], add=True)

        def drain(out_hbm):
            for off, ln in _chunks(ow, CHUNK):
                pltpu.sync_copy(io32_hbm.at[pl.ds(sbase + off, ln)], idx_v)
                pltpu.sync_copy(acc_sh.at[idx_v], val_v)
                pltpu.sync_copy(
                    val_v.at[pl.ds(0, ln)],
                    out_hbm.at[pl.ds(c * n_obj + sbase + off, ln)])

        zero_acc()
        plsc.subcore_barrier()
        scatter_pass(vso_hbm, use_side_offset=True)
        plsc.subcore_barrier()
        drain(pooled_hbm)
        plsc.subcore_barrier()
        zero_acc()
        plsc.subcore_barrier()
        scatter_pass(i16_hbm, use_side_offset=False)
        plsc.subcore_barrier()
        drain(counts_hbm)

    return scatter_kernel(vso, i16, soidx, z128, io32)


def _obj_mlp(pooled, counts, w2a, b2a, w2b, b2b):
    n, h = pooled.shape
    dout = w2b.shape[1]
    to = 2000
    grid = (n // to,)

    def body(p_ref, c_ref, wa_ref, ba_ref, wb_ref, bb_ref, out_ref):
        cnt = c_ref[...][:, 0:1]
        denom = jnp.where(cnt > 0.0, cnt, 1.0)
        x = p_ref[...] / denom
        hh = jnp.dot(x, wa_ref[...], preferred_element_type=F32) + ba_ref[...]
        hh = jnp.maximum(hh, 0.0)
        y = jnp.dot(hh, wb_ref[...], preferred_element_type=F32) + bb_ref[...]
        out_ref[...] = jnp.maximum(y, 0.0)

    return pl.pallas_call(
        body,
        grid=grid,
        in_specs=[
            pl.BlockSpec((to, h), lambda i: (i, 0)),
            pl.BlockSpec((to, 16), lambda i: (i, 0)),
            pl.BlockSpec((h, h), lambda i: (0, 0)),
            pl.BlockSpec((1, h), lambda i: (0, 0)),
            pl.BlockSpec((h, dout), lambda i: (0, 0)),
            pl.BlockSpec((1, dout), lambda i: (0, 0)),
        ],
        out_specs=pl.BlockSpec((to, dout), lambda i: (i, 0)),
        out_shape=jax.ShapeDtypeStruct((n, dout), F32),
    )(pooled, counts, w2a, b2a, w2b, b2b)


def kernel(obj_vecs, pred_vecs, edges, pred_indicators,
           W1a, b1a, W1b, b1b, W2a, b2a, W2b, b2b):
    b, o, d = obj_vecs.shape
    t = pred_vecs.shape[1]
    h = W1b.shape[0]

    s_idx = edges[:, :, 0]
    o_idx = edges[:, :, 1]
    boff = (jnp.arange(b, dtype=jnp.int32) * o)[:, None]
    sidx_g = (s_idx + boff).reshape(-1)
    oidx_g = (o_idx + boff).reshape(-1)
    sidx = s_idx.reshape(-1)
    oidx = o_idx.reshape(-1)
    indf = pred_indicators.astype(F32).reshape(-1, 1)

    obj_flat = obj_vecs.reshape(b * o, d)
    pred_flat = pred_vecs.reshape(b * t, d)
    w1a_s = W1a[:d]
    w1a_p = W1a[d:2 * d]
    w1a_o = W1a[2 * d:]
    z128 = jnp.zeros((CHUNK, h), F32)
    soidx = jnp.concatenate([sidx, oidx])

    us, uo = _project_tables(obj_flat, w1a_s, w1a_o)
    gs, go = _sc_gather(us, uo, sidx_g, oidx_g)
    new_p, vso, i16 = _edge_mlp(gs, go, pred_flat, indf, w1a_p,
                                b1a.reshape(1, -1), W1b, b1b.reshape(1, -1))
    io32 = jnp.arange(o, dtype=jnp.int32)
    pooled, counts128 = _sc_scatter(vso.reshape(2 * b * t, h), i16, soidx,
                                    z128, io32, o, t)
    counts = counts128[:, :16]
    new_obj = _obj_mlp(pooled, counts, W2a, b2a.reshape(1, -1),
                       W2b, b2b.reshape(1, -1))
    return new_obj.reshape(b, o, -1), new_p.reshape(b, t, -1)

# --- scband reference (transcript-rebuilt; emitter-appended) ---
"""Pipeline reference for scband-graph-triple-conv-38070590112331 (READ-ONLY COPY).

The authoritative reference and input builder live on the scoring server;
editing this copy changes nothing except your own understanding.
"""

import jax, jax.numpy as jnp
import numpy as np

B, O, T, D = 2, 10000, 160000, 128
H = 128   # hidden_dim
P = 128   # predicate_output_dim
DOUT = 128  # object_output_dim


def _kaiming(key, shape):
    fan_in = shape[0]
    return (jax.random.normal(key, shape, dtype=jnp.float32) * np.sqrt(2.0 / fan_in)).astype(jnp.float32)


def setup_inputs(seed: int = 0) -> dict:
    key = jax.random.key(seed)
    ks = jax.random.split(key, 10)
    obj_vecs = jax.random.normal(ks[0], (B, O, D), dtype=jnp.float32)
    pred_vecs = jax.random.normal(ks[1], (B, T, D), dtype=jnp.float32)
    edges = jax.random.randint(ks[2], (B, T, 2), 0, O, dtype=jnp.int32)
    pred_indicators = jax.random.randint(ks[3], (B, T), 0, 2, dtype=jnp.int32) > 0
    # net1: [2*D + D, H, 2*H + P]
    W1a = _kaiming(ks[4], (3 * D, H)); b1a = jnp.zeros((H,), jnp.float32)
    W1b = _kaiming(ks[5], (H, 2 * H + P)); b1b = jnp.zeros((2 * H + P,), jnp.float32)
    # net2: [H, H, DOUT]
    W2a = _kaiming(ks[6], (H, H)); b2a = jnp.zeros((H,), jnp.float32)
    W2b = _kaiming(ks[7], (H, DOUT)); b2b = jnp.zeros((DOUT,), jnp.float32)
    return {"obj_vecs": obj_vecs, "pred_vecs": pred_vecs, "edges": edges,
            "pred_indicators": pred_indicators,
            "W1a": W1a, "b1a": b1a, "W1b": W1b, "b1b": b1b,
            "W2a": W2a, "b2a": b2a, "W2b": W2b, "b2b": b2b}


def reference(obj_vecs, pred_vecs, edges, pred_indicators,
              W1a, b1a, W1b, b1b, W2a, b2a, W2b, b2b):
    bb = jnp.arange(B)[:, None]                      # (B, 1)
    s_idx = edges[:, :, 0]                           # (B, T)
    o_idx = edges[:, :, 1]                           # (B, T)
    cur_s = obj_vecs[bb, s_idx]                      # (B, T, D) gather
    cur_o = obj_vecs[bb, o_idx]                      # (B, T, D) gather
    cur_t = jnp.concatenate([cur_s, pred_vecs, cur_o], axis=-1)  # (B, T, 3D)
    h = jax.nn.relu(cur_t @ W1a + b1a)
    new_t = jax.nn.relu(h @ W1b + b1b)               # (B, T, 2H+P)
    new_s = new_t[..., :H]
    new_p = new_t[..., H:H + P]
    new_o = new_t[..., H + P:]
    # boolean-select + scatter_add == multiply-by-indicator + scatter_add
    ind = pred_indicators.astype(jnp.float32)        # (B, T)
    bb_full = jnp.broadcast_to(bb, (B, T))
    pooled = jnp.zeros((B, O, H), jnp.float32)
    pooled = pooled.at[bb_full, s_idx].add(new_s * ind[..., None])
    pooled = pooled.at[bb_full, o_idx].add(new_o * ind[..., None])
    counts = jnp.zeros((B, O), jnp.float32)
    counts = counts.at[bb_full, s_idx].add(ind)
    counts = counts.at[bb_full, o_idx].add(ind)
    denom = jnp.where(counts > 0, counts, 1.0)       # avg pooling only where count>0
    pooled = pooled / denom[..., None]
    new_obj = jax.nn.relu(jax.nn.relu(pooled @ W2a + b2a) @ W2b + b2b)
    return (new_obj, new_p)

if __name__ == "__main__":
    import jax
    _d = setup_inputs()
    print(jax.jit(kernel)(*tuple(_d.values())))

</pallas_src>

<mosaic_0001>
#map = affine_map<(d0, d1) -> (0, 0)>
#map1 = affine_map<(d0, d1) -> (0)>
module attributes {stable_mosaic.version = 14 : i64} {
  func.func @scatter_kernel(%arg0: i32, %arg1: i32, %arg2: memref<640000x128xf32, #tpu.memory_space<hbm>>, %arg3: memref<320000x128xf32, #tpu.memory_space<hbm>>, %arg4: memref<640000xi32, #tpu.memory_space<hbm>>, %arg5: memref<128x128xf32, #tpu.memory_space<hbm>>, %arg6: memref<10000xi32, #tpu.memory_space<hbm>>, %arg7: memref<20000x128xf32, #tpu.memory_space<hbm>>, %arg8: memref<20000x128xf32, #tpu.memory_space<hbm>>, %arg9: memref<10000x128xf32, #tpu.memory_space<vmem_shared>>, %arg10: memref<128xi32, #tpu.memory_space<vmem>>, %arg11: memref<128x128xf32, #tpu.memory_space<vmem>>) attributes {dimension_semantics = [#tpu.dimension_semantics<core_parallel>, #tpu.dimension_semantics<subcore_parallel>], iteration_bounds = array<i64: 2, 16>, scalar_prefetch = 0 : i64, scratch_operands = 3 : i64, tpu.core_type = #tpu.core_type<sc_vector_subcore>, window_params = [{transform_indices = #map}, {transform_indices = #map}, {transform_indices = #map1}, {transform_indices = #map}, {transform_indices = #map1}, {transform_indices = #map}, {transform_indices = #map}]} {
    %mul3A = arith.constant 624 : i32
    %mul3A_0 = arith.muli %arg1, %mul3A : i32
    %min3A = arith.constant 9360 : i32
    %min3A_1 = arith.minsi %mul3A_0, %min3A : i32
    %multiple_of3A = tpu.assume_multiple %min3A_1, 8 : i32
    %mul3A_2 = arith.constant 160000 : i32
    %mul3A_3 = arith.muli %arg0, %mul3A_2 : i32
    %mul3A_4 = arith.constant 10000 : i32
    %mul3A_5 = arith.muli %arg1, %mul3A_4 : i32
    %add3A = arith.addi %mul3A_3, %mul3A_5 : i32
    "tpu.region"() ({
      %run_scoped3A = tpu.sem_alloc : memref<!tpu.dma_semaphore, #tpu.memory_space<semaphore_mem>>
      tpu.enqueue_dma source(%arg5 : memref<128x128xf32, #tpu.memory_space<hbm>>) target(%arg11 : memref<128x128xf32, #tpu.memory_space<vmem>>) target_semaphore(%run_scoped3A : memref<!tpu.dma_semaphore, #tpu.memory_space<semaphore_mem>>)
      tpu.wait_dma2 semaphore(%run_scoped3A : memref<!tpu.dma_semaphore, #tpu.memory_space<semaphore_mem>>) src(%arg5 : memref<128x128xf32, #tpu.memory_space<hbm>>) dst(%arg11 : memref<128x128xf32, #tpu.memory_space<vmem>>)
      tpu.yield
    }) : () -> ()
    %add3A_6 = arith.constant 0 : i32
    %add3A_7 = arith.addi %multiple_of3A, %add3A_6 : i32
    "tpu.region"() ({
      %run_scoped3A = tpu.sem_alloc : memref<!tpu.dma_semaphore, #tpu.memory_space<semaphore_mem>>
      %dma_start3A = tpu.memref_slice %arg6[%add3A_7] : memref<10000xi32, #tpu.memory_space<hbm>> -> memref<128xi32, #tpu.memory_space<hbm>>
      %dma_start3A_151 = tpu.memref_slice %arg6[%add3A_7] : memref<10000xi32, #tpu.memory_space<hbm>> -> memref<128xi32, #tpu.memory_space<hbm>>
      tpu.enqueue_dma source(%dma_start3A_151 : memref<128xi32, #tpu.memory_space<hbm>>) target(%arg10 : memref<128xi32, #tpu.memory_space<vmem>>) target_semaphore(%run_scoped3A : memref<!tpu.dma_semaphore, #tpu.memory_space<semaphore_mem>>)
      %dma_wait3A = tpu.memref_slice %arg6[%add3A_7] : memref<10000xi32, #tpu.memory_space<hbm>> -> memref<128xi32, #tpu.memory_space<hbm>>
      %dma_wait3A_152 = tpu.memref_slice %arg6[%add3A_7] : memref<10000xi32, #tpu.memory_space<hbm>> -> memref<128xi32, #tpu.memory_space<hbm>>
      tpu.wait_dma2 semaphore(%run_scoped3A : memref<!tpu.dma_semaphore, #tpu.memory_space<semaphore_mem>>) src(%dma_wait3A_152 : memref<128xi32, #tpu.memory_space<hbm>>) dst(%arg10 : memref<128xi32, #tpu.memory_space<vmem>>)
      tpu.yield
    }) : () -> ()
    "tpu.region"() ({
      %run_scoped3A = tpu.sem_alloc : memref<!tpu.dma_semaphore, #tpu.memory_space<semaphore_mem>>
      %dma_start3A = arith.constant 0 : i32
      %dma_start3A_151 = arith.constant 0 : i32
      %dma_start3A_152 = tpu.memref_slice %arg9[%dma_start3A, %dma_start3A_151] : memref<10000x128xf32, #tpu.memory_space<vmem_shared>> -> memref<10000x128xf32, #tpu.memory_space<vmem_shared>>
      tpu.enqueue_indirect_dma source(%arg11 : memref<128x128xf32, #tpu.memory_space<vmem>>) target(%dma_start3A_152 : memref<10000x128xf32, #tpu.memory_space<vmem_shared>>) offsets(%arg10 : memref<128xi32, #tpu.memory_space<vmem>>) semaphore(%run_scoped3A : memref<!tpu.dma_semaphore, #tpu.memory_space<semaphore_mem>>)
      %dma_wait3A = arith.constant 0 : i32
      %dma_wait3A_153 = arith.constant 0 : i32
      %dma_wait3A_154 = tpu.memref_slice %arg9[%dma_wait3A, %dma_wait3A_153] : memref<10000x128xf32, #tpu.memory_space<vmem_shared>> -> memref<10000x128xf32, #tpu.memory_space<vmem_shared>>
      tpu.wait_indirect_dma semaphore(%run_scoped3A : memref<!tpu.dma_semaphore, #tpu.memory_space<semaphore_mem>>) src(%arg11 : memref<128x128xf32, #tpu.memory_space<vmem>>) dst(%dma_wait3A_154 : memref<10000x128xf32, #tpu.memory_space<vmem_shared>>)
      tpu.yield
    }) : () -> ()
    %add3A_8 = arith.constant 128 : i32
    %add3A_9 = arith.addi %multiple_of3A, %add3A_8 : i32
    "tpu.region"() ({
      %run_scoped3A = tpu.sem_alloc : memref<!tpu.dma_semaphore, #tpu.memory_space<semaphore_mem>>
      %dma_start3A = tpu.memref_slice %arg6[%add3A_9] : memref<10000xi32, #tpu.memory_space<hbm>> -> memref<128xi32, #tpu.memory_space<hbm>>
      %dma_start3A_151 = tpu.memref_slice %arg6[%add3A_9] : memref<10000xi32, #tpu.memory_space<hbm>> -> memref<128xi32, #tpu.memory_space<hbm>>
      tpu.enqueue_dma source(%dma_start3A_151 : memref<128xi32, #tpu.memory_space<hbm>>) target(%arg10 : memref<128xi32, #tpu.memory_space<vmem>>) target_semaphore(%run_scoped3A : memref<!tpu.dma_semaphore, #tpu.memory_space<semaphore_mem>>)
      %dma_wait3A = tpu.memref_slice %arg6[%add3A_9] : memref<10000xi32, #tpu.memory_space<hbm>> -> memref<128xi32, #tpu.memory_space<hbm>>
      %dma_wait3A_152 = tpu.memref_slice %arg6[%add3A_9] : memref<10000xi32, #tpu.memory_space<hbm>> -> memref<128xi32, #tpu.memory_space<hbm>>
      tpu.wait_dma2 semaphore(%run_scoped3A : memref<!tpu.dma_semaphore, #tpu.memory_space<semaphore_mem>>) src(%dma_wait3A_152 : memref<128xi32, #tpu.memory_space<hbm>>) dst(%arg10 : memref<128xi32, #tpu.memory_space<vmem>>)
      tpu.yield
    }) : () -> ()
    "tpu.region"() ({
      %run_scoped3A = tpu.sem_alloc : memref<!tpu.dma_semaphore, #tpu.memory_space<semaphore_mem>>
      %dma_start3A = arith.constant 0 : i32
      %dma_start3A_151 = arith.constant 0 : i32
      %dma_start3A_152 = tpu.memref_slice %arg9[%dma_start3A, %dma_start3A_151] : memref<10000x128xf32, #tpu.memory_space<vmem_shared>> -> memref<10000x128xf32, #tpu.memory_space<vmem_shared>>
      tpu.enqueue_indirect_dma source(%arg11 : memref<128x128xf32, #tpu.memory_space<vmem>>) target(%dma_start3A_152 : memref<10000x128xf32, #tpu.memory_space<vmem_shared>>) offsets(%arg10 : memref<128xi32, #tpu.memory_space<vmem>>) semaphore(%run_scoped3A : memref<!tpu.dma_semaphore, #tpu.memory_space<semaphore_mem>>)
      %dma_wait3A = arith.constant 0 : i32
      %dma_wait3A_153 = arith.constant 0 : i32
      %dma_wait3A_154 = tpu.memref_slice %arg9[%dma_wait3A, %dma_wait3A_153] : memref<10000x128xf32, #tpu.memory_space<vmem_shared>> -> memref<10000x128xf32, #tpu.memory_space<vmem_shared>>
      tpu.wait_indirect_dma semaphore(%run_scoped3A : memref<!tpu.dma_semaphore, #tpu.memory_space<semaphore_mem>>) src(%arg11 : memref<128x128xf32, #tpu.memory_space<vmem>>) dst(%dma_wait3A_154 : memref<10000x128xf32, #tpu.memory_space<vmem_shared>>)
      tpu.yield
    }) : () -> ()
    %add3A_10 = arith.constant 256 : i32
    %add3A_11 = arith.addi %multiple_of3A, %add3A_10 : i32
    "tpu.region"() ({
      %run_scoped3A = tpu.sem_alloc : memref<!tpu.dma_semaphore, #tpu.memory_space<semaphore_mem>>
      %dma_start3A = tpu.memref_slice %arg6[%add3A_11] : memref<10000xi32, #tpu.memory_space<hbm>> -> memref<128xi32, #tpu.memory_space<hbm>>
      %dma_start3A_151 = tpu.memref_slice %arg6[%add3A_11] : memref<10000xi32, #tpu.memory_space<hbm>> -> memref<128xi32, #tpu.memory_space<hbm>>
      tpu.enqueue_dma source(%dma_start3A_151 : memref<128xi32, #tpu.memory_space<hbm>>) target(%arg10 : memref<128xi32, #tpu.memory_space<vmem>>) target_semaphore(%run_scoped3A : memref<!tpu.dma_semaphore, #tpu.memory_space<semaphore_mem>>)
      %dma_wait3A = tpu.memref_slice %arg6[%add3A_11] : memref<10000xi32, #tpu.memory_space<hbm>> -> memref<128xi32, #tpu.memory_space<hbm>>
      %dma_wait3A_152 = tpu.memref_slice %arg6[%add3A_11] : memref<10000xi32, #tpu.memory_space<hbm>> -> memref<128xi32, #tpu.memory_space<hbm>>
      tpu.wait_dma2 semaphore(%run_scoped3A : memref<!tpu.dma_semaphore, #tpu.memory_space<semaphore_mem>>) src(%dma_wait3A_152 : memref<128xi32, #tpu.memory_space<hbm>>) dst(%arg10 : memref<128xi32, #tpu.memory_space<vmem>>)
      tpu.yield
    }) : () -> ()
    "tpu.region"() ({
      %run_scoped3A = tpu.sem_alloc : memref<!tpu.dma_semaphore, #tpu.memory_space<semaphore_mem>>
      %dma_start3A = arith.constant 0 : i32
      %dma_start3A_151 = arith.constant 0 : i32
      %dma_start3A_152 = tpu.memref_slice %arg9[%dma_start3A, %dma_start3A_151] : memref<10000x128xf32, #tpu.memory_space<vmem_shared>> -> memref<10000x128xf32, #tpu.memory_space<vmem_shared>>
      tpu.enqueue_indirect_dma source(%arg11 : memref<128x128xf32, #tpu.memory_space<vmem>>) target(%dma_start3A_152 : memref<10000x128xf32, #tpu.memory_space<vmem_shared>>) offsets(%arg10 : memref<128xi32, #tpu.memory_space<vmem>>) semaphore(%run_scoped3A : memref<!tpu.dma_semaphore, #tpu.memory_space<semaphore_mem>>)
      %dma_wait3A = arith.constant 0 : i32
      %dma_wait3A_153 = arith.constant 0 : i32
      %dma_wait3A_154 = tpu.memref_slice %arg9[%dma_wait3A, %dma_wait3A_153] : memref<10000x128xf32, #tpu.memory_space<vmem_shared>> -> memref<10000x128xf32, #tpu.memory_space<vmem_shared>>
      tpu.wait_indirect_dma semaphore(%run_scoped3A : memref<!tpu.dma_semaphore, #tpu.memory_space<semaphore_mem>>) src(%arg11 : memref<128x128xf32, #tpu.memory_space<vmem>>) dst(%dma_wait3A_154 : memref<10000x128xf32, #tpu.memory_space<vmem_shared>>)
      tpu.yield
    }) : () -> ()
    %add3A_12 = arith.constant 384 : i32
    %add3A_13 = arith.addi %multiple_of3A, %add3A_12 : i32
    "tpu.region"() ({
      %run_scoped3A = tpu.sem_alloc : memref<!tpu.dma_semaphore, #tpu.memory_space<semaphore_mem>>
      %dma_start3A = tpu.memref_slice %arg6[%add3A_13] : memref<10000xi32, #tpu.memory_space<hbm>> -> memref<128xi32, #tpu.memory_space<hbm>>
      %dma_start3A_151 = tpu.memref_slice %arg6[%add3A_13] : memref<10000xi32, #tpu.memory_space<hbm>> -> memref<128xi32, #tpu.memory_space<hbm>>
      tpu.enqueue_dma source(%dma_start3A_151 : memref<128xi32, #tpu.memory_space<hbm>>) target(%arg10 : memref<128xi32, #tpu.memory_space<vmem>>) target_semaphore(%run_scoped3A : memref<!tpu.dma_semaphore, #tpu.memory_space<semaphore_mem>>)
      %dma_wait3A = tpu.memref_slice %arg6[%add3A_13] : memref<10000xi32, #tpu.memory_space<hbm>> -> memref<128xi32, #tpu.memory_space<hbm>>
      %dma_wait3A_152 = tpu.memref_slice %arg6[%add3A_13] : memref<10000xi32, #tpu.memory_space<hbm>> -> memref<128xi32, #tpu.memory_space<hbm>>
      tpu.wait_dma2 semaphore(%run_scoped3A : memref<!tpu.dma_semaphore, #tpu.memory_space<semaphore_mem>>) src(%dma_wait3A_152 : memref<128xi32, #tpu.memory_space<hbm>>) dst(%arg10 : memref<128xi32, #tpu.memory_space<vmem>>)
      tpu.yield
    }) : () -> ()
    "tpu.region"() ({
      %run_scoped3A = tpu.sem_alloc : memref<!tpu.dma_semaphore, #tpu.memory_space<semaphore_mem>>
      %dma_start3A = arith.constant 0 : i32
      %dma_start3A_151 = arith.constant 0 : i32
      %dma_start3A_152 = tpu.memref_slice %arg9[%dma_start3A, %dma_start3A_151] : memref<10000x128xf32, #tpu.memory_space<vmem_shared>> -> memref<10000x128xf32, #tpu.memory_space<vmem_shared>>
      tpu.enqueue_indirect_dma source(%arg11 : memref<128x128xf32, #tpu.memory_space<vmem>>) target(%dma_start3A_152 : memref<10000x128xf32, #tpu.memory_space<vmem_shared>>) offsets(%arg10 : memref<128xi32, #tpu.memory_space<vmem>>) semaphore(%run_scoped3A : memref<!tpu.dma_semaphore, #tpu.memory_space<semaphore_mem>>)
      %dma_wait3A = arith.constant 0 : i32
      %dma_wait3A_153 = arith.constant 0 : i32
      %dma_wait3A_154 = tpu.memref_slice %arg9[%dma_wait3A, %dma_wait3A_153] : memref<10000x128xf32, #tpu.memory_space<vmem_shared>> -> memref<10000x128xf32, #tpu.memory_space<vmem_shared>>
      tpu.wait_indirect_dma semaphore(%run_scoped3A : memref<!tpu.dma_semaphore, #tpu.memory_space<semaphore_mem>>) src(%arg11 : memref<128x128xf32, #tpu.memory_space<vmem>>) dst(%dma_wait3A_154 : memref<10000x128xf32, #tpu.memory_space<vmem_shared>>)
      tpu.yield
    }) : () -> ()
    %add3A_14 = arith.constant 512 : i32
    %add3A_15 = arith.addi %multiple_of3A, %add3A_14 : i32
    "tpu.region"() ({
      %run_scoped3A = tpu.sem_alloc : memref<!tpu.dma_semaphore, #tpu.memory_space<semaphore_mem>>
      %dma_start3A = tpu.memref_slice %arg6[%add3A_15] : memref<10000xi32, #tpu.memory_space<hbm>> -> memref<128xi32, #tpu.memory_space<hbm>>
      %dma_start3A_151 = tpu.memref_slice %arg6[%add3A_15] : memref<10000xi32, #tpu.memory_space<hbm>> -> memref<128xi32, #tpu.memory_space<hbm>>
      tpu.enqueue_dma source(%dma_start3A_151 : memref<128xi32, #tpu.memory_space<hbm>>) target(%arg10 : memref<128xi32, #tpu.memory_space<vmem>>) target_semaphore(%run_scoped3A : memref<!tpu.dma_semaphore, #tpu.memory_space<semaphore_mem>>)
      %dma_wait3A = tpu.memref_slice %arg6[%add3A_15] : memref<10000xi32, #tpu.memory_space<hbm>> -> memref<128xi32, #tpu.memory_space<hbm>>
      %dma_wait3A_152 = tpu.memref_slice %arg6[%add3A_15] : memref<10000xi32, #tpu.memory_space<hbm>> -> memref<128xi32, #tpu.memory_space<hbm>>
      tpu.wait_dma2 semaphore(%run_scoped3A : memref<!tpu.dma_semaphore, #tpu.memory_space<semaphore_mem>>) src(%dma_wait3A_152 : memref<128xi32, #tpu.memory_space<hbm>>) dst(%arg10 : memref<128xi32, #tpu.memory_space<vmem>>)
      tpu.yield
    }) : () -> ()
    "tpu.region"() ({
      %run_scoped3A = tpu.sem_alloc : memref<!tpu.dma_semaphore, #tpu.memory_space<semaphore_mem>>
      %dma_start3A = arith.constant 0 : i32
      %dma_start3A_151 = arith.constant 0 : i32
      %dma_start3A_152 = tpu.memref_slice %arg9[%dma_start3A, %dma_start3A_151] : memref<10000x128xf32, #tpu.memory_space<vmem_shared>> -> memref<10000x128xf32, #tpu.memory_space<vmem_shared>>
      tpu.enqueue_indirect_dma source(%arg11 : memref<128x128xf32, #tpu.memory_space<vmem>>) target(%dma_start3A_152 : memref<10000x128xf32, #tpu.memory_space<vmem_shared>>) offsets(%arg10 : memref<128xi32, #tpu.memory_space<vmem>>) semaphore(%run_scoped3A : memref<!tpu.dma_semaphore, #tpu.memory_space<semaphore_mem>>)
      %dma_wait3A = arith.constant 0 : i32
      %dma_wait3A_153 = arith.constant 0 : i32
      %dma_wait3A_154 = tpu.memref_slice %arg9[%dma_wait3A, %dma_wait3A_153] : memref<10000x128xf32, #tpu.memory_space<vmem_shared>> -> memref<10000x128xf32, #tpu.memory_space<vmem_shared>>
      tpu.wait_indirect_dma semaphore(%run_scoped3A : memref<!tpu.dma_semaphore, #tpu.memory_space<semaphore_mem>>) src(%arg11 : memref<128x128xf32, #tpu.memory_space<vmem>>) dst(%dma_wait3A_154 : memref<10000x128xf32, #tpu.memory_space<vmem_shared>>)
      tpu.yield
    }) : () -> ()
    %barrier3A = arith.constant 0 : index
    tpu.barrier barrier_id(%barrier3A)
    %scan3A = arith.constant 0 : i32
    %scan3A_16 = arith.constant 0 : i32
    %scan3A_17 = arith.constant 78 : i32
    %scan3A_18 = arith.addi %scan3A_16, %scan3A_17 : i32
    %scan3A_19 = arith.constant 1 : i32
    scf.for %scan3A_151 = %scan3A_16 to %scan3A_18 step %scan3A_19  : i32 {
      %mul3A_152 = arith.constant 128 : i32
      %mul3A_153 = arith.muli %scan3A_151, %mul3A_152 : i32
      %add3A_154 = arith.addi %add3A, %mul3A_153 : i32
      %multiple_of3A_155 = tpu.assume_multiple %add3A_154, 8 : i32
      %add3A_156 = arith.constant 0 : i32
      %add3A_157 = arith.addi %add3A_156, %multiple_of3A_155 : i32
      "tpu.region"() ({
        %run_scoped3A = tpu.sem_alloc : memref<!tpu.dma_semaphore, #tpu.memory_space<semaphore_mem>>
        %dma_start3A = tpu.memref_slice %arg4[%add3A_157] : memref<640000xi32, #tpu.memory_space<hbm>> -> memref<128xi32, #tpu.memory_space<hbm>>
        %dma_start3A_160 = tpu.memref_slice %arg4[%add3A_157] : memref<640000xi32, #tpu.memory_space<hbm>> -> memref<128xi32, #tpu.memory_space<hbm>>
        tpu.enqueue_dma source(%dma_start3A_160 : memref<128xi32, #tpu.memory_space<hbm>>) target(%arg10 : memref<128xi32, #tpu.memory_space<vmem>>) target_semaphore(%run_scoped3A : memref<!tpu.dma_semaphore, #tpu.memory_space<semaphore_mem>>)
        %dma_wait3A = tpu.memref_slice %arg4[%add3A_157] : memref<640000xi32, #tpu.memory_space<hbm>> -> memref<128xi32, #tpu.memory_space<hbm>>
        %dma_wait3A_161 = tpu.memref_slice %arg4[%add3A_157] : memref<640000xi32, #tpu.memory_space<hbm>> -> memref<128xi32, #tpu.memory_space<hbm>>
        tpu.wait_dma2 semaphore(%run_scoped3A : memref<!tpu.dma_semaphore, #tpu.memory_space<semaphore_mem>>) src(%dma_wait3A_161 : memref<128xi32, #tpu.memory_space<hbm>>) dst(%arg10 : memref<128xi32, #tpu.memory_space<vmem>>)
        tpu.yield
      }) : () -> ()
      %add3A_158 = arith.constant 0 : i32
      %add3A_159 = arith.addi %add3A_158, %multiple_of3A_155 : i32
      "tpu.region"() ({
        %run_scoped3A = tpu.sem_alloc : memref<!tpu.dma_semaphore, #tpu.memory_space<semaphore_mem>>
        %dma_start3A = arith.constant 0 : i32
        %dma_start3A_160 = tpu.memref_slice %arg2[%add3A_159, %dma_start3A] : memref<640000x128xf32, #tpu.memory_space<hbm>> -> memref<128x128xf32, #tpu.memory_space<hbm>>
        %dma_start3A_161 = arith.constant 0 : i32
        %dma_start3A_162 = tpu.memref_slice %arg2[%add3A_159, %dma_start3A_161] : memref<640000x128xf32, #tpu.memory_space<hbm>> -> memref<128x128xf32, #tpu.memory_space<hbm>>
        tpu.enqueue_dma source(%dma_start3A_162 : memref<128x128xf32, #tpu.memory_space<hbm>>) target(%arg11 : memref<128x128xf32, #tpu.memory_space<vmem>>) target_semaphore(%run_scoped3A : memref<!tpu.dma_semaphore, #tpu.memory_space<semaphore_mem>>)
        %dma_wait3A = arith.constant 0 : i32
        %dma_wait3A_163 = tpu.memref_slice %arg2[%add3A_159, %dma_wait3A] : memref<640000x128xf32, #tpu.memory_space<hbm>> -> memref<128x128xf32, #tpu.memory_space<hbm>>
        %dma_wait3A_164 = arith.constant 0 : i32
        %dma_wait3A_165 = tpu.memref_slice %arg2[%add3A_159, %dma_wait3A_164] : memref<640000x128xf32, #tpu.memory_space<hbm>> -> memref<128x128xf32, #tpu.memory_space<hbm>>
        tpu.wait_dma2 semaphore(%run_scoped3A : memref<!tpu.dma_semaphore, #tpu.memory_space<semaphore_mem>>) src(%dma_wait3A_165 : memref<128x128xf32, #tpu.memory_space<hbm>>) dst(%arg11 : memref<128x128xf32, #tpu.memory_space<vmem>>)
        tpu.yield
      }) : () -> ()
      "tpu.region"() ({
        %run_scoped3A = tpu.sem_alloc : memref<!tpu.dma_semaphore, #tpu.memory_space<semaphore_mem>>
        %dma_start3A = arith.constant 0 : i32
        %dma_start3A_160 = arith.constant 0 : i32
        %dma_start3A_161 = tpu.memref_slice %arg9[%dma_start3A, %dma_start3A_160] : memref<10000x128xf32, #tpu.memory_space<vmem_shared>> -> memref<10000x128xf32, #tpu.memory_space<vmem_shared>>
        tpu.enqueue_indirect_dma source(%arg11 : memref<128x128xf32, #tpu.memory_space<vmem>>) target(%dma_start3A_161 : memref<10000x128xf32, #tpu.memory_space<vmem_shared>>) offsets(%arg10 : memref<128xi32, #tpu.memory_space<vmem>>) semaphore(%run_scoped3A : memref<!tpu.dma_semaphore, #tpu.memory_space<semaphore_mem>>) {add = true}
        %dma_wait3A = arith.constant 0 : i32
        %dma_wait3A_162 = arith.constant 0 : i32
        %dma_wait3A_163 = tpu.memref_slice %arg9[%dma_wait3A, %dma_wait3A_162] : memref<10000x128xf32, #tpu.memory_space<vmem_shared>> -> memref<10000x128xf32, #tpu.memory_space<vmem_shared>>
        tpu.wait_indirect_dma semaphore(%run_scoped3A : memref<!tpu.dma_semaphore, #tpu.memory_space<semaphore_mem>>) src(%arg11 : memref<128x128xf32, #tpu.memory_space<vmem>>) dst(%dma_wait3A_163 : memref<10000x128xf32, #tpu.memory_space<vmem_shared>>)
        tpu.yield
      }) : () -> ()
    }
    %scan3A_20 = arith.constant 78 : i32
    %add3A_21 = arith.constant 9984 : i32
    %add3A_22 = arith.addi %add3A, %add3A_21 : i32
    %multiple_of3A_23 = tpu.assume_multiple %add3A_22, 8 : i32
    %add3A_24 = arith.constant 0 : i32
    %add3A_25 = arith.addi %add3A_24, %multiple_of3A_23 : i32
    "tpu.region"() ({
      %run_scoped3A = tpu.sem_alloc : memref<!tpu.dma_semaphore, #tpu.memory_space<semaphore_mem>>
      %dma_start3A = arith.constant 0 : i32
      %dma_start3A_151 = tpu.memref_slice %arg10[%dma_start3A] : memref<128xi32, #tpu.memory_space<vmem>> -> memref<16xi32, #tpu.memory_space<vmem>>
      %dma_start3A_152 = tpu.memref_slice %arg4[%add3A_25] : memref<640000xi32, #tpu.memory_space<hbm>> -> memref<16xi32, #tpu.memory_space<hbm>>
      %dma_start3A_153 = arith.constant 0 : i32
      %dma_start3A_154 = tpu.memref_slice %arg10[%dma_start3A_153] : memref<128xi32, #tpu.memory_space<vmem>> -> memref<16xi32, #tpu.memory_space<vmem>>
      %dma_start3A_155 = tpu.memref_slice %arg4[%add3A_25] : memref<640000xi32, #tpu.memory_space<hbm>> -> memref<16xi32, #tpu.memory_space<hbm>>
      tpu.enqueue_dma source(%dma_start3A_155 : memref<16xi32, #tpu.memory_space<hbm>>) target(%dma_start3A_154 : memref<16xi32, #tpu.memory_space<vmem>>) target_semaphore(%run_scoped3A : memref<!tpu.dma_semaphore, #tpu.memory_space<semaphore_mem>>)
      %dma_wait3A = arith.constant 0 : i32
      %dma_wait3A_156 = tpu.memref_slice %arg10[%dma_wait3A] : memref<128xi32, #tpu.memory_space<vmem>> -> memref<16xi32, #tpu.memory_space<vmem>>
      %dma_wait3A_157 = tpu.memref_slice %arg4[%add3A_25] : memref<640000xi32, #tpu.memory_space<hbm>> -> memref<16xi32, #tpu.memory_space<hbm>>
      %dma_wait3A_158 = arith.constant 0 : i32
      %dma_wait3A_159 = tpu.memref_slice %arg10[%dma_wait3A_158] : memref<128xi32, #tpu.memory_space<vmem>> -> memref<16xi32, #tpu.memory_space<vmem>>
      %dma_wait3A_160 = tpu.memref_slice %arg4[%add3A_25] : memref<640000xi32, #tpu.memory_space<hbm>> -> memref<16xi32, #tpu.memory_space<hbm>>
      tpu.wait_dma2 semaphore(%run_scoped3A : memref<!tpu.dma_semaphore, #tpu.memory_space<semaphore_mem>>) src(%dma_wait3A_160 : memref<16xi32, #tpu.memory_space<hbm>>) dst(%dma_wait3A_159 : memref<16xi32, #tpu.memory_space<vmem>>)
      tpu.yield
    }) : () -> ()
    %add3A_26 = arith.constant 0 : i32
    %add3A_27 = arith.addi %add3A_26, %multiple_of3A_23 : i32
    "tpu.region"() ({
      %run_scoped3A = tpu.sem_alloc : memref<!tpu.dma_semaphore, #tpu.memory_space<semaphore_mem>>
      %dma_start3A = arith.constant 0 : i32
      %dma_start3A_151 = arith.constant 0 : i32
      %dma_start3A_152 = tpu.memref_slice %arg11[%dma_start3A, %dma_start3A_151] : memref<128x128xf32, #tpu.memory_space<vmem>> -> memref<16x128xf32, #tpu.memory_space<vmem>>
      %dma_start3A_153 = arith.constant 0 : i32
      %dma_start3A_154 = tpu.memref_slice %arg2[%add3A_27, %dma_start3A_153] : memref<640000x128xf32, #tpu.memory_space<hbm>> -> memref<16x128xf32, #tpu.memory_space<hbm>>
      %dma_start3A_155 = arith.constant 0 : i32
      %dma_start3A_156 = arith.constant 0 : i32
      %dma_start3A_157 = tpu.memref_slice %arg11[%dma_start3A_155, %dma_start3A_156] : memref<128x128xf32, #tpu.memory_space<vmem>> -> memref<16x128xf32, #tpu.memory_space<vmem>>
      %dma_start3A_158 = arith.constant 0 : i32
      %dma_start3A_159 = tpu.memref_slice %arg2[%add3A_27, %dma_start3A_158] : memref<640000x128xf32, #tpu.memory_space<hbm>> -> memref<16x128xf32, #tpu.memory_space<hbm>>
      tpu.enqueue_dma source(%dma_start3A_159 : memref<16x128xf32, #tpu.memory_space<hbm>>) target(%dma_start3A_157 : memref<16x128xf32, #tpu.memory_space<vmem>>) target_semaphore(%run_scoped3A : memref<!tpu.dma_semaphore, #tpu.memory_space<semaphore_mem>>)
      %dma_wait3A = arith.constant 0 : i32
      %dma_wait3A_160 = arith.constant 0 : i32
      %dma_wait3A_161 = tpu.memref_slice %arg11[%dma_wait3A, %dma_wait3A_160] : memref<128x128xf32, #tpu.memory_space<vmem>> -> memref<16x128xf32, #tpu.memory_space<vmem>>
      %dma_wait3A_162 = arith.constant 0 : i32
      %dma_wait3A_163 = tpu.memref_slice %arg2[%add3A_27, %dma_wait3A_162] : memref<640000x128xf32, #tpu.memory_space<hbm>> -> memref<16x128xf32, #tpu.memory_space<hbm>>
      %dma_wait3A_164 = arith.constant 0 : i32
      %dma_wait3A_165 = arith.constant 0 : i32
      %dma_wait3A_166 = tpu.memref_slice %arg11[%dma_wait3A_164, %dma_wait3A_165] : memref<128x128xf32, #tpu.memory_space<vmem>> -> memref<16x128xf32, #tpu.memory_space<vmem>>
      %dma_wait3A_167 = arith.constant 0 : i32
      %dma_wait3A_168 = tpu.memref_slice %arg2[%add3A_27, %dma_wait3A_167] : memref<640000x128xf32, #tpu.memory_space<hbm>> -> memref<16x128xf32, #tpu.memory_space<hbm>>
      tpu.wait_dma2 semaphore(%run_scoped3A : memref<!tpu.dma_semaphore, #tpu.memory_space<semaphore_mem>>) src(%dma_wait3A_168 : memref<16x128xf32, #tpu.memory_space<hbm>>) dst(%dma_wait3A_166 : memref<16x128xf32, #tpu.memory_space<vmem>>)
      tpu.yield
    }) : () -> ()
    "tpu.region"() ({
      %run_scoped3A = tpu.sem_alloc : memref<!tpu.dma_semaphore, #tpu.memory_space<semaphore_mem>>
      %dma_start3A = arith.constant 16 : i32
      %dma_start3A_151 = arith.constant 0 : i32
      %dma_start3A_152 = tpu.memref_slice %arg11[%dma_start3A, %dma_start3A_151] : memref<128x128xf32, #tpu.memory_space<vmem>> -> memref<112x128xf32, #tpu.memory_space<vmem>>
      %dma_start3A_153 = arith.constant 0 : i32
      %dma_start3A_154 = arith.constant 0 : i32
      %dma_start3A_155 = tpu.memref_slice %arg5[%dma_start3A_153, %dma_start3A_154] : memref<128x128xf32, #tpu.memory_space<hbm>> -> memref<112x128xf32, #tpu.memory_space<hbm>>
      %dma_start3A_156 = arith.constant 16 : i32
      %dma_start3A_157 = arith.constant 0 : i32
      %dma_start3A_158 = tpu.memref_slice %arg11[%dma_start3A_156, %dma_start3A_157] : memref<128x128xf32, #tpu.memory_space<vmem>> -> memref<112x128xf32, #tpu.memory_space<vmem>>
      %dma_start3A_159 = arith.constant 0 : i32
      %dma_start3A_160 = arith.constant 0 : i32
      %dma_start3A_161 = tpu.memref_slice %arg5[%dma_start3A_159, %dma_start3A_160] : memref<128x128xf32, #tpu.memory_space<hbm>> -> memref<112x128xf32, #tpu.memory_space<hbm>>
      tpu.enqueue_dma source(%dma_start3A_161 : memref<112x128xf32, #tpu.memory_space<hbm>>) target(%dma_start3A_158 : memref<112x128xf32, #tpu.memory_space<vmem>>) target_semaphore(%run_scoped3A : memref<!tpu.dma_semaphore, #tpu.memory_space<semaphore_mem>>)
      %dma_wait3A = arith.constant 16 : i32
      %dma_wait3A_162 = arith.constant 0 : i32
      %dma_wait3A_163 = tpu.memref_slice %arg11[%dma_wait3A, %dma_wait3A_162] : memref<128x128xf32, #tpu.memory_space<vmem>> -> memref<112x128xf32, #tpu.memory_space<vmem>>
      %dma_wait3A_164 = arith.constant 0 : i32
      %dma_wait3A_165 = arith.constant 0 : i32
      %dma_wait3A_166 = tpu.memref_slice %arg5[%dma_wait3A_164, %dma_wait3A_165] : memref<128x128xf32, #tpu.memory_space<hbm>> -> memref<112x128xf32, #tpu.memory_space<hbm>>
      %dma_wait3A_167 = arith.constant 16 : i32
      %dma_wait3A_168 = arith.constant 0 : i32
      %dma_wait3A_169 = tpu.memref_slice %arg11[%dma_wait3A_167, %dma_wait3A_168] : memref<128x128xf32, #tpu.memory_space<vmem>> -> memref<112x128xf32, #tpu.memory_space<vmem>>
      %dma_wait3A_170 = arith.constant 0 : i32
      %dma_wait3A_171 = arith.constant 0 : i32
      %dma_wait3A_172 = tpu.memref_slice %arg5[%dma_wait3A_170, %dma_wait3A_171] : memref<128x128xf32, #tpu.memory_space<hbm>> -> memref<112x128xf32, #tpu.memory_space<hbm>>
      tpu.wait_dma2 semaphore(%run_scoped3A : memref<!tpu.dma_semaphore, #tpu.memory_space<semaphore_mem>>) src(%dma_wait3A_172 : memref<112x128xf32, #tpu.memory_space<hbm>>) dst(%dma_wait3A_169 : memref<112x128xf32, #tpu.memory_space<vmem>>)
      tpu.yield
    }) : () -> ()
    "tpu.region"() ({
      %run_scoped3A = tpu.sem_alloc : memref<!tpu.dma_semaphore, #tpu.memory_space<semaphore_mem>>
      %dma_start3A = arith.constant 0 : i32
      %dma_start3A_151 = arith.constant 0 : i32
      %dma_start3A_152 = tpu.memref_slice %arg9[%dma_start3A, %dma_start3A_151] : memref<10000x128xf32, #tpu.memory_space<vmem_shared>> -> memref<10000x128xf32, #tpu.memory_space<vmem_shared>>
      tpu.enqueue_indirect_dma source(%arg11 : memref<128x128xf32, #tpu.memory_space<vmem>>) target(%dma_start3A_152 : memref<10000x128xf32, #tpu.memory_space<vmem_shared>>) offsets(%arg10 : memref<128xi32, #tpu.memory_space<vmem>>) semaphore(%run_scoped3A : memref<!tpu.dma_semaphore, #tpu.memory_space<semaphore_mem>>) {add = true}
      %dma_wait3A = arith.constant 0 : i32
      %dma_wait3A_153 = arith.constant 0 : i32
      %dma_wait3A_154 = tpu.memref_slice %arg9[%dma_wait3A, %dma_wait3A_153] : memref<10000x128xf32, #tpu.memory_space<vmem_shared>> -> memref<10000x128xf32, #tpu.memory_space<vmem_shared>>
      tpu.wait_indirect_dma semaphore(%run_scoped3A : memref<!tpu.dma_semaphore, #tpu.memory_space<semaphore_mem>>) src(%arg11 : memref<128x128xf32, #tpu.memory_space<vmem>>) dst(%dma_wait3A_154 : memref<10000x128xf32, #tpu.memory_space<vmem_shared>>)
      tpu.yield
    }) : () -> ()
    %scan3A_28 = arith.constant 0 : i32
    %scan3A_29 = arith.constant 0 : i32
    %scan3A_30 = arith.constant 78 : i32
    %scan3A_31 = arith.addi %scan3A_29, %scan3A_30 : i32
    %scan3A_32 = arith.constant 1 : i32
    scf.for %scan3A_151 = %scan3A_29 to %scan3A_31 step %scan3A_32  : i32 {
      %mul3A_152 = arith.constant 128 : i32
      %mul3A_153 = arith.muli %scan3A_151, %mul3A_152 : i32
      %add3A_154 = arith.addi %add3A, %mul3A_153 : i32
      %multiple_of3A_155 = tpu.assume_multiple %add3A_154, 8 : i32
      %add3A_156 = arith.constant 320000 : i32
      %add3A_157 = arith.addi %add3A_156, %multiple_of3A_155 : i32
      "tpu.region"() ({
        %run_scoped3A = tpu.sem_alloc : memref<!tpu.dma_semaphore, #tpu.memory_space<semaphore_mem>>
        %dma_start3A = tpu.memref_slice %arg4[%add3A_157] : memref<640000xi32, #tpu.memory_space<hbm>> -> memref<128xi32, #tpu.memory_space<hbm>>
        %dma_start3A_160 = tpu.memref_slice %arg4[%add3A_157] : memref<640000xi32, #tpu.memory_space<hbm>> -> memref<128xi32, #tpu.memory_space<hbm>>
        tpu.enqueue_dma source(%dma_start3A_160 : memref<128xi32, #tpu.memory_space<hbm>>) target(%arg10 : memref<128xi32, #tpu.memory_space<vmem>>) target_semaphore(%run_scoped3A : memref<!tpu.dma_semaphore, #tpu.memory_space<semaphore_mem>>)
        %dma_wait3A = tpu.memref_slice %arg4[%add3A_157] : memref<640000xi32, #tpu.memory_space<hbm>> -> memref<128xi32, #tpu.memory_space<hbm>>
        %dma_wait3A_161 = tpu.memref_slice %arg4[%add3A_157] : memref<640000xi32, #tpu.memory_space<hbm>> -> memref<128xi32, #tpu.memory_space<hbm>>
        tpu.wait_dma2 semaphore(%run_scoped3A : memref<!tpu.dma_semaphore, #tpu.memory_space<semaphore_mem>>) src(%dma_wait3A_161 : memref<128xi32, #tpu.memory_space<hbm>>) dst(%arg10 : memref<128xi32, #tpu.memory_space<vmem>>)
        tpu.yield
      }) : () -> ()
      %add3A_158 = arith.constant 320000 : i32
      %add3A_159 = arith.addi %add3A_158, %multiple_of3A_155 : i32
      "tpu.region"() ({
        %run_scoped3A = tpu.sem_alloc : memref<!tpu.dma_semaphore, #tpu.memory_space<semaphore_mem>>
        %dma_start3A = arith.constant 0 : i32
        %dma_start3A_160 = tpu.memref_slice %arg2[%add3A_159, %dma_start3A] : memref<640000x128xf32, #tpu.memory_space<hbm>> -> memref<128x128xf32, #tpu.memory_space<hbm>>
        %dma_start3A_161 = arith.constant 0 : i32
        %dma_start3A_162 = tpu.memref_slice %arg2[%add3A_159, %dma_start3A_161] : memref<640000x128xf32, #tpu.memory_space<hbm>> -> memref<128x128xf32, #tpu.memory_space<hbm>>
        tpu.enqueue_dma source(%dma_start3A_162 : memref<128x128xf32, #tpu.memory_space<hbm>>) target(%arg11 : memref<128x128xf32, #tpu.memory_space<vmem>>) target_semaphore(%run_scoped3A : memref<!tpu.dma_semaphore, #tpu.memory_space<semaphore_mem>>)
        %dma_wait3A = arith.constant 0 : i32
        %dma_wait3A_163 = tpu.memref_slice %arg2[%add3A_159, %dma_wait3A] : memref<640000x128xf32, #tpu.memory_space<hbm>> -> memref<128x128xf32, #tpu.memory_space<hbm>>
        %dma_wait3A_164 = arith.constant 0 : i32
        %dma_wait3A_165 = tpu.memref_slice %arg2[%add3A_159, %dma_wait3A_164] : memref<640000x128xf32, #tpu.memory_space<hbm>> -> memref<128x128xf32, #tpu.memory_space<hbm>>
        tpu.wait_dma2 semaphore(%run_scoped3A : memref<!tpu.dma_semaphore, #tpu.memory_space<semaphore_mem>>) src(%dma_wait3A_165 : memref<128x128xf32, #tpu.memory_space<hbm>>) dst(%arg11 : memref<128x128xf32, #tpu.memory_space<vmem>>)
        tpu.yield
      }) : () -> ()
      "tpu.region"() ({
        %run_scoped3A = tpu.sem_alloc : memref<!tpu.dma_semaphore, #tpu.memory_space<semaphore_mem>>
        %dma_start3A = arith.constant 0 : i32
        %dma_start3A_160 = arith.constant 0 : i32
        %dma_start3A_161 = tpu.memref_slice %arg9[%dma_start3A, %dma_start3A_160] : memref<10000x128xf32, #tpu.memory_space<vmem_shared>> -> memref<10000x128xf32, #tpu.memory_space<vmem_shared>>
        tpu.enqueue_indirect_dma source(%arg11 : memref<128x128xf32, #tpu.memory_space<vmem>>) target(%dma_start3A_161 : memref<10000x128xf32, #tpu.memory_space<vmem_shared>>) offsets(%arg10 : memref<128xi32, #tpu.memory_space<vmem>>) semaphore(%run_scoped3A : memref<!tpu.dma_semaphore, #tpu.memory_space<semaphore_mem>>) {add = true}
        %dma_wait3A = arith.constant 0 : i32
        %dma_wait3A_162 = arith.constant 0 : i32
        %dma_wait3A_163 = tpu.memref_slice %arg9[%dma_wait3A, %dma_wait3A_162] : memref<10000x128xf32, #tpu.memory_space<vmem_shared>> -> memref<10000x128xf32, #tpu.memory_space<vmem_shared>>
        tpu.wait_indirect_dma semaphore(%run_scoped3A : memref<!tpu.dma_semaphore, #tpu.memory_space<semaphore_mem>>) src(%arg11 : memref<128x128xf32, #tpu.memory_space<vmem>>) dst(%dma_wait3A_163 : memref<10000x128xf32, #tpu.memory_space<vmem_shared>>)
        tpu.yield
      }) : () -> ()
    }
    %scan3A_33 = arith.constant 78 : i32
    %add3A_34 = arith.constant 9984 : i32
    %add3A_35 = arith.addi %add3A, %add3A_34 : i32
    %multiple_of3A_36 = tpu.assume_multiple %add3A_35, 8 : i32
    %add3A_37 = arith.constant 320000 : i32
    %add3A_38 = arith.addi %add3A_37, %multiple_of3A_36 : i32
    "tpu.region"() ({
      %run_scoped3A = tpu.sem_alloc : memref<!tpu.dma_semaphore, #tpu.memory_space<semaphore_mem>>
      %dma_start3A = arith.constant 0 : i32
      %dma_start3A_151 = tpu.memref_slice %arg10[%dma_start3A] : memref<128xi32, #tpu.memory_space<vmem>> -> memref<16xi32, #tpu.memory_space<vmem>>
      %dma_start3A_152 = tpu.memref_slice %arg4[%add3A_38] : memref<640000xi32, #tpu.memory_space<hbm>> -> memref<16xi32, #tpu.memory_space<hbm>>
      %dma_start3A_153 = arith.constant 0 : i32
      %dma_start3A_154 = tpu.memref_slice %arg10[%dma_start3A_153] : memref<128xi32, #tpu.memory_space<vmem>> -> memref<16xi32, #tpu.memory_space<vmem>>
      %dma_start3A_155 = tpu.memref_slice %arg4[%add3A_38] : memref<640000xi32, #tpu.memory_space<hbm>> -> memref<16xi32, #tpu.memory_space<hbm>>
      tpu.enqueue_dma source(%dma_start3A_155 : memref<16xi32, #tpu.memory_space<hbm>>) target(%dma_start3A_154 : memref<16xi32, #tpu.memory_space<vmem>>) target_semaphore(%run_scoped3A : memref<!tpu.dma_semaphore, #tpu.memory_space<semaphore_mem>>)
      %dma_wait3A = arith.constant 0 : i32
      %dma_wait3A_156 = tpu.memref_slice %arg10[%dma_wait3A] : memref<128xi32, #tpu.memory_space<vmem>> -> memref<16xi32, #tpu.memory_space<vmem>>
      %dma_wait3A_157 = tpu.memref_slice %arg4[%add3A_38] : memref<640000xi32, #tpu.memory_space<hbm>> -> memref<16xi32, #tpu.memory_space<hbm>>
      %dma_wait3A_158 = arith.constant 0 : i32
      %dma_wait3A_159 = tpu.memref_slice %arg10[%dma_wait3A_158] : memref<128xi32, #tpu.memory_space<vmem>> -> memref<16xi32, #tpu.memory_space<vmem>>
      %dma_wait3A_160 = tpu.memref_slice %arg4[%add3A_38] : memref<640000xi32, #tpu.memory_space<hbm>> -> memref<16xi32, #tpu.memory_space<hbm>>
      tpu.wait_dma2 semaphore(%run_scoped3A : memref<!tpu.dma_semaphore, #tpu.memory_space<semaphore_mem>>) src(%dma_wait3A_160 : memref<16xi32, #tpu.memory_space<hbm>>) dst(%dma_wait3A_159 : memref<16xi32, #tpu.memory_space<vmem>>)
      tpu.yield
    }) : () -> ()
    %add3A_39 = arith.constant 320000 : i32
    %add3A_40 = arith.addi %add3A_39, %multiple_of3A_36 : i32
    "tpu.region"() ({
      %run_scoped3A = tpu.sem_alloc : memref<!tpu.dma_semaphore, #tpu.memory_space<semaphore_mem>>
      %dma_start3A = arith.constant 0 : i32
      %dma_start3A_151 = arith.constant 0 : i32
      %dma_start3A_152 = tpu.memref_slice %arg11[%dma_start3A, %dma_start3A_151] : memref<128x128xf32, #tpu.memory_space<vmem>> -> memref<16x128xf32, #tpu.memory_space<vmem>>
      %dma_start3A_153 = arith.constant 0 : i32
      %dma_start3A_154 = tpu.memref_slice %arg2[%add3A_40, %dma_start3A_153] : memref<640000x128xf32, #tpu.memory_space<hbm>> -> memref<16x128xf32, #tpu.memory_space<hbm>>
      %dma_start3A_155 = arith.constant 0 : i32
      %dma_start3A_156 = arith.constant 0 : i32
      %dma_start3A_157 = tpu.memref_slice %arg11[%dma_start3A_155, %dma_start3A_156] : memref<128x128xf32, #tpu.memory_space<vmem>> -> memref<16x128xf32, #tpu.memory_space<vmem>>
      %dma_start3A_158 = arith.constant 0 : i32
      %dma_start3A_159 = tpu.memref_slice %arg2[%add3A_40, %dma_start3A_158] : memref<640000x128xf32, #tpu.memory_space<hbm>> -> memref<16x128xf32, #tpu.memory_space<hbm>>
      tpu.enqueue_dma source(%dma_start3A_159 : memref<16x128xf32, #tpu.memory_space<hbm>>) target(%dma_start3A_157 : memref<16x128xf32, #tpu.memory_space<vmem>>) target_semaphore(%run_scoped3A : memref<!tpu.dma_semaphore, #tpu.memory_space<semaphore_mem>>)
      %dma_wait3A = arith.constant 0 : i32
      %dma_wait3A_160 = arith.constant 0 : i32
      %dma_wait3A_161 = tpu.memref_slice %arg11[%dma_wait3A, %dma_wait3A_160] : memref<128x128xf32, #tpu.memory_space<vmem>> -> memref<16x128xf32, #tpu.memory_space<vmem>>
      %dma_wait3A_162 = arith.constant 0 : i32
      %dma_wait3A_163 = tpu.memref_slice %arg2[%add3A_40, %dma_wait3A_162] : memref<640000x128xf32, #tpu.memory_space<hbm>> -> memref<16x128xf32, #tpu.memory_space<hbm>>
      %dma_wait3A_164 = arith.constant 0 : i32
      %dma_wait3A_165 = arith.constant 0 : i32
      %dma_wait3A_166 = tpu.memref_slice %arg11[%dma_wait3A_164, %dma_wait3A_165] : memref<128x128xf32, #tpu.memory_space<vmem>> -> memref<16x128xf32, #tpu.memory_space<vmem>>
      %dma_wait3A_167 = arith.constant 0 : i32
      %dma_wait3A_168 = tpu.memref_slice %arg2[%add3A_40, %dma_wait3A_167] : memref<640000x128xf32, #tpu.memory_space<hbm>> -> memref<16x128xf32, #tpu.memory_space<hbm>>
      tpu.wait_dma2 semaphore(%run_scoped3A : memref<!tpu.dma_semaphore, #tpu.memory_space<semaphore_mem>>) src(%dma_wait3A_168 : memref<16x128xf32, #tpu.memory_space<hbm>>) dst(%dma_wait3A_166 : memref<16x128xf32, #tpu.memory_space<vmem>>)
      tpu.yield
    }) : () -> ()
    "tpu.region"() ({
      %run_scoped3A = tpu.sem_alloc : memref<!tpu.dma_semaphore, #tpu.memory_space<semaphore_mem>>
      %dma_start3A = arith.constant 16 : i32
      %dma_start3A_151 = arith.constant 0 : i32
      %dma_start3A_152 = tpu.memref_slice %arg11[%dma_start3A, %dma_start3A_151] : memref<128x128xf32, #tpu.memory_space<vmem>> -> memref<112x128xf32, #tpu.memory_space<vmem>>
      %dma_start3A_153 = arith.constant 0 : i32
      %dma_start3A_154 = arith.constant 0 : i32
      %dma_start3A_155 = tpu.memref_slice %arg5[%dma_start3A_153, %dma_start3A_154] : memref<128x128xf32, #tpu.memory_space<hbm>> -> memref<112x128xf32, #tpu.memory_space<hbm>>
      %dma_start3A_156 = arith.constant 16 : i32
      %dma_start3A_157 = arith.constant 0 : i32
      %dma_start3A_158 = tpu.memref_slice %arg11[%dma_start3A_156, %dma_start3A_157] : memref<128x128xf32, #tpu.memory_space<vmem>> -> memref<112x128xf32, #tpu.memory_space<vmem>>
      %dma_start3A_159 = arith.constant 0 : i32
      %dma_start3A_160 = arith.constant 0 : i32
      %dma_start3A_161 = tpu.memref_slice %arg5[%dma_start3A_159, %dma_start3A_160] : memref<128x128xf32, #tpu.memory_space<hbm>> -> memref<112x128xf32, #tpu.memory_space<hbm>>
      tpu.enqueue_dma source(%dma_start3A_161 : memref<112x128xf32, #tpu.memory_space<hbm>>) target(%dma_start3A_158 : memref<112x128xf32, #tpu.memory_space<vmem>>) target_semaphore(%run_scoped3A : memref<!tpu.dma_semaphore, #tpu.memory_space<semaphore_mem>>)
      %dma_wait3A = arith.constant 16 : i32
      %dma_wait3A_162 = arith.constant 0 : i32
      %dma_wait3A_163 = tpu.memref_slice %arg11[%dma_wait3A, %dma_wait3A_162] : memref<128x128xf32, #tpu.memory_space<vmem>> -> memref<112x128xf32, #tpu.memory_space<vmem>>
      %dma_wait3A_164 = arith.constant 0 : i32
      %dma_wait3A_165 = arith.constant 0 : i32
      %dma_wait3A_166 = tpu.memref_slice %arg5[%dma_wait3A_164, %dma_wait3A_165] : memref<128x128xf32, #tpu.memory_space<hbm>> -> memref<112x128xf32, #tpu.memory_space<hbm>>
      %dma_wait3A_167 = arith.constant 16 : i32
      %dma_wait3A_168 = arith.constant 0 : i32
      %dma_wait3A_169 = tpu.memref_slice %arg11[%dma_wait3A_167, %dma_wait3A_168] : memref<128x128xf32, #tpu.memory_space<vmem>> -> memref<112x128xf32, #tpu.memory_space<vmem>>
      %dma_wait3A_170 = arith.constant 0 : i32
      %dma_wait3A_171 = arith.constant 0 : i32
      %dma_wait3A_172 = tpu.memref_slice %arg5[%dma_wait3A_170, %dma_wait3A_171] : memref<128x128xf32, #tpu.memory_space<hbm>> -> memref<112x128xf32, #tpu.memory_space<hbm>>
      tpu.wait_dma2 semaphore(%run_scoped3A : memref<!tpu.dma_semaphore, #tpu.memory_space<semaphore_mem>>) src(%dma_wait3A_172 : memref<112x128xf32, #tpu.memory_space<hbm>>) dst(%dma_wait3A_169 : memref<112x128xf32, #tpu.memory_space<vmem>>)
      tpu.yield
    }) : () -> ()
    "tpu.region"() ({
      %run_scoped3A = tpu.sem_alloc : memref<!tpu.dma_semaphore, #tpu.memory_space<semaphore_mem>>
      %dma_start3A = arith.constant 0 : i32
      %dma_start3A_151 = arith.constant 0 : i32
      %dma_start3A_152 = tpu.memref_slice %arg9[%dma_start3A, %dma_start3A_151] : memref<10000x128xf32, #tpu.memory_space<vmem_shared>> -> memref<10000x128xf32, #tpu.memory_space<vmem_shared>>
      tpu.enqueue_indirect_dma source(%arg11 : memref<128x128xf32, #tpu.memory_space<vmem>>) target(%dma_start3A_152 : memref<10000x128xf32, #tpu.memory_space<vmem_shared>>) offsets(%arg10 : memref<128xi32, #tpu.memory_space<vmem>>) semaphore(%run_scoped3A : memref<!tpu.dma_semaphore, #tpu.memory_space<semaphore_mem>>) {add = true}
      %dma_wait3A = arith.constant 0 : i32
      %dma_wait3A_153 = arith.constant 0 : i32
      %dma_wait3A_154 = tpu.memref_slice %arg9[%dma_wait3A, %dma_wait3A_153] : memref<10000x128xf32, #tpu.memory_space<vmem_shared>> -> memref<10000x128xf32, #tpu.memory_space<vmem_shared>>
      tpu.wait_indirect_dma semaphore(%run_scoped3A : memref<!tpu.dma_semaphore, #tpu.memory_space<semaphore_mem>>) src(%arg11 : memref<128x128xf32, #tpu.memory_space<vmem>>) dst(%dma_wait3A_154 : memref<10000x128xf32, #tpu.memory_space<vmem_shared>>)
      tpu.yield
    }) : () -> ()
    %barrier3A_41 = arith.constant 0 : index
    tpu.barrier barrier_id(%barrier3A_41)
    %add3A_42 = arith.constant 0 : i32
    %add3A_43 = arith.addi %multiple_of3A, %add3A_42 : i32
    "tpu.region"() ({
      %run_scoped3A = tpu.sem_alloc : memref<!tpu.dma_semaphore, #tpu.memory_space<semaphore_mem>>
      %dma_start3A = tpu.memref_slice %arg6[%add3A_43] : memref<10000xi32, #tpu.memory_space<hbm>> -> memref<128xi32, #tpu.memory_space<hbm>>
      %dma_start3A_151 = tpu.memref_slice %arg6[%add3A_43] : memref<10000xi32, #tpu.memory_space<hbm>> -> memref<128xi32, #tpu.memory_space<hbm>>
      tpu.enqueue_dma source(%dma_start3A_151 : memref<128xi32, #tpu.memory_space<hbm>>) target(%arg10 : memref<128xi32, #tpu.memory_space<vmem>>) target_semaphore(%run_scoped3A : memref<!tpu.dma_semaphore, #tpu.memory_space<semaphore_mem>>)
      %dma_wait3A = tpu.memref_slice %arg6[%add3A_43] : memref<10000xi32, #tpu.memory_space<hbm>> -> memref<128xi32, #tpu.memory_space<hbm>>
      %dma_wait3A_152 = tpu.memref_slice %arg6[%add3A_43] : memref<10000xi32, #tpu.memory_space<hbm>> -> memref<128xi32, #tpu.memory_space<hbm>>
      tpu.wait_dma2 semaphore(%run_scoped3A : memref<!tpu.dma_semaphore, #tpu.memory_space<semaphore_mem>>) src(%dma_wait3A_152 : memref<128xi32, #tpu.memory_space<hbm>>) dst(%arg10 : memref<128xi32, #tpu.memory_space<vmem>>)
      tpu.yield
    }) : () -> ()
    "tpu.region"() ({
      %run_scoped3A = tpu.sem_alloc : memref<!tpu.dma_semaphore, #tpu.memory_space<semaphore_mem>>
      %dma_start3A = arith.constant 0 : i32
      %dma_start3A_151 = arith.constant 0 : i32
      %dma_start3A_152 = tpu.memref_slice %arg9[%dma_start3A, %dma_start3A_151] : memref<10000x128xf32, #tpu.memory_space<vmem_shared>> -> memref<10000x128xf32, #tpu.memory_space<vmem_shared>>
      tpu.enqueue_indirect_dma source(%dma_start3A_152 : memref<10000x128xf32, #tpu.memory_space<vmem_shared>>) target(%arg11 : memref<128x128xf32, #tpu.memory_space<vmem>>) offsets(%arg10 : memref<128xi32, #tpu.memory_space<vmem>>) semaphore(%run_scoped3A : memref<!tpu.dma_semaphore, #tpu.memory_space<semaphore_mem>>)
      %dma_wait3A = arith.constant 0 : i32
      %dma_wait3A_153 = arith.constant 0 : i32
      %dma_wait3A_154 = tpu.memref_slice %arg9[%dma_wait3A, %dma_wait3A_153] : memref<10000x128xf32, #tpu.memory_space<vmem_shared>> -> memref<10000x128xf32, #tpu.memory_space<vmem_shared>>
      tpu.wait_indirect_dma semaphore(%run_scoped3A : memref<!tpu.dma_semaphore, #tpu.memory_space<semaphore_mem>>) src(%dma_wait3A_154 : memref<10000x128xf32, #tpu.memory_space<vmem_shared>>) dst(%arg11 : memref<128x128xf32, #tpu.memory_space<vmem>>)
      tpu.yield
    }) : () -> ()
    %mul3A_44 = arith.constant 10000 : i32
    %mul3A_45 = arith.muli %arg0, %mul3A_44 : i32
    %add3A_46 = arith.addi %mul3A_45, %multiple_of3A : i32
    %add3A_47 = arith.constant 0 : i32
    %add3A_48 = arith.addi %add3A_46, %add3A_47 : i32
    "tpu.region"() ({
      %run_scoped3A = tpu.sem_alloc : memref<!tpu.dma_semaphore, #tpu.memory_space<semaphore_mem>>
      %dma_start3A = arith.constant 0 : i32
      %dma_start3A_151 = arith.constant 0 : i32
      %dma_start3A_152 = tpu.memref_slice %arg11[%dma_start3A, %dma_start3A_151] : memref<128x128xf32, #tpu.memory_space<vmem>> -> memref<128x128xf32, #tpu.memory_space<vmem>>
      %dma_start3A_153 = arith.constant 0 : i32
      %dma_start3A_154 = tpu.memref_slice %arg7[%add3A_48, %dma_start3A_153] : memref<20000x128xf32, #tpu.memory_space<hbm>> -> memref<128x128xf32, #tpu.memory_space<hbm>>
      %dma_start3A_155 = arith.constant 0 : i32
      %dma_start3A_156 = tpu.memref_slice %arg7[%add3A_48, %dma_start3A_155] : memref<20000x128xf32, #tpu.memory_space<hbm>> -> memref<128x128xf32, #tpu.memory_space<hbm>>
      %dma_start3A_157 = arith.constant 0 : i32
      %dma_start3A_158 = arith.constant 0 : i32
      %dma_start3A_159 = tpu.memref_slice %arg11[%dma_start3A_157, %dma_start3A_158] : memref<128x128xf32, #tpu.memory_space<vmem>> -> memref<128x128xf32, #tpu.memory_space<vmem>>
      tpu.enqueue_dma source(%dma_start3A_159 : memref<128x128xf32, #tpu.memory_space<vmem>>) target(%dma_start3A_156 : memref<128x128xf32, #tpu.memory_space<hbm>>) target_semaphore(%run_scoped3A : memref<!tpu.dma_semaphore, #tpu.memory_space<semaphore_mem>>)
      %dma_wait3A = arith.constant 0 : i32
      %dma_wait3A_160 = arith.constant 0 : i32
      %dma_wait3A_161 = tpu.memref_slice %arg11[%dma_wait3A, %dma_wait3A_160] : memref<128x128xf32, #tpu.memory_space<vmem>> -> memref<128x128xf32, #tpu.memory_space<vmem>>
      %dma_wait3A_162 = arith.constant 0 : i32
      %dma_wait3A_163 = tpu.memref_slice %arg7[%add3A_48, %dma_wait3A_162] : memref<20000x128xf32, #tpu.memory_space<hbm>> -> memref<128x128xf32, #tpu.memory_space<hbm>>
      %dma_wait3A_164 = arith.constant 0 : i32
      %dma_wait3A_165 = tpu.memref_slice %arg7[%add3A_48, %dma_wait3A_164] : memref<20000x128xf32, #tpu.memory_space<hbm>> -> memref<128x128xf32, #tpu.memory_space<hbm>>
      %dma_wait3A_166 = arith.constant 0 : i32
      %dma_wait3A_167 = arith.constant 0 : i32
      %dma_wait3A_168 = tpu.memref_slice %arg11[%dma_wait3A_166, %dma_wait3A_167] : memref<128x128xf32, #tpu.memory_space<vmem>> -> memref<128x128xf32, #tpu.memory_space<vmem>>
      tpu.wait_dma2 semaphore(%run_scoped3A : memref<!tpu.dma_semaphore, #tpu.memory_space<semaphore_mem>>) src(%dma_wait3A_168 : memref<128x128xf32, #tpu.memory_space<vmem>>) dst(%dma_wait3A_165 : memref<128x128xf32, #tpu.memory_space<hbm>>)
      tpu.yield
    }) : () -> ()
    %add3A_49 = arith.constant 128 : i32
    %add3A_50 = arith.addi %multiple_of3A, %add3A_49 : i32
    "tpu.region"() ({
      %run_scoped3A = tpu.sem_alloc : memref<!tpu.dma_semaphore, #tpu.memory_space<semaphore_mem>>
      %dma_start3A = tpu.memref_slice %arg6[%add3A_50] : memref<10000xi32, #tpu.memory_space<hbm>> -> memref<128xi32, #tpu.memory_space<hbm>>
      %dma_start3A_151 = tpu.memref_slice %arg6[%add3A_50] : memref<10000xi32, #tpu.memory_space<hbm>> -> memref<128xi32, #tpu.memory_space<hbm>>
      tpu.enqueue_dma source(%dma_start3A_151 : memref<128xi32, #tpu.memory_space<hbm>>) target(%arg10 : memref<128xi32, #tpu.memory_space<vmem>>) target_semaphore(%run_scoped3A : memref<!tpu.dma_semaphore, #tpu.memory_space<semaphore_mem>>)
      %dma_wait3A = tpu.memref_slice %arg6[%add3A_50] : memref<10000xi32, #tpu.memory_space<hbm>> -> memref<128xi32, #tpu.memory_space<hbm>>
      %dma_wait3A_152 = tpu.memref_slice %arg6[%add3A_50] : memref<10000xi32, #tpu.memory_space<hbm>> -> memref<128xi32, #tpu.memory_space<hbm>>
      tpu.wait_dma2 semaphore(%run_scoped3A : memref<!tpu.dma_semaphore, #tpu.memory_space<semaphore_mem>>) src(%dma_wait3A_152 : memref<128xi32, #tpu.memory_space<hbm>>) dst(%arg10 : memref<128xi32, #tpu.memory_space<vmem>>)
      tpu.yield
    }) : () -> ()
    "tpu.region"() ({
      %run_scoped3A = tpu.sem_alloc : memref<!tpu.dma_semaphore, #tpu.memory_space<semaphore_mem>>
      %dma_start3A = arith.constant 0 : i32
      %dma_start3A_151 = arith.constant 0 : i32
      %dma_start3A_152 = tpu.memref_slice %arg9[%dma_start3A, %dma_start3A_151] : memref<10000x128xf32, #tpu.memory_space<vmem_shared>> -> memref<10000x128xf32, #tpu.memory_space<vmem_shared>>
      tpu.enqueue_indirect_dma source(%dma_start3A_152 : memref<10000x128xf32, #tpu.memory_space<vmem_shared>>) target(%arg11 : memref<128x128xf32, #tpu.memory_space<vmem>>) offsets(%arg10 : memref<128xi32, #tpu.memory_space<vmem>>) semaphore(%run_scoped3A : memref<!tpu.dma_semaphore, #tpu.memory_space<semaphore_mem>>)
      %dma_wait3A = arith.constant 0 : i32
      %dma_wait3A_153 = arith.constant 0 : i32
      %dma_wait3A_154 = tpu.memref_slice %arg9[%dma_wait3A, %dma_wait3A_153] : memref<10000x128xf32, #tpu.memory_space<vmem_shared>> -> memref<10000x128xf32, #tpu.memory_space<vmem_shared>>
      tpu.wait_indirect_dma semaphore(%run_scoped3A : memref<!tpu.dma_semaphore, #tpu.memory_space<semaphore_mem>>) src(%dma_wait3A_154 : memref<10000x128xf32, #tpu.memory_space<vmem_shared>>) dst(%arg11 : memref<128x128xf32, #tpu.memory_space<vmem>>)
      tpu.yield
    }) : () -> ()
    %mul3A_51 = arith.constant 10000 : i32
    %mul3A_52 = arith.muli %arg0, %mul3A_51 : i32
    %add3A_53 = arith.addi %mul3A_52, %multiple_of3A : i32
    %add3A_54 = arith.constant 128 : i32
    %add3A_55 = arith.addi %add3A_53, %add3A_54 : i32
    "tpu.region"() ({
      %run_scoped3A = tpu.sem_alloc : memref<!tpu.dma_semaphore, #tpu.memory_space<semaphore_mem>>
      %dma_start3A = arith.constant 0 : i32
      %dma_start3A_151 = arith.constant 0 : i32
      %dma_start3A_152 = tpu.memref_slice %arg11[%dma_start3A, %dma_start3A_151] : memref<128x128xf32, #tpu.memory_space<vmem>> -> memref<128x128xf32, #tpu.memory_space<vmem>>
      %dma_start3A_153 = arith.constant 0 : i32
      %dma_start3A_154 = tpu.memref_slice %arg7[%add3A_55, %dma_start3A_153] : memref<20000x128xf32, #tpu.memory_space<hbm>> -> memref<128x128xf32, #tpu.memory_space<hbm>>
      %dma_start3A_155 = arith.constant 0 : i32
      %dma_start3A_156 = tpu.memref_slice %arg7[%add3A_55, %dma_start3A_155] : memref<20000x128xf32, #tpu.memory_space<hbm>> -> memref<128x128xf32, #tpu.memory_space<hbm>>
      %dma_start3A_157 = arith.constant 0 : i32
      %dma_start3A_158 = arith.constant 0 : i32
      %dma_start3A_159 = tpu.memref_slice %arg11[%dma_start3A_157, %dma_start3A_158] : memref<128x128xf32, #tpu.memory_space<vmem>> -> memref<128x128xf32, #tpu.memory_space<vmem>>
      tpu.enqueue_dma source(%dma_start3A_159 : memref<128x128xf32, #tpu.memory_space<vmem>>) target(%dma_start3A_156 : memref<128x128xf32, #tpu.memory_space<hbm>>) target_semaphore(%run_scoped3A : memref<!tpu.dma_semaphore, #tpu.memory_space<semaphore_mem>>)
      %dma_wait3A = arith.constant 0 : i32
      %dma_wait3A_160 = arith.constant 0 : i32
      %dma_wait3A_161 = tpu.memref_slice %arg11[%dma_wait3A, %dma_wait3A_160] : memref<128x128xf32, #tpu.memory_space<vmem>> -> memref<128x128xf32, #tpu.memory_space<vmem>>
      %dma_wait3A_162 = arith.constant 0 : i32
      %dma_wait3A_163 = tpu.memref_slice %arg7[%add3A_55, %dma_wait3A_162] : memref<20000x128xf32, #tpu.memory_space<hbm>> -> memref<128x128xf32, #tpu.memory_space<hbm>>
      %dma_wait3A_164 = arith.constant 0 : i32
      %dma_wait3A_165 = tpu.memref_slice %arg7[%add3A_55, %dma_wait3A_164] : memref<20000x128xf32, #tpu.memory_space<hbm>> -> memref<128x128xf32, #tpu.memory_space<hbm>>
      %dma_wait3A_166 = arith.constant 0 : i32
      %dma_wait3A_167 = arith.constant 0 : i32
      %dma_wait3A_168 = tpu.memref_slice %arg11[%dma_wait3A_166, %dma_wait3A_167] : memref<128x128xf32, #tpu.memory_space<vmem>> -> memref<128x128xf32, #tpu.memory_space<vmem>>
      tpu.wait_dma2 semaphore(%run_scoped3A : memref<!tpu.dma_semaphore, #tpu.memory_space<semaphore_mem>>) src(%dma_wait3A_168 : memref<128x128xf32, #tpu.memory_space<vmem>>) dst(%dma_wait3A_165 : memref<128x128xf32, #tpu.memory_space<hbm>>)
      tpu.yield
    }) : () -> ()
    %add3A_56 = arith.constant 256 : i32
    %add3A_57 = arith.addi %multiple_of3A, %add3A_56 : i32
    "tpu.region"() ({
      %run_scoped3A = tpu.sem_alloc : memref<!tpu.dma_semaphore, #tpu.memory_space<semaphore_mem>>
      %dma_start3A = tpu.memref_slice %arg6[%add3A_57] : memref<10000xi32, #tpu.memory_space<hbm>> -> memref<128xi32, #tpu.memory_space<hbm>>
      %dma_start3A_151 = tpu.memref_slice %arg6[%add3A_57] : memref<10000xi32, #tpu.memory_space<hbm>> -> memref<128xi32, #tpu.memory_space<hbm>>
      tpu.enqueue_dma source(%dma_start3A_151 : memref<128xi32, #tpu.memory_space<hbm>>) target(%arg10 : memref<128xi32, #tpu.memory_space<vmem>>) target_semaphore(%run_scoped3A : memref<!tpu.dma_semaphore, #tpu.memory_space<semaphore_mem>>)
      %dma_wait3A = tpu.memref_slice %arg6[%add3A_57] : memref<10000xi32, #tpu.memory_space<hbm>> -> memref<128xi32, #tpu.memory_space<hbm>>
      %dma_wait3A_152 = tpu.memref_slice %arg6[%add3A_57] : memref<10000xi32, #tpu.memory_space<hbm>> -> memref<128xi32, #tpu.memory_space<hbm>>
      tpu.wait_dma2 semaphore(%run_scoped3A : memref<!tpu.dma_semaphore, #tpu.memory_space<semaphore_mem>>) src(%dma_wait3A_152 : memref<128xi32, #tpu.memory_space<hbm>>) dst(%arg10 : memref<128xi32, #tpu.memory_space<vmem>>)
      tpu.yield
    }) : () -> ()
    "tpu.region"() ({
      %run_scoped3A = tpu.sem_alloc : memref<!tpu.dma_semaphore, #tpu.memory_space<semaphore_mem>>
      %dma_start3A = arith.constant 0 : i32
      %dma_start3A_151 = arith.constant 0 : i32
      %dma_start3A_152 = tpu.memref_slice %arg9[%dma_start3A, %dma_start3A_151] : memref<10000x128xf32, #tpu.memory_space<vmem_shared>> -> memref<10000x128xf32, #tpu.memory_space<vmem_shared>>
      tpu.enqueue_indirect_dma source(%dma_start3A_152 : memref<10000x128xf32, #tpu.memory_space<vmem_shared>>) target(%arg11 : memref<128x128xf32, #tpu.memory_space<vmem>>) offsets(%arg10 : memref<128xi32, #tpu.memory_space<vmem>>) semaphore(%run_scoped3A : memref<!tpu.dma_semaphore, #tpu.memory_space<semaphore_mem>>)
      %dma_wait3A = arith.constant 0 : i32
      %dma_wait3A_153 = arith.constant 0 : i32
      %dma_wait3A_154 = tpu.memref_slice %arg9[%dma_wait3A, %dma_wait3A_153] : memref<10000x128xf32, #tpu.memory_space<vmem_shared>> -> memref<10000x128xf32, #tpu.memory_space<vmem_shared>>
      tpu.wait_indirect_dma semaphore(%run_scoped3A : memref<!tpu.dma_semaphore, #tpu.memory_space<semaphore_mem>>) src(%dma_wait3A_154 : memref<10000x128xf32, #tpu.memory_space<vmem_shared>>) dst(%arg11 : memref<128x128xf32, #tpu.memory_space<vmem>>)
      tpu.yield
    }) : () -> ()
    %mul3A_58 = arith.constant 10000 : i32
    %mul3A_59 = arith.muli %arg0, %mul3A_58 : i32
    %add3A_60 = arith.addi %mul3A_59, %multiple_of3A : i32
    %add3A_61 = arith.constant 256 : i32
    %add3A_62 = arith.addi %add3A_60, %add3A_61 : i32
    "tpu.region"() ({
      %run_scoped3A = tpu.sem_alloc : memref<!tpu.dma_semaphore, #tpu.memory_space<semaphore_mem>>
      %dma_start3A = arith.constant 0 : i32
      %dma_start3A_151 = arith.constant 0 : i32
      %dma_start3A_152 = tpu.memref_slice %arg11[%dma_start3A, %dma_start3A_151] : memref<128x128xf32, #tpu.memory_space<vmem>> -> memref<128x128xf32, #tpu.memory_space<vmem>>
      %dma_start3A_153 = arith.constant 0 : i32
      %dma_start3A_154 = tpu.memref_slice %arg7[%add3A_62, %dma_start3A_153] : memref<20000x128xf32, #tpu.memory_space<hbm>> -> memref<128x128xf32, #tpu.memory_space<hbm>>
      %dma_start3A_155 = arith.constant 0 : i32
      %dma_start3A_156 = tpu.memref_slice %arg7[%add3A_62, %dma_start3A_155] : memref<20000x128xf32, #tpu.memory_space<hbm>> -> memref<128x128xf32, #tpu.memory_space<hbm>>
      %dma_start3A_157 = arith.constant 0 : i32
      %dma_start3A_158 = arith.constant 0 : i32
      %dma_start3A_159 = tpu.memref_slice %arg11[%dma_start3A_157, %dma_start3A_158] : memref<128x128xf32, #tpu.memory_space<vmem>> -> memref<128x128xf32, #tpu.memory_space<vmem>>
      tpu.enqueue_dma source(%dma_start3A_159 : memref<128x128xf32, #tpu.memory_space<vmem>>) target(%dma_start3A_156 : memref<128x128xf32, #tpu.memory_space<hbm>>) target_semaphore(%run_scoped3A : memref<!tpu.dma_semaphore, #tpu.memory_space<semaphore_mem>>)
      %dma_wait3A = arith.constant 0 : i32
      %dma_wait3A_160 = arith.constant 0 : i32
      %dma_wait3A_161 = tpu.memref_slice %arg11[%dma_wait3A, %dma_wait3A_160] : memref<128x128xf32, #tpu.memory_space<vmem>> -> memref<128x128xf32, #tpu.memory_space<vmem>>
      %dma_wait3A_162 = arith.constant 0 : i32
      %dma_wait3A_163 = tpu.memref_slice %arg7[%add3A_62, %dma_wait3A_162] : memref<20000x128xf32, #tpu.memory_space<hbm>> -> memref<128x128xf32, #tpu.memory_space<hbm>>
      %dma_wait3A_164 = arith.constant 0 : i32
      %dma_wait3A_165 = tpu.memref_slice %arg7[%add3A_62, %dma_wait3A_164] : memref<20000x128xf32, #tpu.memory_space<hbm>> -> memref<128x128xf32, #tpu.memory_space<hbm>>
      %dma_wait3A_166 = arith.constant 0 : i32
      %dma_wait3A_167 = arith.constant 0 : i32
      %dma_wait3A_168 = tpu.memref_slice %arg11[%dma_wait3A_166, %dma_wait3A_167] : memref<128x128xf32, #tpu.memory_space<vmem>> -> memref<128x128xf32, #tpu.memory_space<vmem>>
      tpu.wait_dma2 semaphore(%run_scoped3A : memref<!tpu.dma_semaphore, #tpu.memory_space<semaphore_mem>>) src(%dma_wait3A_168 : memref<128x128xf32, #tpu.memory_space<vmem>>) dst(%dma_wait3A_165 : memref<128x128xf32, #tpu.memory_space<hbm>>)
      tpu.yield
    }) : () -> ()
    %add3A_63 = arith.constant 384 : i32
    %add3A_64 = arith.addi %multiple_of3A, %add3A_63 : i32
    "tpu.region"() ({
      %run_scoped3A = tpu.sem_alloc : memref<!tpu.dma_semaphore, #tpu.memory_space<semaphore_mem>>
      %dma_start3A = tpu.memref_slice %arg6[%add3A_64] : memref<10000xi32, #tpu.memory_space<hbm>> -> memref<128xi32, #tpu.memory_space<hbm>>
      %dma_start3A_151 = tpu.memref_slice %arg6[%add3A_64] : memref<10000xi32, #tpu.memory_space<hbm>> -> memref<128xi32, #tpu.memory_space<hbm>>
      tpu.enqueue_dma source(%dma_start3A_151 : memref<128xi32, #tpu.memory_space<hbm>>) target(%arg10 : memref<128xi32, #tpu.memory_space<vmem>>) target_semaphore(%run_scoped3A : memref<!tpu.dma_semaphore, #tpu.memory_space<semaphore_mem>>)
      %dma_wait3A = tpu.memref_slice %arg6[%add3A_64] : memref<10000xi32, #tpu.memory_space<hbm>> -> memref<128xi32, #tpu.memory_space<hbm>>
      %dma_wait3A_152 = tpu.memref_slice %arg6[%add3A_64] : memref<10000xi32, #tpu.memory_space<hbm>> -> memref<128xi32, #tpu.memory_space<hbm>>
      tpu.wait_dma2 semaphore(%run_scoped3A : memref<!tpu.dma_semaphore, #tpu.memory_space<semaphore_mem>>) src(%dma_wait3A_152 : memref<128xi32, #tpu.memory_space<hbm>>) dst(%arg10 : memref<128xi32, #tpu.memory_space<vmem>>)
      tpu.yield
    }) : () -> ()
    "tpu.region"() ({
      %run_scoped3A = tpu.sem_alloc : memref<!tpu.dma_semaphore, #tpu.memory_space<semaphore_mem>>
      %dma_start3A = arith.constant 0 : i32
      %dma_start3A_151 = arith.constant 0 : i32
      %dma_start3A_152 = tpu.memref_slice %arg9[%dma_start3A, %dma_start3A_151] : memref<10000x128xf32, #tpu.memory_space<vmem_shared>> -> memref<10000x128xf32, #tpu.memory_space<vmem_shared>>
      tpu.enqueue_indirect_dma source(%dma_start3A_152 : memref<10000x128xf32, #tpu.memory_space<vmem_shared>>) target(%arg11 : memref<128x128xf32, #tpu.memory_space<vmem>>) offsets(%arg10 : memref<128xi32, #tpu.memory_space<vmem>>) semaphore(%run_scoped3A : memref<!tpu.dma_semaphore, #tpu.memory_space<semaphore_mem>>)
      %dma_wait3A = arith.constant 0 : i32
      %dma_wait3A_153 = arith.constant 0 : i32
      %dma_wait3A_154 = tpu.memref_slice %arg9[%dma_wait3A, %dma_wait3A_153] : memref<10000x128xf32, #tpu.memory_space<vmem_shared>> -> memref<10000x128xf32, #tpu.memory_space<vmem_shared>>
      tpu.wait_indirect_dma semaphore(%run_scoped3A : memref<!tpu.dma_semaphore, #tpu.memory_space<semaphore_mem>>) src(%dma_wait3A_154 : memref<10000x128xf32, #tpu.memory_space<vmem_shared>>) dst(%arg11 : memref<128x128xf32, #tpu.memory_space<vmem>>)
      tpu.yield
    }) : () -> ()
    %mul3A_65 = arith.constant 10000 : i32
    %mul3A_66 = arith.muli %arg0, %mul3A_65 : i32
    %add3A_67 = arith.addi %mul3A_66, %multiple_of3A : i32
    %add3A_68 = arith.constant 384 : i32
    %add3A_69 = arith.addi %add3A_67, %add3A_68 : i32
    "tpu.region"() ({
      %run_scoped3A = tpu.sem_alloc : memref<!tpu.dma_semaphore, #tpu.memory_space<semaphore_mem>>
      %dma_start3A = arith.constant 0 : i32
      %dma_start3A_151 = arith.constant 0 : i32
      %dma_start3A_152 = tpu.memref_slice %arg11[%dma_start3A, %dma_start3A_151] : memref<128x128xf32, #tpu.memory_space<vmem>> -> memref<128x128xf32, #tpu.memory_space<vmem>>
      %dma_start3A_153 = arith.constant 0 : i32
      %dma_start3A_154 = tpu.memref_slice %arg7[%add3A_69, %dma_start3A_153] : memref<20000x128xf32, #tpu.memory_space<hbm>> -> memref<128x128xf32, #tpu.memory_space<hbm>>
      %dma_start3A_155 = arith.constant 0 : i32
      %dma_start3A_156 = tpu.memref_slice %arg7[%add3A_69, %dma_start3A_155] : memref<20000x128xf32, #tpu.memory_space<hbm>> -> memref<128x128xf32, #tpu.memory_space<hbm>>
      %dma_start3A_157 = arith.constant 0 : i32
      %dma_start3A_158 = arith.constant 0 : i32
      %dma_start3A_159 = tpu.memref_slice %arg11[%dma_start3A_157, %dma_start3A_158] : memref<128x128xf32, #tpu.memory_space<vmem>> -> memref<128x128xf32, #tpu.memory_space<vmem>>
      tpu.enqueue_dma source(%dma_start3A_159 : memref<128x128xf32, #tpu.memory_space<vmem>>) target(%dma_start3A_156 : memref<128x128xf32, #tpu.memory_space<hbm>>) target_semaphore(%run_scoped3A : memref<!tpu.dma_semaphore, #tpu.memory_space<semaphore_mem>>)
      %dma_wait3A = arith.constant 0 : i32
      %dma_wait3A_160 = arith.constant 0 : i32
      %dma_wait3A_161 = tpu.memref_slice %arg11[%dma_wait3A, %dma_wait3A_160] : memref<128x128xf32, #tpu.memory_space<vmem>> -> memref<128x128xf32, #tpu.memory_space<vmem>>
      %dma_wait3A_162 = arith.constant 0 : i32
      %dma_wait3A_163 = tpu.memref_slice %arg7[%add3A_69, %dma_wait3A_162] : memref<20000x128xf32, #tpu.memory_space<hbm>> -> memref<128x128xf32, #tpu.memory_space<hbm>>
      %dma_wait3A_164 = arith.constant 0 : i32
      %dma_wait3A_165 = tpu.memref_slice %arg7[%add3A_69, %dma_wait3A_164] : memref<20000x128xf32, #tpu.memory_space<hbm>> -> memref<128x128xf32, #tpu.memory_space<hbm>>
      %dma_wait3A_166 = arith.constant 0 : i32
      %dma_wait3A_167 = arith.constant 0 : i32
      %dma_wait3A_168 = tpu.memref_slice %arg11[%dma_wait3A_166, %dma_wait3A_167] : memref<128x128xf32, #tpu.memory_space<vmem>> -> memref<128x128xf32, #tpu.memory_space<vmem>>
      tpu.wait_dma2 semaphore(%run_scoped3A : memref<!tpu.dma_semaphore, #tpu.memory_space<semaphore_mem>>) src(%dma_wait3A_168 : memref<128x128xf32, #tpu.memory_space<vmem>>) dst(%dma_wait3A_165 : memref<128x128xf32, #tpu.memory_space<hbm>>)
      tpu.yield
    }) : () -> ()
    %add3A_70 = arith.constant 512 : i32
    %add3A_71 = arith.addi %multiple_of3A, %add3A_70 : i32
    "tpu.region"() ({
      %run_scoped3A = tpu.sem_alloc : memref<!tpu.dma_semaphore, #tpu.memory_space<semaphore_mem>>
      %dma_start3A = tpu.memref_slice %arg6[%add3A_71] : memref<10000xi32, #tpu.memory_space<hbm>> -> memref<128xi32, #tpu.memory_space<hbm>>
      %dma_start3A_151 = tpu.memref_slice %arg6[%add3A_71] : memref<10000xi32, #tpu.memory_space<hbm>> -> memref<128xi32, #tpu.memory_space<hbm>>
      tpu.enqueue_dma source(%dma_start3A_151 : memref<128xi32, #tpu.memory_space<hbm>>) target(%arg10 : memref<128xi32, #tpu.memory_space<vmem>>) target_semaphore(%run_scoped3A : memref<!tpu.dma_semaphore, #tpu.memory_space<semaphore_mem>>)
      %dma_wait3A = tpu.memref_slice %arg6[%add3A_71] : memref<10000xi32, #tpu.memory_space<hbm>> -> memref<128xi32, #tpu.memory_space<hbm>>
      %dma_wait3A_152 = tpu.memref_slice %arg6[%add3A_71] : memref<10000xi32, #tpu.memory_space<hbm>> -> memref<128xi32, #tpu.memory_space<hbm>>
      tpu.wait_dma2 semaphore(%run_scoped3A : memref<!tpu.dma_semaphore, #tpu.memory_space<semaphore_mem>>) src(%dma_wait3A_152 : memref<128xi32, #tpu.memory_space<hbm>>) dst(%arg10 : memref<128xi32, #tpu.memory_space<vmem>>)
      tpu.yield
    }) : () -> ()
    "tpu.region"() ({
      %run_scoped3A = tpu.sem_alloc : memref<!tpu.dma_semaphore, #tpu.memory_space<semaphore_mem>>
      %dma_start3A = arith.constant 0 : i32
      %dma_start3A_151 = arith.constant 0 : i32
      %dma_start3A_152 = tpu.memref_slice %arg9[%dma_start3A, %dma_start3A_151] : memref<10000x128xf32, #tpu.memory_space<vmem_shared>> -> memref<10000x128xf32, #tpu.memory_space<vmem_shared>>
      tpu.enqueue_indirect_dma source(%dma_start3A_152 : memref<10000x128xf32, #tpu.memory_space<vmem_shared>>) target(%arg11 : memref<128x128xf32, #tpu.memory_space<vmem>>) offsets(%arg10 : memref<128xi32, #tpu.memory_space<vmem>>) semaphore(%run_scoped3A : memref<!tpu.dma_semaphore, #tpu.memory_space<semaphore_mem>>)
      %dma_wait3A = arith.constant 0 : i32
      %dma_wait3A_153 = arith.constant 0 : i32
      %dma_wait3A_154 = tpu.memref_slice %arg9[%dma_wait3A, %dma_wait3A_153] : memref<10000x128xf32, #tpu.memory_space<vmem_shared>> -> memref<10000x128xf32, #tpu.memory_space<vmem_shared>>
      tpu.wait_indirect_dma semaphore(%run_scoped3A : memref<!tpu.dma_semaphore, #tpu.memory_space<semaphore_mem>>) src(%dma_wait3A_154 : memref<10000x128xf32, #tpu.memory_space<vmem_shared>>) dst(%arg11 : memref<128x128xf32, #tpu.memory_space<vmem>>)
      tpu.yield
    }) : () -> ()
    %mul3A_72 = arith.constant 10000 : i32
    %mul3A_73 = arith.muli %arg0, %mul3A_72 : i32
    %add3A_74 = arith.addi %mul3A_73, %multiple_of3A : i32
    %add3A_75 = arith.constant 512 : i32
    %add3A_76 = arith.addi %add3A_74, %add3A_75 : i32
    "tpu.region"() ({
      %run_scoped3A = tpu.sem_alloc : memref<!tpu.dma_semaphore, #tpu.memory_space<semaphore_mem>>
      %dma_start3A = arith.constant 0 : i32
      %dma_start3A_151 = arith.constant 0 : i32
      %dma_start3A_152 = tpu.memref_slice %arg11[%dma_start3A, %dma_start3A_151] : memref<128x128xf32, #tpu.memory_space<vmem>> -> memref<128x128xf32, #tpu.memory_space<vmem>>
      %dma_start3A_153 = arith.constant 0 : i32
      %dma_start3A_154 = tpu.memref_slice %arg7[%add3A_76, %dma_start3A_153] : memref<20000x128xf32, #tpu.memory_space<hbm>> -> memref<128x128xf32, #tpu.memory_space<hbm>>
      %dma_start3A_155 = arith.constant 0 : i32
      %dma_start3A_156 = tpu.memref_slice %arg7[%add3A_76, %dma_start3A_155] : memref<20000x128xf32, #tpu.memory_space<hbm>> -> memref<128x128xf32, #tpu.memory_space<hbm>>
      %dma_start3A_157 = arith.constant 0 : i32
      %dma_start3A_158 = arith.constant 0 : i32
      %dma_start3A_159 = tpu.memref_slice %arg11[%dma_start3A_157, %dma_start3A_158] : memref<128x128xf32, #tpu.memory_space<vmem>> -> memref<128x128xf32, #tpu.memory_space<vmem>>
      tpu.enqueue_dma source(%dma_start3A_159 : memref<128x128xf32, #tpu.memory_space<vmem>>) target(%dma_start3A_156 : memref<128x128xf32, #tpu.memory_space<hbm>>) target_semaphore(%run_scoped3A : memref<!tpu.dma_semaphore, #tpu.memory_space<semaphore_mem>>)
      %dma_wait3A = arith.constant 0 : i32
      %dma_wait3A_160 = arith.constant 0 : i32
      %dma_wait3A_161 = tpu.memref_slice %arg11[%dma_wait3A, %dma_wait3A_160] : memref<128x128xf32, #tpu.memory_space<vmem>> -> memref<128x128xf32, #tpu.memory_space<vmem>>
      %dma_wait3A_162 = arith.constant 0 : i32
      %dma_wait3A_163 = tpu.memref_slice %arg7[%add3A_76, %dma_wait3A_162] : memref<20000x128xf32, #tpu.memory_space<hbm>> -> memref<128x128xf32, #tpu.memory_space<hbm>>
      %dma_wait3A_164 = arith.constant 0 : i32
      %dma_wait3A_165 = tpu.memref_slice %arg7[%add3A_76, %dma_wait3A_164] : memref<20000x128xf32, #tpu.memory_space<hbm>> -> memref<128x128xf32, #tpu.memory_space<hbm>>
      %dma_wait3A_166 = arith.constant 0 : i32
      %dma_wait3A_167 = arith.constant 0 : i32
      %dma_wait3A_168 = tpu.memref_slice %arg11[%dma_wait3A_166, %dma_wait3A_167] : memref<128x128xf32, #tpu.memory_space<vmem>> -> memref<128x128xf32, #tpu.memory_space<vmem>>
      tpu.wait_dma2 semaphore(%run_scoped3A : memref<!tpu.dma_semaphore, #tpu.memory_space<semaphore_mem>>) src(%dma_wait3A_168 : memref<128x128xf32, #tpu.memory_space<vmem>>) dst(%dma_wait3A_165 : memref<128x128xf32, #tpu.memory_space<hbm>>)
      tpu.yield
    }) : () -> ()
    %barrier3A_77 = arith.constant 0 : index
    tpu.barrier barrier_id(%barrier3A_77)
    "tpu.region"() ({
      %run_scoped3A = tpu.sem_alloc : memref<!tpu.dma_semaphore, #tpu.memory_space<semaphore_mem>>
      tpu.enqueue_dma source(%arg5 : memref<128x128xf32, #tpu.memory_space<hbm>>) target(%arg11 : memref<128x128xf32, #tpu.memory_space<vmem>>) target_semaphore(%run_scoped3A : memref<!tpu.dma_semaphore, #tpu.memory_space<semaphore_mem>>)
      tpu.wait_dma2 semaphore(%run_scoped3A : memref<!tpu.dma_semaphore, #tpu.memory_space<semaphore_mem>>) src(%arg5 : memref<128x128xf32, #tpu.memory_space<hbm>>) dst(%arg11 : memref<128x128xf32, #tpu.memory_space<vmem>>)
      tpu.yield
    }) : () -> ()
    %add3A_78 = arith.constant 0 : i32
    %add3A_79 = arith.addi %multiple_of3A, %add3A_78 : i32
    "tpu.region"() ({
      %run_scoped3A = tpu.sem_alloc : memref<!tpu.dma_semaphore, #tpu.memory_space<semaphore_mem>>
      %dma_start3A = tpu.memref_slice %arg6[%add3A_79] : memref<10000xi32, #tpu.memory_space<hbm>> -> memref<128xi32, #tpu.memory_space<hbm>>
      %dma_start3A_151 = tpu.memref_slice %arg6[%add3A_79] : memref<10000xi32, #tpu.memory_space<hbm>> -> memref<128xi32, #tpu.memory_space<hbm>>
      tpu.enqueue_dma source(%dma_start3A_151 : memref<128xi32, #tpu.memory_space<hbm>>) target(%arg10 : memref<128xi32, #tpu.memory_space<vmem>>) target_semaphore(%run_scoped3A : memref<!tpu.dma_semaphore, #tpu.memory_space<semaphore_mem>>)
      %dma_wait3A = tpu.memref_slice %arg6[%add3A_79] : memref<10000xi32, #tpu.memory_space<hbm>> -> memref<128xi32, #tpu.memory_space<hbm>>
      %dma_wait3A_152 = tpu.memref_slice %arg6[%add3A_79] : memref<10000xi32, #tpu.memory_space<hbm>> -> memref<128xi32, #tpu.memory_space<hbm>>
      tpu.wait_dma2 semaphore(%run_scoped3A : memref<!tpu.dma_semaphore, #tpu.memory_space<semaphore_mem>>) src(%dma_wait3A_152 : memref<128xi32, #tpu.memory_space<hbm>>) dst(%arg10 : memref<128xi32, #tpu.memory_space<vmem>>)
      tpu.yield
    }) : () -> ()
    "tpu.region"() ({
      %run_scoped3A = tpu.sem_alloc : memref<!tpu.dma_semaphore, #tpu.memory_space<semaphore_mem>>
      %dma_start3A = arith.constant 0 : i32
      %dma_start3A_151 = arith.constant 0 : i32
      %dma_start3A_152 = tpu.memref_slice %arg9[%dma_start3A, %dma_start3A_151] : memref<10000x128xf32, #tpu.memory_space<vmem_shared>> -> memref<10000x128xf32, #tpu.memory_space<vmem_shared>>
      tpu.enqueue_indirect_dma source(%arg11 : memref<128x128xf32, #tpu.memory_space<vmem>>) target(%dma_start3A_152 : memref<10000x128xf32, #tpu.memory_space<vmem_shared>>) offsets(%arg10 : memref<128xi32, #tpu.memory_space<vmem>>) semaphore(%run_scoped3A : memref<!tpu.dma_semaphore, #tpu.memory_space<semaphore_mem>>)
      %dma_wait3A = arith.constant 0 : i32
      %dma_wait3A_153 = arith.constant 0 : i32
      %dma_wait3A_154 = tpu.memref_slice %arg9[%dma_wait3A, %dma_wait3A_153] : memref<10000x128xf32, #tpu.memory_space<vmem_shared>> -> memref<10000x128xf32, #tpu.memory_space<vmem_shared>>
      tpu.wait_indirect_dma semaphore(%run_scoped3A : memref<!tpu.dma_semaphore, #tpu.memory_space<semaphore_mem>>) src(%arg11 : memref<128x128xf32, #tpu.memory_space<vmem>>) dst(%dma_wait3A_154 : memref<10000x128xf32, #tpu.memory_space<vmem_shared>>)
      tpu.yield
    }) : () -> ()
    %add3A_80 = arith.constant 128 : i32
    %add3A_81 = arith.addi %multiple_of3A, %add3A_80 : i32
    "tpu.region"() ({
      %run_scoped3A = tpu.sem_alloc : memref<!tpu.dma_semaphore, #tpu.memory_space<semaphore_mem>>
      %dma_start3A = tpu.memref_slice %arg6[%add3A_81] : memref<10000xi32, #tpu.memory_space<hbm>> -> memref<128xi32, #tpu.memory_space<hbm>>
      %dma_start3A_151 = tpu.memref_slice %arg6[%add3A_81] : memref<10000xi32, #tpu.memory_space<hbm>> -> memref<128xi32, #tpu.memory_space<hbm>>
      tpu.enqueue_dma source(%dma_start3A_151 : memref<128xi32, #tpu.memory_space<hbm>>) target(%arg10 : memref<128xi32, #tpu.memory_space<vmem>>) target_semaphore(%run_scoped3A : memref<!tpu.dma_semaphore, #tpu.memory_space<semaphore_mem>>)
      %dma_wait3A = tpu.memref_slice %arg6[%add3A_81] : memref<10000xi32, #tpu.memory_space<hbm>> -> memref<128xi32, #tpu.memory_space<hbm>>
      %dma_wait3A_152 = tpu.memref_slice %arg6[%add3A_81] : memref<10000xi32, #tpu.memory_space<hbm>> -> memref<128xi32, #tpu.memory_space<hbm>>
      tpu.wait_dma2 semaphore(%run_scoped3A : memref<!tpu.dma_semaphore, #tpu.memory_space<semaphore_mem>>) src(%dma_wait3A_152 : memref<128xi32, #tpu.memory_space<hbm>>) dst(%arg10 : memref<128xi32, #tpu.memory_space<vmem>>)
      tpu.yield
    }) : () -> ()
    "tpu.region"() ({
      %run_scoped3A = tpu.sem_alloc : memref<!tpu.dma_semaphore, #tpu.memory_space<semaphore_mem>>
      %dma_start3A = arith.constant 0 : i32
      %dma_start3A_151 = arith.constant 0 : i32
      %dma_start3A_152 = tpu.memref_slice %arg9[%dma_start3A, %dma_start3A_151] : memref<10000x128xf32, #tpu.memory_space<vmem_shared>> -> memref<10000x128xf32, #tpu.memory_space<vmem_shared>>
      tpu.enqueue_indirect_dma source(%arg11 : memref<128x128xf32, #tpu.memory_space<vmem>>) target(%dma_start3A_152 : memref<10000x128xf32, #tpu.memory_space<vmem_shared>>) offsets(%arg10 : memref<128xi32, #tpu.memory_space<vmem>>) semaphore(%run_scoped3A : memref<!tpu.dma_semaphore, #tpu.memory_space<semaphore_mem>>)
      %dma_wait3A = arith.constant 0 : i32
      %dma_wait3A_153 = arith.constant 0 : i32
      %dma_wait3A_154 = tpu.memref_slice %arg9[%dma_wait3A, %dma_wait3A_153] : memref<10000x128xf32, #tpu.memory_space<vmem_shared>> -> memref<10000x128xf32, #tpu.memory_space<vmem_shared>>
      tpu.wait_indirect_dma semaphore(%run_scoped3A : memref<!tpu.dma_semaphore, #tpu.memory_space<semaphore_mem>>) src(%arg11 : memref<128x128xf32, #tpu.memory_space<vmem>>) dst(%dma_wait3A_154 : memref<10000x128xf32, #tpu.memory_space<vmem_shared>>)
      tpu.yield
    }) : () -> ()
    %add3A_82 = arith.constant 256 : i32
    %add3A_83 = arith.addi %multiple_of3A, %add3A_82 : i32
    "tpu.region"() ({
      %run_scoped3A = tpu.sem_alloc : memref<!tpu.dma_semaphore, #tpu.memory_space<semaphore_mem>>
      %dma_start3A = tpu.memref_slice %arg6[%add3A_83] : memref<10000xi32, #tpu.memory_space<hbm>> -> memref<128xi32, #tpu.memory_space<hbm>>
      %dma_start3A_151 = tpu.memref_slice %arg6[%add3A_83] : memref<10000xi32, #tpu.memory_space<hbm>> -> memref<128xi32, #tpu.memory_space<hbm>>
      tpu.enqueue_dma source(%dma_start3A_151 : memref<128xi32, #tpu.memory_space<hbm>>) target(%arg10 : memref<128xi32, #tpu.memory_space<vmem>>) target_semaphore(%run_scoped3A : memref<!tpu.dma_semaphore, #tpu.memory_space<semaphore_mem>>)
      %dma_wait3A = tpu.memref_slice %arg6[%add3A_83] : memref<10000xi32, #tpu.memory_space<hbm>> -> memref<128xi32, #tpu.memory_space<hbm>>
      %dma_wait3A_152 = tpu.memref_slice %arg6[%add3A_83] : memref<10000xi32, #tpu.memory_space<hbm>> -> memref<128xi32, #tpu.memory_space<hbm>>
      tpu.wait_dma2 semaphore(%run_scoped3A : memref<!tpu.dma_semaphore, #tpu.memory_space<semaphore_mem>>) src(%dma_wait3A_152 : memref<128xi32, #tpu.memory_space<hbm>>) dst(%arg10 : memref<128xi32, #tpu.memory_space<vmem>>)
      tpu.yield
    }) : () -> ()
    "tpu.region"() ({
      %run_scoped3A = tpu.sem_alloc : memref<!tpu.dma_semaphore, #tpu.memory_space<semaphore_mem>>
      %dma_start3A = arith.constant 0 : i32
      %dma_start3A_151 = arith.constant 0 : i32
      %dma_start3A_152 = tpu.memref_slice %arg9[%dma_start3A, %dma_start3A_151] : memref<10000x128xf32, #tpu.memory_space<vmem_shared>> -> memref<10000x128xf32, #tpu.memory_space<vmem_shared>>
      tpu.enqueue_indirect_dma source(%arg11 : memref<128x128xf32, #tpu.memory_space<vmem>>) target(%dma_start3A_152 : memref<10000x128xf32, #tpu.memory_space<vmem_shared>>) offsets(%arg10 : memref<128xi32, #tpu.memory_space<vmem>>) semaphore(%run_scoped3A : memref<!tpu.dma_semaphore, #tpu.memory_space<semaphore_mem>>)
      %dma_wait3A = arith.constant 0 : i32
      %dma_wait3A_153 = arith.constant 0 : i32
      %dma_wait3A_154 = tpu.memref_slice %arg9[%dma_wait3A, %dma_wait3A_153] : memref<10000x128xf32, #tpu.memory_space<vmem_shared>> -> memref<10000x128xf32, #tpu.memory_space<vmem_shared>>
      tpu.wait_indirect_dma semaphore(%run_scoped3A : memref<!tpu.dma_semaphore, #tpu.memory_space<semaphore_mem>>) src(%arg11 : memref<128x128xf32, #tpu.memory_space<vmem>>) dst(%dma_wait3A_154 : memref<10000x128xf32, #tpu.memory_space<vmem_shared>>)
      tpu.yield
    }) : () -> ()
    %add3A_84 = arith.constant 384 : i32
    %add3A_85 = arith.addi %multiple_of3A, %add3A_84 : i32
    "tpu.region"() ({
      %run_scoped3A = tpu.sem_alloc : memref<!tpu.dma_semaphore, #tpu.memory_space<semaphore_mem>>
      %dma_start3A = tpu.memref_slice %arg6[%add3A_85] : memref<10000xi32, #tpu.memory_space<hbm>> -> memref<128xi32, #tpu.memory_space<hbm>>
      %dma_start3A_151 = tpu.memref_slice %arg6[%add3A_85] : memref<10000xi32, #tpu.memory_space<hbm>> -> memref<128xi32, #tpu.memory_space<hbm>>
      tpu.enqueue_dma source(%dma_start3A_151 : memref<128xi32, #tpu.memory_space<hbm>>) target(%arg10 : memref<128xi32, #tpu.memory_space<vmem>>) target_semaphore(%run_scoped3A : memref<!tpu.dma_semaphore, #tpu.memory_space<semaphore_mem>>)
      %dma_wait3A = tpu.memref_slice %arg6[%add3A_85] : memref<10000xi32, #tpu.memory_space<hbm>> -> memref<128xi32, #tpu.memory_space<hbm>>
      %dma_wait3A_152 = tpu.memref_slice %arg6[%add3A_85] : memref<10000xi32, #tpu.memory_space<hbm>> -> memref<128xi32, #tpu.memory_space<hbm>>
      tpu.wait_dma2 semaphore(%run_scoped3A : memref<!tpu.dma_semaphore, #tpu.memory_space<semaphore_mem>>) src(%dma_wait3A_152 : memref<128xi32, #tpu.memory_space<hbm>>) dst(%arg10 : memref<128xi32, #tpu.memory_space<vmem>>)
      tpu.yield
    }) : () -> ()
    "tpu.region"() ({
      %run_scoped3A = tpu.sem_alloc : memref<!tpu.dma_semaphore, #tpu.memory_space<semaphore_mem>>
      %dma_start3A = arith.constant 0 : i32
      %dma_start3A_151 = arith.constant 0 : i32
      %dma_start3A_152 = tpu.memref_slice %arg9[%dma_start3A, %dma_start3A_151] : memref<10000x128xf32, #tpu.memory_space<vmem_shared>> -> memref<10000x128xf32, #tpu.memory_space<vmem_shared>>
      tpu.enqueue_indirect_dma source(%arg11 : memref<128x128xf32, #tpu.memory_space<vmem>>) target(%dma_start3A_152 : memref<10000x128xf32, #tpu.memory_space<vmem_shared>>) offsets(%arg10 : memref<128xi32, #tpu.memory_space<vmem>>) semaphore(%run_scoped3A : memref<!tpu.dma_semaphore, #tpu.memory_space<semaphore_mem>>)
      %dma_wait3A = arith.constant 0 : i32
      %dma_wait3A_153 = arith.constant 0 : i32
      %dma_wait3A_154 = tpu.memref_slice %arg9[%dma_wait3A, %dma_wait3A_153] : memref<10000x128xf32, #tpu.memory_space<vmem_shared>> -> memref<10000x128xf32, #tpu.memory_space<vmem_shared>>
      tpu.wait_indirect_dma semaphore(%run_scoped3A : memref<!tpu.dma_semaphore, #tpu.memory_space<semaphore_mem>>) src(%arg11 : memref<128x128xf32, #tpu.memory_space<vmem>>) dst(%dma_wait3A_154 : memref<10000x128xf32, #tpu.memory_space<vmem_shared>>)
      tpu.yield
    }) : () -> ()
    %add3A_86 = arith.constant 512 : i32
    %add3A_87 = arith.addi %multiple_of3A, %add3A_86 : i32
    "tpu.region"() ({
      %run_scoped3A = tpu.sem_alloc : memref<!tpu.dma_semaphore, #tpu.memory_space<semaphore_mem>>
      %dma_start3A = tpu.memref_slice %arg6[%add3A_87] : memref<10000xi32, #tpu.memory_space<hbm>> -> memref<128xi32, #tpu.memory_space<hbm>>
      %dma_start3A_151 = tpu.memref_slice %arg6[%add3A_87] : memref<10000xi32, #tpu.memory_space<hbm>> -> memref<128xi32, #tpu.memory_space<hbm>>
      tpu.enqueue_dma source(%dma_start3A_151 : memref<128xi32, #tpu.memory_space<hbm>>) target(%arg10 : memref<128xi32, #tpu.memory_space<vmem>>) target_semaphore(%run_scoped3A : memref<!tpu.dma_semaphore, #tpu.memory_space<semaphore_mem>>)
      %dma_wait3A = tpu.memref_slice %arg6[%add3A_87] : memref<10000xi32, #tpu.memory_space<hbm>> -> memref<128xi32, #tpu.memory_space<hbm>>
      %dma_wait3A_152 = tpu.memref_slice %arg6[%add3A_87] : memref<10000xi32, #tpu.memory_space<hbm>> -> memref<128xi32, #tpu.memory_space<hbm>>
      tpu.wait_dma2 semaphore(%run_scoped3A : memref<!tpu.dma_semaphore, #tpu.memory_space<semaphore_mem>>) src(%dma_wait3A_152 : memref<128xi32, #tpu.memory_space<hbm>>) dst(%arg10 : memref<128xi32, #tpu.memory_space<vmem>>)
      tpu.yield
    }) : () -> ()
    "tpu.region"() ({
      %run_scoped3A = tpu.sem_alloc : memref<!tpu.dma_semaphore, #tpu.memory_space<semaphore_mem>>
      %dma_start3A = arith.constant 0 : i32
      %dma_start3A_151 = arith.constant 0 : i32
      %dma_start3A_152 = tpu.memref_slice %arg9[%dma_start3A, %dma_start3A_151] : memref<10000x128xf32, #tpu.memory_space<vmem_shared>> -> memref<10000x128xf32, #tpu.memory_space<vmem_shared>>
      tpu.enqueue_indirect_dma source(%arg11 : memref<128x128xf32, #tpu.memory_space<vmem>>) target(%dma_start3A_152 : memref<10000x128xf32, #tpu.memory_space<vmem_shared>>) offsets(%arg10 : memref<128xi32, #tpu.memory_space<vmem>>) semaphore(%run_scoped3A : memref<!tpu.dma_semaphore, #tpu.memory_space<semaphore_mem>>)
      %dma_wait3A = arith.constant 0 : i32
      %dma_wait3A_153 = arith.constant 0 : i32
      %dma_wait3A_154 = tpu.memref_slice %arg9[%dma_wait3A, %dma_wait3A_153] : memref<10000x128xf32, #tpu.memory_space<vmem_shared>> -> memref<10000x128xf32, #tpu.memory_space<vmem_shared>>
      tpu.wait_indirect_dma semaphore(%run_scoped3A : memref<!tpu.dma_semaphore, #tpu.memory_space<semaphore_mem>>) src(%arg11 : memref<128x128xf32, #tpu.memory_space<vmem>>) dst(%dma_wait3A_154 : memref<10000x128xf32, #tpu.memory_space<vmem_shared>>)
      tpu.yield
    }) : () -> ()
    %barrier3A_88 = arith.constant 0 : index
    tpu.barrier barrier_id(%barrier3A_88)
    %scan3A_89 = arith.constant 0 : i32
    %scan3A_90 = arith.constant 0 : i32
    %scan3A_91 = arith.constant 78 : i32
    %scan3A_92 = arith.addi %scan3A_90, %scan3A_91 : i32
    %scan3A_93 = arith.constant 1 : i32
    scf.for %scan3A_151 = %scan3A_90 to %scan3A_92 step %scan3A_93  : i32 {
      %mul3A_152 = arith.constant 128 : i32
      %mul3A_153 = arith.muli %scan3A_151, %mul3A_152 : i32
      %add3A_154 = arith.addi %add3A, %mul3A_153 : i32
      %multiple_of3A_155 = tpu.assume_multiple %add3A_154, 8 : i32
      %add3A_156 = arith.constant 0 : i32
      %add3A_157 = arith.addi %add3A_156, %multiple_of3A_155 : i32
      "tpu.region"() ({
        %run_scoped3A = tpu.sem_alloc : memref<!tpu.dma_semaphore, #tpu.memory_space<semaphore_mem>>
        %dma_start3A = tpu.memref_slice %arg4[%add3A_157] : memref<640000xi32, #tpu.memory_space<hbm>> -> memref<128xi32, #tpu.memory_space<hbm>>
        %dma_start3A_160 = tpu.memref_slice %arg4[%add3A_157] : memref<640000xi32, #tpu.memory_space<hbm>> -> memref<128xi32, #tpu.memory_space<hbm>>
        tpu.enqueue_dma source(%dma_start3A_160 : memref<128xi32, #tpu.memory_space<hbm>>) target(%arg10 : memref<128xi32, #tpu.memory_space<vmem>>) target_semaphore(%run_scoped3A : memref<!tpu.dma_semaphore, #tpu.memory_space<semaphore_mem>>)
        %dma_wait3A = tpu.memref_slice %arg4[%add3A_157] : memref<640000xi32, #tpu.memory_space<hbm>> -> memref<128xi32, #tpu.memory_space<hbm>>
        %dma_wait3A_161 = tpu.memref_slice %arg4[%add3A_157] : memref<640000xi32, #tpu.memory_space<hbm>> -> memref<128xi32, #tpu.memory_space<hbm>>
        tpu.wait_dma2 semaphore(%run_scoped3A : memref<!tpu.dma_semaphore, #tpu.memory_space<semaphore_mem>>) src(%dma_wait3A_161 : memref<128xi32, #tpu.memory_space<hbm>>) dst(%arg10 : memref<128xi32, #tpu.memory_space<vmem>>)
        tpu.yield
      }) : () -> ()
      %add3A_158 = arith.constant 0 : i32
      %add3A_159 = arith.addi %add3A_158, %multiple_of3A_155 : i32
      "tpu.region"() ({
        %run_scoped3A = tpu.sem_alloc : memref<!tpu.dma_semaphore, #tpu.memory_space<semaphore_mem>>
        %dma_start3A = arith.constant 0 : i32
        %dma_start3A_160 = tpu.memref_slice %arg3[%add3A_159, %dma_start3A] : memref<320000x128xf32, #tpu.memory_space<hbm>> -> memref<128x128xf32, #tpu.memory_space<hbm>>
        %dma_start3A_161 = arith.constant 0 : i32
        %dma_start3A_162 = tpu.memref_slice %arg3[%add3A_159, %dma_start3A_161] : memref<320000x128xf32, #tpu.memory_space<hbm>> -> memref<128x128xf32, #tpu.memory_space<hbm>>
        tpu.enqueue_dma source(%dma_start3A_162 : memref<128x128xf32, #tpu.memory_space<hbm>>) target(%arg11 : memref<128x128xf32, #tpu.memory_space<vmem>>) target_semaphore(%run_scoped3A : memref<!tpu.dma_semaphore, #tpu.memory_space<semaphore_mem>>)
        %dma_wait3A = arith.constant 0 : i32
        %dma_wait3A_163 = tpu.memref_slice %arg3[%add3A_159, %dma_wait3A] : memref<320000x128xf32, #tpu.memory_space<hbm>> -> memref<128x128xf32, #tpu.memory_space<hbm>>
        %dma_wait3A_164 = arith.constant 0 : i32
        %dma_wait3A_165 = tpu.memref_slice %arg3[%add3A_159, %dma_wait3A_164] : memref<320000x128xf32, #tpu.memory_space<hbm>> -> memref<128x128xf32, #tpu.memory_space<hbm>>
        tpu.wait_dma2 semaphore(%run_scoped3A : memref<!tpu.dma_semaphore, #tpu.memory_space<semaphore_mem>>) src(%dma_wait3A_165 : memref<128x128xf32, #tpu.memory_space<hbm>>) dst(%arg11 : memref<128x128xf32, #tpu.memory_space<vmem>>)
        tpu.yield
      }) : () -> ()
      "tpu.region"() ({
        %run_scoped3A = tpu.sem_alloc : memref<!tpu.dma_semaphore, #tpu.memory_space<semaphore_mem>>
        %dma_start3A = arith.constant 0 : i32
        %dma_start3A_160 = arith.constant 0 : i32
        %dma_start3A_161 = tpu.memref_slice %arg9[%dma_start3A, %dma_start3A_160] : memref<10000x128xf32, #tpu.memory_space<vmem_shared>> -> memref<10000x128xf32, #tpu.memory_space<vmem_shared>>
        tpu.enqueue_indirect_dma source(%arg11 : memref<128x128xf32, #tpu.memory_space<vmem>>) target(%dma_start3A_161 : memref<10000x128xf32, #tpu.memory_space<vmem_shared>>) offsets(%arg10 : memref<128xi32, #tpu.memory_space<vmem>>) semaphore(%run_scoped3A : memref<!tpu.dma_semaphore, #tpu.memory_space<semaphore_mem>>) {add = true}
        %dma_wait3A = arith.constant 0 : i32
        %dma_wait3A_162 = arith.constant 0 : i32
        %dma_wait3A_163 = tpu.memref_slice %arg9[%dma_wait3A, %dma_wait3A_162] : memref<10000x128xf32, #tpu.memory_space<vmem_shared>> -> memref<10000x128xf32, #tpu.memory_space<vmem_shared>>
        tpu.wait_indirect_dma semaphore(%run_scoped3A : memref<!tpu.dma_semaphore, #tpu.memory_space<semaphore_mem>>) src(%arg11 : memref<128x128xf32, #tpu.memory_space<vmem>>) dst(%dma_wait3A_163 : memref<10000x128xf32, #tpu.memory_space<vmem_shared>>)
        tpu.yield
      }) : () -> ()
    }
    %scan3A_94 = arith.constant 78 : i32
    %add3A_95 = arith.constant 9984 : i32
    %add3A_96 = arith.addi %add3A, %add3A_95 : i32
    %multiple_of3A_97 = tpu.assume_multiple %add3A_96, 8 : i32
    %add3A_98 = arith.constant 0 : i32
    %add3A_99 = arith.addi %add3A_98, %multiple_of3A_97 : i32
    "tpu.region"() ({
      %run_scoped3A = tpu.sem_alloc : memref<!tpu.dma_semaphore, #tpu.memory_space<semaphore_mem>>
      %dma_start3A = arith.constant 0 : i32
      %dma_start3A_151 = tpu.memref_slice %arg10[%dma_start3A] : memref<128xi32, #tpu.memory_space<vmem>> -> memref<16xi32, #tpu.memory_space<vmem>>
      %dma_start3A_152 = tpu.memref_slice %arg4[%add3A_99] : memref<640000xi32, #tpu.memory_space<hbm>> -> memref<16xi32, #tpu.memory_space<hbm>>
      %dma_start3A_153 = arith.constant 0 : i32
      %dma_start3A_154 = tpu.memref_slice %arg10[%dma_start3A_153] : memref<128xi32, #tpu.memory_space<vmem>> -> memref<16xi32, #tpu.memory_space<vmem>>
      %dma_start3A_155 = tpu.memref_slice %arg4[%add3A_99] : memref<640000xi32, #tpu.memory_space<hbm>> -> memref<16xi32, #tpu.memory_space<hbm>>
      tpu.enqueue_dma source(%dma_start3A_155 : memref<16xi32, #tpu.memory_space<hbm>>) target(%dma_start3A_154 : memref<16xi32, #tpu.memory_space<vmem>>) target_semaphore(%run_scoped3A : memref<!tpu.dma_semaphore, #tpu.memory_space<semaphore_mem>>)
      %dma_wait3A = arith.constant 0 : i32
      %dma_wait3A_156 = tpu.memref_slice %arg10[%dma_wait3A] : memref<128xi32, #tpu.memory_space<vmem>> -> memref<16xi32, #tpu.memory_space<vmem>>
      %dma_wait3A_157 = tpu.memref_slice %arg4[%add3A_99] : memref<640000xi32, #tpu.memory_space<hbm>> -> memref<16xi32, #tpu.memory_space<hbm>>
      %dma_wait3A_158 = arith.constant 0 : i32
      %dma_wait3A_159 = tpu.memref_slice %arg10[%dma_wait3A_158] : memref<128xi32, #tpu.memory_space<vmem>> -> memref<16xi32, #tpu.memory_space<vmem>>
      %dma_wait3A_160 = tpu.memref_slice %arg4[%add3A_99] : memref<640000xi32, #tpu.memory_space<hbm>> -> memref<16xi32, #tpu.memory_space<hbm>>
      tpu.wait_dma2 semaphore(%run_scoped3A : memref<!tpu.dma_semaphore, #tpu.memory_space<semaphore_mem>>) src(%dma_wait3A_160 : memref<16xi32, #tpu.memory_space<hbm>>) dst(%dma_wait3A_159 : memref<16xi32, #tpu.memory_space<vmem>>)
      tpu.yield
    }) : () -> ()
    %add3A_100 = arith.constant 0 : i32
    %add3A_101 = arith.addi %add3A_100, %multiple_of3A_97 : i32
    "tpu.region"() ({
      %run_scoped3A = tpu.sem_alloc : memref<!tpu.dma_semaphore, #tpu.memory_space<semaphore_mem>>
      %dma_start3A = arith.constant 0 : i32
      %dma_start3A_151 = arith.constant 0 : i32
      %dma_start3A_152 = tpu.memref_slice %arg11[%dma_start3A, %dma_start3A_151] : memref<128x128xf32, #tpu.memory_space<vmem>> -> memref<16x128xf32, #tpu.memory_space<vmem>>
      %dma_start3A_153 = arith.constant 0 : i32
      %dma_start3A_154 = tpu.memref_slice %arg3[%add3A_101, %dma_start3A_153] : memref<320000x128xf32, #tpu.memory_space<hbm>> -> memref<16x128xf32, #tpu.memory_space<hbm>>
      %dma_start3A_155 = arith.constant 0 : i32
      %dma_start3A_156 = arith.constant 0 : i32
      %dma_start3A_157 = tpu.memref_slice %arg11[%dma_start3A_155, %dma_start3A_156] : memref<128x128xf32, #tpu.memory_space<vmem>> -> memref<16x128xf32, #tpu.memory_space<vmem>>
      %dma_start3A_158 = arith.constant 0 : i32
      %dma_start3A_159 = tpu.memref_slice %arg3[%add3A_101, %dma_start3A_158] : memref<320000x128xf32, #tpu.memory_space<hbm>> -> memref<16x128xf32, #tpu.memory_space<hbm>>
      tpu.enqueue_dma source(%dma_start3A_159 : memref<16x128xf32, #tpu.memory_space<hbm>>) target(%dma_start3A_157 : memref<16x128xf32, #tpu.memory_space<vmem>>) target_semaphore(%run_scoped3A : memref<!tpu.dma_semaphore, #tpu.memory_space<semaphore_mem>>)
      %dma_wait3A = arith.constant 0 : i32
      %dma_wait3A_160 = arith.constant 0 : i32
      %dma_wait3A_161 = tpu.memref_slice %arg11[%dma_wait3A, %dma_wait3A_160] : memref<128x128xf32, #tpu.memory_space<vmem>> -> memref<16x128xf32, #tpu.memory_space<vmem>>
      %dma_wait3A_162 = arith.constant 0 : i32
      %dma_wait3A_163 = tpu.memref_slice %arg3[%add3A_101, %dma_wait3A_162] : memref<320000x128xf32, #tpu.memory_space<hbm>> -> memref<16x128xf32, #tpu.memory_space<hbm>>
      %dma_wait3A_164 = arith.constant 0 : i32
      %dma_wait3A_165 = arith.constant 0 : i32
      %dma_wait3A_166 = tpu.memref_slice %arg11[%dma_wait3A_164, %dma_wait3A_165] : memref<128x128xf32, #tpu.memory_space<vmem>> -> memref<16x128xf32, #tpu.memory_space<vmem>>
      %dma_wait3A_167 = arith.constant 0 : i32
      %dma_wait3A_168 = tpu.memref_slice %arg3[%add3A_101, %dma_wait3A_167] : memref<320000x128xf32, #tpu.memory_space<hbm>> -> memref<16x128xf32, #tpu.memory_space<hbm>>
      tpu.wait_dma2 semaphore(%run_scoped3A : memref<!tpu.dma_semaphore, #tpu.memory_space<semaphore_mem>>) src(%dma_wait3A_168 : memref<16x128xf32, #tpu.memory_space<hbm>>) dst(%dma_wait3A_166 : memref<16x128xf32, #tpu.memory_space<vmem>>)
      tpu.yield
    }) : () -> ()
    "tpu.region"() ({
      %run_scoped3A = tpu.sem_alloc : memref<!tpu.dma_semaphore, #tpu.memory_space<semaphore_mem>>
      %dma_start3A = arith.constant 16 : i32
      %dma_start3A_151 = arith.constant 0 : i32
      %dma_start3A_152 = tpu.memref_slice %arg11[%dma_start3A, %dma_start3A_151] : memref<128x128xf32, #tpu.memory_space<vmem>> -> memref<112x128xf32, #tpu.memory_space<vmem>>
      %dma_start3A_153 = arith.constant 0 : i32
      %dma_start3A_154 = arith.constant 0 : i32
      %dma_start3A_155 = tpu.memref_slice %arg5[%dma_start3A_153, %dma_start3A_154] : memref<128x128xf32, #tpu.memory_space<hbm>> -> memref<112x128xf32, #tpu.memory_space<hbm>>
      %dma_start3A_156 = arith.constant 16 : i32
      %dma_start3A_157 = arith.constant 0 : i32
      %dma_start3A_158 = tpu.memref_slice %arg11[%dma_start3A_156, %dma_start3A_157] : memref<128x128xf32, #tpu.memory_space<vmem>> -> memref<112x128xf32, #tpu.memory_space<vmem>>
      %dma_start3A_159 = arith.constant 0 : i32
      %dma_start3A_160 = arith.constant 0 : i32
      %dma_start3A_161 = tpu.memref_slice %arg5[%dma_start3A_159, %dma_start3A_160] : memref<128x128xf32, #tpu.memory_space<hbm>> -> memref<112x128xf32, #tpu.memory_space<hbm>>
      tpu.enqueue_dma source(%dma_start3A_161 : memref<112x128xf32, #tpu.memory_space<hbm>>) target(%dma_start3A_158 : memref<112x128xf32, #tpu.memory_space<vmem>>) target_semaphore(%run_scoped3A : memref<!tpu.dma_semaphore, #tpu.memory_space<semaphore_mem>>)
      %dma_wait3A = arith.constant 16 : i32
      %dma_wait3A_162 = arith.constant 0 : i32
      %dma_wait3A_163 = tpu.memref_slice %arg11[%dma_wait3A, %dma_wait3A_162] : memref<128x128xf32, #tpu.memory_space<vmem>> -> memref<112x128xf32, #tpu.memory_space<vmem>>
      %dma_wait3A_164 = arith.constant 0 : i32
      %dma_wait3A_165 = arith.constant 0 : i32
      %dma_wait3A_166 = tpu.memref_slice %arg5[%dma_wait3A_164, %dma_wait3A_165] : memref<128x128xf32, #tpu.memory_space<hbm>> -> memref<112x128xf32, #tpu.memory_space<hbm>>
      %dma_wait3A_167 = arith.constant 16 : i32
      %dma_wait3A_168 = arith.constant 0 : i32
      %dma_wait3A_169 = tpu.memref_slice %arg11[%dma_wait3A_167, %dma_wait3A_168] : memref<128x128xf32, #tpu.memory_space<vmem>> -> memref<112x128xf32, #tpu.memory_space<vmem>>
      %dma_wait3A_170 = arith.constant 0 : i32
      %dma_wait3A_171 = arith.constant 0 : i32
      %dma_wait3A_172 = tpu.memref_slice %arg5[%dma_wait3A_170, %dma_wait3A_171] : memref<128x128xf32, #tpu.memory_space<hbm>> -> memref<112x128xf32, #tpu.memory_space<hbm>>
      tpu.wait_dma2 semaphore(%run_scoped3A : memref<!tpu.dma_semaphore, #tpu.memory_space<semaphore_mem>>) src(%dma_wait3A_172 : memref<112x128xf32, #tpu.memory_space<hbm>>) dst(%dma_wait3A_169 : memref<112x128xf32, #tpu.memory_space<vmem>>)
      tpu.yield
    }) : () -> ()
    "tpu.region"() ({
      %run_scoped3A = tpu.sem_alloc : memref<!tpu.dma_semaphore, #tpu.memory_space<semaphore_mem>>
      %dma_start3A = arith.constant 0 : i32
      %dma_start3A_151 = arith.constant 0 : i32
      %dma_start3A_152 = tpu.memref_slice %arg9[%dma_start3A, %dma_start3A_151] : memref<10000x128xf32, #tpu.memory_space<vmem_shared>> -> memref<10000x128xf32, #tpu.memory_space<vmem_shared>>
      tpu.enqueue_indirect_dma source(%arg11 : memref<128x128xf32, #tpu.memory_space<vmem>>) target(%dma_start3A_152 : memref<10000x128xf32, #tpu.memory_space<vmem_shared>>) offsets(%arg10 : memref<128xi32, #tpu.memory_space<vmem>>) semaphore(%run_scoped3A : memref<!tpu.dma_semaphore, #tpu.memory_space<semaphore_mem>>) {add = true}
      %dma_wait3A = arith.constant 0 : i32
      %dma_wait3A_153 = arith.constant 0 : i32
      %dma_wait3A_154 = tpu.memref_slice %arg9[%dma_wait3A, %dma_wait3A_153] : memref<10000x128xf32, #tpu.memory_space<vmem_shared>> -> memref<10000x128xf32, #tpu.memory_space<vmem_shared>>
      tpu.wait_indirect_dma semaphore(%run_scoped3A : memref<!tpu.dma_semaphore, #tpu.memory_space<semaphore_mem>>) src(%arg11 : memref<128x128xf32, #tpu.memory_space<vmem>>) dst(%dma_wait3A_154 : memref<10000x128xf32, #tpu.memory_space<vmem_shared>>)
      tpu.yield
    }) : () -> ()
    %scan3A_102 = arith.constant 0 : i32
    %scan3A_103 = arith.constant 0 : i32
    %scan3A_104 = arith.constant 78 : i32
    %scan3A_105 = arith.addi %scan3A_103, %scan3A_104 : i32
    %scan3A_106 = arith.constant 1 : i32
    scf.for %scan3A_151 = %scan3A_103 to %scan3A_105 step %scan3A_106  : i32 {
      %mul3A_152 = arith.constant 128 : i32
      %mul3A_153 = arith.muli %scan3A_151, %mul3A_152 : i32
      %add3A_154 = arith.addi %add3A, %mul3A_153 : i32
      %multiple_of3A_155 = tpu.assume_multiple %add3A_154, 8 : i32
      %add3A_156 = arith.constant 320000 : i32
      %add3A_157 = arith.addi %add3A_156, %multiple_of3A_155 : i32
      "tpu.region"() ({
        %run_scoped3A = tpu.sem_alloc : memref<!tpu.dma_semaphore, #tpu.memory_space<semaphore_mem>>
        %dma_start3A = tpu.memref_slice %arg4[%add3A_157] : memref<640000xi32, #tpu.memory_space<hbm>> -> memref<128xi32, #tpu.memory_space<hbm>>
        %dma_start3A_160 = tpu.memref_slice %arg4[%add3A_157] : memref<640000xi32, #tpu.memory_space<hbm>> -> memref<128xi32, #tpu.memory_space<hbm>>
        tpu.enqueue_dma source(%dma_start3A_160 : memref<128xi32, #tpu.memory_space<hbm>>) target(%arg10 : memref<128xi32, #tpu.memory_space<vmem>>) target_semaphore(%run_scoped3A : memref<!tpu.dma_semaphore, #tpu.memory_space<semaphore_mem>>)
        %dma_wait3A = tpu.memref_slice %arg4[%add3A_157] : memref<640000xi32, #tpu.memory_space<hbm>> -> memref<128xi32, #tpu.memory_space<hbm>>
        %dma_wait3A_161 = tpu.memref_slice %arg4[%add3A_157] : memref<640000xi32, #tpu.memory_space<hbm>> -> memref<128xi32, #tpu.memory_space<hbm>>
        tpu.wait_dma2 semaphore(%run_scoped3A : memref<!tpu.dma_semaphore, #tpu.memory_space<semaphore_mem>>) src(%dma_wait3A_161 : memref<128xi32, #tpu.memory_space<hbm>>) dst(%arg10 : memref<128xi32, #tpu.memory_space<vmem>>)
        tpu.yield
      }) : () -> ()
      %add3A_158 = arith.constant 0 : i32
      %add3A_159 = arith.addi %add3A_158, %multiple_of3A_155 : i32
      "tpu.region"() ({
        %run_scoped3A = tpu.sem_alloc : memref<!tpu.dma_semaphore, #tpu.memory_space<semaphore_mem>>
        %dma_start3A = arith.constant 0 : i32
        %dma_start3A_160 = tpu.memref_slice %arg3[%add3A_159, %dma_start3A] : memref<320000x128xf32, #tpu.memory_space<hbm>> -> memref<128x128xf32, #tpu.memory_space<hbm>>
        %dma_start3A_161 = arith.constant 0 : i32
        %dma_start3A_162 = tpu.memref_slice %arg3[%add3A_159, %dma_start3A_161] : memref<320000x128xf32, #tpu.memory_space<hbm>> -> memref<128x128xf32, #tpu.memory_space<hbm>>
        tpu.enqueue_dma source(%dma_start3A_162 : memref<128x128xf32, #tpu.memory_space<hbm>>) target(%arg11 : memref<128x128xf32, #tpu.memory_space<vmem>>) target_semaphore(%run_scoped3A : memref<!tpu.dma_semaphore, #tpu.memory_space<semaphore_mem>>)
        %dma_wait3A = arith.constant 0 : i32
        %dma_wait3A_163 = tpu.memref_slice %arg3[%add3A_159, %dma_wait3A] : memref<320000x128xf32, #tpu.memory_space<hbm>> -> memref<128x128xf32, #tpu.memory_space<hbm>>
        %dma_wait3A_164 = arith.constant 0 : i32
        %dma_wait3A_165 = tpu.memref_slice %arg3[%add3A_159, %dma_wait3A_164] : memref<320000x128xf32, #tpu.memory_space<hbm>> -> memref<128x128xf32, #tpu.memory_space<hbm>>
        tpu.wait_dma2 semaphore(%run_scoped3A : memref<!tpu.dma_semaphore, #tpu.memory_space<semaphore_mem>>) src(%dma_wait3A_165 : memref<128x128xf32, #tpu.memory_space<hbm>>) dst(%arg11 : memref<128x128xf32, #tpu.memory_space<vmem>>)
        tpu.yield
      }) : () -> ()
      "tpu.region"() ({
        %run_scoped3A = tpu.sem_alloc : memref<!tpu.dma_semaphore, #tpu.memory_space<semaphore_mem>>
        %dma_start3A = arith.constant 0 : i32
        %dma_start3A_160 = arith.constant 0 : i32
        %dma_start3A_161 = tpu.memref_slice %arg9[%dma_start3A, %dma_start3A_160] : memref<10000x128xf32, #tpu.memory_space<vmem_shared>> -> memref<10000x128xf32, #tpu.memory_space<vmem_shared>>
        tpu.enqueue_indirect_dma source(%arg11 : memref<128x128xf32, #tpu.memory_space<vmem>>) target(%dma_start3A_161 : memref<10000x128xf32, #tpu.memory_space<vmem_shared>>) offsets(%arg10 : memref<128xi32, #tpu.memory_space<vmem>>) semaphore(%run_scoped3A : memref<!tpu.dma_semaphore, #tpu.memory_space<semaphore_mem>>) {add = true}
        %dma_wait3A = arith.constant 0 : i32
        %dma_wait3A_162 = arith.constant 0 : i32
        %dma_wait3A_163 = tpu.memref_slice %arg9[%dma_wait3A, %dma_wait3A_162] : memref<10000x128xf32, #tpu.memory_space<vmem_shared>> -> memref<10000x128xf32, #tpu.memory_space<vmem_shared>>
        tpu.wait_indirect_dma semaphore(%run_scoped3A : memref<!tpu.dma_semaphore, #tpu.memory_space<semaphore_mem>>) src(%arg11 : memref<128x128xf32, #tpu.memory_space<vmem>>) dst(%dma_wait3A_163 : memref<10000x128xf32, #tpu.memory_space<vmem_shared>>)
        tpu.yield
      }) : () -> ()
    }
    %scan3A_107 = arith.constant 78 : i32
    %add3A_108 = arith.constant 9984 : i32
    %add3A_109 = arith.addi %add3A, %add3A_108 : i32
    %multiple_of3A_110 = tpu.assume_multiple %add3A_109, 8 : i32
    %add3A_111 = arith.constant 320000 : i32
    %add3A_112 = arith.addi %add3A_111, %multiple_of3A_110 : i32
    "tpu.region"() ({
      %run_scoped3A = tpu.sem_alloc : memref<!tpu.dma_semaphore, #tpu.memory_space<semaphore_mem>>
      %dma_start3A = arith.constant 0 : i32
      %dma_start3A_151 = tpu.memref_slice %arg10[%dma_start3A] : memref<128xi32, #tpu.memory_space<vmem>> -> memref<16xi32, #tpu.memory_space<vmem>>
      %dma_start3A_152 = tpu.memref_slice %arg4[%add3A_112] : memref<640000xi32, #tpu.memory_space<hbm>> -> memref<16xi32, #tpu.memory_space<hbm>>
      %dma_start3A_153 = arith.constant 0 : i32
      %dma_start3A_154 = tpu.memref_slice %arg10[%dma_start3A_153] : memref<128xi32, #tpu.memory_space<vmem>> -> memref<16xi32, #tpu.memory_space<vmem>>
      %dma_start3A_155 = tpu.memref_slice %arg4[%add3A_112] : memref<640000xi32, #tpu.memory_space<hbm>> -> memref<16xi32, #tpu.memory_space<hbm>>
      tpu.enqueue_dma source(%dma_start3A_155 : memref<16xi32, #tpu.memory_space<hbm>>) target(%dma_start3A_154 : memref<16xi32, #tpu.memory_space<vmem>>) target_semaphore(%run_scoped3A : memref<!tpu.dma_semaphore, #tpu.memory_space<semaphore_mem>>)
      %dma_wait3A = arith.constant 0 : i32
      %dma_wait3A_156 = tpu.memref_slice %arg10[%dma_wait3A] : memref<128xi32, #tpu.memory_space<vmem>> -> memref<16xi32, #tpu.memory_space<vmem>>
      %dma_wait3A_157 = tpu.memref_slice %arg4[%add3A_112] : memref<640000xi32, #tpu.memory_space<hbm>> -> memref<16xi32, #tpu.memory_space<hbm>>
      %dma_wait3A_158 = arith.constant 0 : i32
      %dma_wait3A_159 = tpu.memref_slice %arg10[%dma_wait3A_158] : memref<128xi32, #tpu.memory_space<vmem>> -> memref<16xi32, #tpu.memory_space<vmem>>
      %dma_wait3A_160 = tpu.memref_slice %arg4[%add3A_112] : memref<640000xi32, #tpu.memory_space<hbm>> -> memref<16xi32, #tpu.memory_space<hbm>>
      tpu.wait_dma2 semaphore(%run_scoped3A : memref<!tpu.dma_semaphore, #tpu.memory_space<semaphore_mem>>) src(%dma_wait3A_160 : memref<16xi32, #tpu.memory_space<hbm>>) dst(%dma_wait3A_159 : memref<16xi32, #tpu.memory_space<vmem>>)
      tpu.yield
    }) : () -> ()
    %add3A_113 = arith.constant 0 : i32
    %add3A_114 = arith.addi %add3A_113, %multiple_of3A_110 : i32
    "tpu.region"() ({
      %run_scoped3A = tpu.sem_alloc : memref<!tpu.dma_semaphore, #tpu.memory_space<semaphore_mem>>
      %dma_start3A = arith.constant 0 : i32
      %dma_start3A_151 = arith.constant 0 : i32
      %dma_start3A_152 = tpu.memref_slice %arg11[%dma_start3A, %dma_start3A_151] : memref<128x128xf32, #tpu.memory_space<vmem>> -> memref<16x128xf32, #tpu.memory_space<vmem>>
      %dma_start3A_153 = arith.constant 0 : i32
      %dma_start3A_154 = tpu.memref_slice %arg3[%add3A_114, %dma_start3A_153] : memref<320000x128xf32, #tpu.memory_space<hbm>> -> memref<16x128xf32, #tpu.memory_space<hbm>>
      %dma_start3A_155 = arith.constant 0 : i32
      %dma_start3A_156 = arith.constant 0 : i32
      %dma_start3A_157 = tpu.memref_slice %arg11[%dma_start3A_155, %dma_start3A_156] : memref<128x128xf32, #tpu.memory_space<vmem>> -> memref<16x128xf32, #tpu.memory_space<vmem>>
      %dma_start3A_158 = arith.constant 0 : i32
      %dma_start3A_159 = tpu.memref_slice %arg3[%add3A_114, %dma_start3A_158] : memref<320000x128xf32, #tpu.memory_space<hbm>> -> memref<16x128xf32, #tpu.memory_space<hbm>>
      tpu.enqueue_dma source(%dma_start3A_159 : memref<16x128xf32, #tpu.memory_space<hbm>>) target(%dma_start3A_157 : memref<16x128xf32, #tpu.memory_space<vmem>>) target_semaphore(%run_scoped3A : memref<!tpu.dma_semaphore, #tpu.memory_space<semaphore_mem>>)
      %dma_wait3A = arith.constant 0 : i32
      %dma_wait3A_160 = arith.constant 0 : i32
      %dma_wait3A_161 = tpu.memref_slice %arg11[%dma_wait3A, %dma_wait3A_160] : memref<128x128xf32, #tpu.memory_space<vmem>> -> memref<16x128xf32, #tpu.memory_space<vmem>>
      %dma_wait3A_162 = arith.constant 0 : i32
      %dma_wait3A_163 = tpu.memref_slice %arg3[%add3A_114, %dma_wait3A_162] : memref<320000x128xf32, #tpu.memory_space<hbm>> -> memref<16x128xf32, #tpu.memory_space<hbm>>
      %dma_wait3A_164 = arith.constant 0 : i32
      %dma_wait3A_165 = arith.constant 0 : i32
      %dma_wait3A_166 = tpu.memref_slice %arg11[%dma_wait3A_164, %dma_wait3A_165] : memref<128x128xf32, #tpu.memory_space<vmem>> -> memref<16x128xf32, #tpu.memory_space<vmem>>
      %dma_wait3A_167 = arith.constant 0 : i32
      %dma_wait3A_168 = tpu.memref_slice %arg3[%add3A_114, %dma_wait3A_167] : memref<320000x128xf32, #tpu.memory_space<hbm>> -> memref<16x128xf32, #tpu.memory_space<hbm>>
      tpu.wait_dma2 semaphore(%run_scoped3A : memref<!tpu.dma_semaphore, #tpu.memory_space<semaphore_mem>>) src(%dma_wait3A_168 : memref<16x128xf32, #tpu.memory_space<hbm>>) dst(%dma_wait3A_166 : memref<16x128xf32, #tpu.memory_space<vmem>>)
      tpu.yield
    }) : () -> ()
    "tpu.region"() ({
      %run_scoped3A = tpu.sem_alloc : memref<!tpu.dma_semaphore, #tpu.memory_space<semaphore_mem>>
      %dma_start3A = arith.constant 16 : i32
      %dma_start3A_151 = arith.constant 0 : i32
      %dma_start3A_152 = tpu.memref_slice %arg11[%dma_start3A, %dma_start3A_151] : memref<128x128xf32, #tpu.memory_space<vmem>> -> memref<112x128xf32, #tpu.memory_space<vmem>>
      %dma_start3A_153 = arith.constant 0 : i32
      %dma_start3A_154 = arith.constant 0 : i32
      %dma_start3A_155 = tpu.memref_slice %arg5[%dma_start3A_153, %dma_start3A_154] : memref<128x128xf32, #tpu.memory_space<hbm>> -> memref<112x128xf32, #tpu.memory_space<hbm>>
      %dma_start3A_156 = arith.constant 16 : i32
      %dma_start3A_157 = arith.constant 0 : i32
      %dma_start3A_158 = tpu.memref_slice %arg11[%dma_start3A_156, %dma_start3A_157] : memref<128x128xf32, #tpu.memory_space<vmem>> -> memref<112x128xf32, #tpu.memory_space<vmem>>
      %dma_start3A_159 = arith.constant 0 : i32
      %dma_start3A_160 = arith.constant 0 : i32
      %dma_start3A_161 = tpu.memref_slice %arg5[%dma_start3A_159, %dma_start3A_160] : memref<128x128xf32, #tpu.memory_space<hbm>> -> memref<112x128xf32, #tpu.memory_space<hbm>>
      tpu.enqueue_dma source(%dma_start3A_161 : memref<112x128xf32, #tpu.memory_space<hbm>>) target(%dma_start3A_158 : memref<112x128xf32, #tpu.memory_space<vmem>>) target_semaphore(%run_scoped3A : memref<!tpu.dma_semaphore, #tpu.memory_space<semaphore_mem>>)
      %dma_wait3A = arith.constant 16 : i32
      %dma_wait3A_162 = arith.constant 0 : i32
      %dma_wait3A_163 = tpu.memref_slice %arg11[%dma_wait3A, %dma_wait3A_162] : memref<128x128xf32, #tpu.memory_space<vmem>> -> memref<112x128xf32, #tpu.memory_space<vmem>>
      %dma_wait3A_164 = arith.constant 0 : i32
      %dma_wait3A_165 = arith.constant 0 : i32
      %dma_wait3A_166 = tpu.memref_slice %arg5[%dma_wait3A_164, %dma_wait3A_165] : memref<128x128xf32, #tpu.memory_space<hbm>> -> memref<112x128xf32, #tpu.memory_space<hbm>>
      %dma_wait3A_167 = arith.constant 16 : i32
      %dma_wait3A_168 = arith.constant 0 : i32
      %dma_wait3A_169 = tpu.memref_slice %arg11[%dma_wait3A_167, %dma_wait3A_168] : memref<128x128xf32, #tpu.memory_space<vmem>> -> memref<112x128xf32, #tpu.memory_space<vmem>>
      %dma_wait3A_170 = arith.constant 0 : i32
      %dma_wait3A_171 = arith.constant 0 : i32
      %dma_wait3A_172 = tpu.memref_slice %arg5[%dma_wait3A_170, %dma_wait3A_171] : memref<128x128xf32, #tpu.memory_space<hbm>> -> memref<112x128xf32, #tpu.memory_space<hbm>>
      tpu.wait_dma2 semaphore(%run_scoped3A : memref<!tpu.dma_semaphore, #tpu.memory_space<semaphore_mem>>) src(%dma_wait3A_172 : memref<112x128xf32, #tpu.memory_space<hbm>>) dst(%dma_wait3A_169 : memref<112x128xf32, #tpu.memory_space<vmem>>)
      tpu.yield
    }) : () -> ()
    "tpu.region"() ({
      %run_scoped3A = tpu.sem_alloc : memref<!tpu.dma_semaphore, #tpu.memory_space<semaphore_mem>>
      %dma_start3A = arith.constant 0 : i32
      %dma_start3A_151 = arith.constant 0 : i32
      %dma_start3A_152 = tpu.memref_slice %arg9[%dma_start3A, %dma_start3A_151] : memref<10000x128xf32, #tpu.memory_space<vmem_shared>> -> memref<10000x128xf32, #tpu.memory_space<vmem_shared>>
      tpu.enqueue_indirect_dma source(%arg11 : memref<128x128xf32, #tpu.memory_space<vmem>>) target(%dma_start3A_152 : memref<10000x128xf32, #tpu.memory_space<vmem_shared>>) offsets(%arg10 : memref<128xi32, #tpu.memory_space<vmem>>) semaphore(%run_scoped3A : memref<!tpu.dma_semaphore, #tpu.memory_space<semaphore_mem>>) {add = true}
      %dma_wait3A = arith.constant 0 : i32
      %dma_wait3A_153 = arith.constant 0 : i32
      %dma_wait3A_154 = tpu.memref_slice %arg9[%dma_wait3A, %dma_wait3A_153] : memref<10000x128xf32, #tpu.memory_space<vmem_shared>> -> memref<10000x128xf32, #tpu.memory_space<vmem_shared>>
      tpu.wait_indirect_dma semaphore(%run_scoped3A : memref<!tpu.dma_semaphore, #tpu.memory_space<semaphore_mem>>) src(%arg11 : memref<128x128xf32, #tpu.memory_space<vmem>>) dst(%dma_wait3A_154 : memref<10000x128xf32, #tpu.memory_space<vmem_shared>>)
      tpu.yield
    }) : () -> ()
    %barrier3A_115 = arith.constant 0 : index
    tpu.barrier barrier_id(%barrier3A_115)
    %add3A_116 = arith.constant 0 : i32
    %add3A_117 = arith.addi %multiple_of3A, %add3A_116 : i32
    "tpu.region"() ({
      %run_scoped3A = tpu.sem_alloc : memref<!tpu.dma_semaphore, #tpu.memory_space<semaphore_mem>>
      %dma_start3A = tpu.memref_slice %arg6[%add3A_117] : memref<10000xi32, #tpu.memory_space<hbm>> -> memref<128xi32, #tpu.memory_space<hbm>>
      %dma_start3A_151 = tpu.memref_slice %arg6[%add3A_117] : memref<10000xi32, #tpu.memory_space<hbm>> -> memref<128xi32, #tpu.memory_space<hbm>>
      tpu.enqueue_dma source(%dma_start3A_151 : memref<128xi32, #tpu.memory_space<hbm>>) target(%arg10 : memref<128xi32, #tpu.memory_space<vmem>>) target_semaphore(%run_scoped3A : memref<!tpu.dma_semaphore, #tpu.memory_space<semaphore_mem>>)
      %dma_wait3A = tpu.memref_slice %arg6[%add3A_117] : memref<10000xi32, #tpu.memory_space<hbm>> -> memref<128xi32, #tpu.memory_space<hbm>>
      %dma_wait3A_152 = tpu.memref_slice %arg6[%add3A_117] : memref<10000xi32, #tpu.memory_space<hbm>> -> memref<128xi32, #tpu.memory_space<hbm>>
      tpu.wait_dma2 semaphore(%run_scoped3A : memref<!tpu.dma_semaphore, #tpu.memory_space<semaphore_mem>>) src(%dma_wait3A_152 : memref<128xi32, #tpu.memory_space<hbm>>) dst(%arg10 : memref<128xi32, #tpu.memory_space<vmem>>)
      tpu.yield
    }) : () -> ()
    "tpu.region"() ({
      %run_scoped3A = tpu.sem_alloc : memref<!tpu.dma_semaphore, #tpu.memory_space<semaphore_mem>>
      %dma_start3A = arith.constant 0 : i32
      %dma_start3A_151 = arith.constant 0 : i32
      %dma_start3A_152 = tpu.memref_slice %arg9[%dma_start3A, %dma_start3A_151] : memref<10000x128xf32, #tpu.memory_space<vmem_shared>> -> memref<10000x128xf32, #tpu.memory_space<vmem_shared>>
      tpu.enqueue_indirect_dma source(%dma_start3A_152 : memref<10000x128xf32, #tpu.memory_space<vmem_shared>>) target(%arg11 : memref<128x128xf32, #tpu.memory_space<vmem>>) offsets(%arg10 : memref<128xi32, #tpu.memory_space<vmem>>) semaphore(%run_scoped3A : memref<!tpu.dma_semaphore, #tpu.memory_space<semaphore_mem>>)
      %dma_wait3A = arith.constant 0 : i32
      %dma_wait3A_153 = arith.constant 0 : i32
      %dma_wait3A_154 = tpu.memref_slice %arg9[%dma_wait3A, %dma_wait3A_153] : memref<10000x128xf32, #tpu.memory_space<vmem_shared>> -> memref<10000x128xf32, #tpu.memory_space<vmem_shared>>
      tpu.wait_indirect_dma semaphore(%run_scoped3A : memref<!tpu.dma_semaphore, #tpu.memory_space<semaphore_mem>>) src(%dma_wait3A_154 : memref<10000x128xf32, #tpu.memory_space<vmem_shared>>) dst(%arg11 : memref<128x128xf32, #tpu.memory_space<vmem>>)
      tpu.yield
    }) : () -> ()
    %mul3A_118 = arith.constant 10000 : i32
    %mul3A_119 = arith.muli %arg0, %mul3A_118 : i32
    %add3A_120 = arith.addi %mul3A_119, %multiple_of3A : i32
    %add3A_121 = arith.constant 0 : i32
    %add3A_122 = arith.addi %add3A_120, %add3A_121 : i32
    "tpu.region"() ({
      %run_scoped3A = tpu.sem_alloc : memref<!tpu.dma_semaphore, #tpu.memory_space<semaphore_mem>>
      %dma_start3A = arith.constant 0 : i32
      %dma_start3A_151 = arith.constant 0 : i32
      %dma_start3A_152 = tpu.memref_slice %arg11[%dma_start3A, %dma_start3A_151] : memref<128x128xf32, #tpu.memory_space<vmem>> -> memref<128x128xf32, #tpu.memory_space<vmem>>
      %dma_start3A_153 = arith.constant 0 : i32
      %dma_start3A_154 = tpu.memref_slice %arg8[%add3A_122, %dma_start3A_153] : memref<20000x128xf32, #tpu.memory_space<hbm>> -> memref<128x128xf32, #tpu.memory_space<hbm>>
      %dma_start3A_155 = arith.constant 0 : i32
      %dma_start3A_156 = tpu.memref_slice %arg8[%add3A_122, %dma_start3A_155] : memref<20000x128xf32, #tpu.memory_space<hbm>> -> memref<128x128xf32, #tpu.memory_space<hbm>>
      %dma_start3A_157 = arith.constant 0 : i32
      %dma_start3A_158 = arith.constant 0 : i32
      %dma_start3A_159 = tpu.memref_slice %arg11[%dma_start3A_157, %dma_start3A_158] : memref<128x128xf32, #tpu.memory_space<vmem>> -> memref<128x128xf32, #tpu.memory_space<vmem>>
      tpu.enqueue_dma source(%dma_start3A_159 : memref<128x128xf32, #tpu.memory_space<vmem>>) target(%dma_start3A_156 : memref<128x128xf32, #tpu.memory_space<hbm>>) target_semaphore(%run_scoped3A : memref<!tpu.dma_semaphore, #tpu.memory_space<semaphore_mem>>)
      %dma_wait3A = arith.constant 0 : i32
      %dma_wait3A_160 = arith.constant 0 : i32
      %dma_wait3A_161 = tpu.memref_slice %arg11[%dma_wait3A, %dma_wait3A_160] : memref<128x128xf32, #tpu.memory_space<vmem>> -> memref<128x128xf32, #tpu.memory_space<vmem>>
      %dma_wait3A_162 = arith.constant 0 : i32
      %dma_wait3A_163 = tpu.memref_slice %arg8[%add3A_122, %dma_wait3A_162] : memref<20000x128xf32, #tpu.memory_space<hbm>> -> memref<128x128xf32, #tpu.memory_space<hbm>>
      %dma_wait3A_164 = arith.constant 0 : i32
      %dma_wait3A_165 = tpu.memref_slice %arg8[%add3A_122, %dma_wait3A_164] : memref<20000x128xf32, #tpu.memory_space<hbm>> -> memref<128x128xf32, #tpu.memory_space<hbm>>
      %dma_wait3A_166 = arith.constant 0 : i32
      %dma_wait3A_167 = arith.constant 0 : i32
      %dma_wait3A_168 = tpu.memref_slice %arg11[%dma_wait3A_166, %dma_wait3A_167] : memref<128x128xf32, #tpu.memory_space<vmem>> -> memref<128x128xf32, #tpu.memory_space<vmem>>
      tpu.wait_dma2 semaphore(%run_scoped3A : memref<!tpu.dma_semaphore, #tpu.memory_space<semaphore_mem>>) src(%dma_wait3A_168 : memref<128x128xf32, #tpu.memory_space<vmem>>) dst(%dma_wait3A_165 : memref<128x128xf32, #tpu.memory_space<hbm>>)
      tpu.yield
    }) : () -> ()
    %add3A_123 = arith.constant 128 : i32
    %add3A_124 = arith.addi %multiple_of3A, %add3A_123 : i32
    "tpu.region"() ({
      %run_scoped3A = tpu.sem_alloc : memref<!tpu.dma_semaphore, #tpu.memory_space<semaphore_mem>>
      %dma_start3A = tpu.memref_slice %arg6[%add3A_124] : memref<10000xi32, #tpu.memory_space<hbm>> -> memref<128xi32, #tpu.memory_space<hbm>>
      %dma_start3A_151 = tpu.memref_slice %arg6[%add3A_124] : memref<10000xi32, #tpu.memory_space<hbm>> -> memref<128xi32, #tpu.memory_space<hbm>>
      tpu.enqueue_dma source(%dma_start3A_151 : memref<128xi32, #tpu.memory_space<hbm>>) target(%arg10 : memref<128xi32, #tpu.memory_space<vmem>>) target_semaphore(%run_scoped3A : memref<!tpu.dma_semaphore, #tpu.memory_space<semaphore_mem>>)
      %dma_wait3A = tpu.memref_slice %arg6[%add3A_124] : memref<10000xi32, #tpu.memory_space<hbm>> -> memref<128xi32, #tpu.memory_space<hbm>>
      %dma_wait3A_152 = tpu.memref_slice %arg6[%add3A_124] : memref<10000xi32, #tpu.memory_space<hbm>> -> memref<128xi32, #tpu.memory_space<hbm>>
      tpu.wait_dma2 semaphore(%run_scoped3A : memref<!tpu.dma_semaphore, #tpu.memory_space<semaphore_mem>>) src(%dma_wait3A_152 : memref<128xi32, #tpu.memory_space<hbm>>) dst(%arg10 : memref<128xi32, #tpu.memory_space<vmem>>)
      tpu.yield
    }) : () -> ()
    "tpu.region"() ({
      %run_scoped3A = tpu.sem_alloc : memref<!tpu.dma_semaphore, #tpu.memory_space<semaphore_mem>>
      %dma_start3A = arith.constant 0 : i32
      %dma_start3A_151 = arith.constant 0 : i32
      %dma_start3A_152 = tpu.memref_slice %arg9[%dma_start3A, %dma_start3A_151] : memref<10000x128xf32, #tpu.memory_space<vmem_shared>> -> memref<10000x128xf32, #tpu.memory_space<vmem_shared>>
      tpu.enqueue_indirect_dma source(%dma_start3A_152 : memref<10000x128xf32, #tpu.memory_space<vmem_shared>>) target(%arg11 : memref<128x128xf32, #tpu.memory_space<vmem>>) offsets(%arg10 : memref<128xi32, #tpu.memory_space<vmem>>) semaphore(%run_scoped3A : memref<!tpu.dma_semaphore, #tpu.memory_space<semaphore_mem>>)
      %dma_wait3A = arith.constant 0 : i32
      %dma_wait3A_153 = arith.constant 0 : i32
      %dma_wait3A_154 = tpu.memref_slice %arg9[%dma_wait3A, %dma_wait3A_153] : memref<10000x128xf32, #tpu.memory_space<vmem_shared>> -> memref<10000x128xf32, #tpu.memory_space<vmem_shared>>
      tpu.wait_indirect_dma semaphore(%run_scoped3A : memref<!tpu.dma_semaphore, #tpu.memory_space<semaphore_mem>>) src(%dma_wait3A_154 : memref<10000x128xf32, #tpu.memory_space<vmem_shared>>) dst(%arg11 : memref<128x128xf32, #tpu.memory_space<vmem>>)
      tpu.yield
    }) : () -> ()
    %mul3A_125 = arith.constant 10000 : i32
    %mul3A_126 = arith.muli %arg0, %mul3A_125 : i32
    %add3A_127 = arith.addi %mul3A_126, %multiple_of3A : i32
    %add3A_128 = arith.constant 128 : i32
    %add3A_129 = arith.addi %add3A_127, %add3A_128 : i32
    "tpu.region"() ({
      %run_scoped3A = tpu.sem_alloc : memref<!tpu.dma_semaphore, #tpu.memory_space<semaphore_mem>>
      %dma_start3A = arith.constant 0 : i32
      %dma_start3A_151 = arith.constant 0 : i32
      %dma_start3A_152 = tpu.memref_slice %arg11[%dma_start3A, %dma_start3A_151] : memref<128x128xf32, #tpu.memory_space<vmem>> -> memref<128x128xf32, #tpu.memory_space<vmem>>
      %dma_start3A_153 = arith.constant 0 : i32
      %dma_start3A_154 = tpu.memref_slice %arg8[%add3A_129, %dma_start3A_153] : memref<20000x128xf32, #tpu.memory_space<hbm>> -> memref<128x128xf32, #tpu.memory_space<hbm>>
      %dma_start3A_155 = arith.constant 0 : i32
      %dma_start3A_156 = tpu.memref_slice %arg8[%add3A_129, %dma_start3A_155] : memref<20000x128xf32, #tpu.memory_space<hbm>> -> memref<128x128xf32, #tpu.memory_space<hbm>>
      %dma_start3A_157 = arith.constant 0 : i32
      %dma_start3A_158 = arith.constant 0 : i32
      %dma_start3A_159 = tpu.memref_slice %arg11[%dma_start3A_157, %dma_start3A_158] : memref<128x128xf32, #tpu.memory_space<vmem>> -> memref<128x128xf32, #tpu.memory_space<vmem>>
      tpu.enqueue_dma source(%dma_start3A_159 : memref<128x128xf32, #tpu.memory_space<vmem>>) target(%dma_start3A_156 : memref<128x128xf32, #tpu.memory_space<hbm>>) target_semaphore(%run_scoped3A : memref<!tpu.dma_semaphore, #tpu.memory_space<semaphore_mem>>)
      %dma_wait3A = arith.constant 0 : i32
      %dma_wait3A_160 = arith.constant 0 : i32
      %dma_wait3A_161 = tpu.memref_slice %arg11[%dma_wait3A, %dma_wait3A_160] : memref<128x128xf32, #tpu.memory_space<vmem>> -> memref<128x128xf32, #tpu.memory_space<vmem>>
      %dma_wait3A_162 = arith.constant 0 : i32
      %dma_wait3A_163 = tpu.memref_slice %arg8[%add3A_129, %dma_wait3A_162] : memref<20000x128xf32, #tpu.memory_space<hbm>> -> memref<128x128xf32, #tpu.memory_space<hbm>>
      %dma_wait3A_164 = arith.constant 0 : i32
      %dma_wait3A_165 = tpu.memref_slice %arg8[%add3A_129, %dma_wait3A_164] : memref<20000x128xf32, #tpu.memory_space<hbm>> -> memref<128x128xf32, #tpu.memory_space<hbm>>
      %dma_wait3A_166 = arith.constant 0 : i32
      %dma_wait3A_167 = arith.constant 0 : i32
      %dma_wait3A_168 = tpu.memref_slice %arg11[%dma_wait3A_166, %dma_wait3A_167] : memref<128x128xf32, #tpu.memory_space<vmem>> -> memref<128x128xf32, #tpu.memory_space<vmem>>
      tpu.wait_dma2 semaphore(%run_scoped3A : memref<!tpu.dma_semaphore, #tpu.memory_space<semaphore_mem>>) src(%dma_wait3A_168 : memref<128x128xf32, #tpu.memory_space<vmem>>) dst(%dma_wait3A_165 : memref<128x128xf32, #tpu.memory_space<hbm>>)
      tpu.yield
    }) : () -> ()
    %add3A_130 = arith.constant 256 : i32
    %add3A_131 = arith.addi %multiple_of3A, %add3A_130 : i32
    "tpu.region"() ({
      %run_scoped3A = tpu.sem_alloc : memref<!tpu.dma_semaphore, #tpu.memory_space<semaphore_mem>>
      %dma_start3A = tpu.memref_slice %arg6[%add3A_131] : memref<10000xi32, #tpu.memory_space<hbm>> -> memref<128xi32, #tpu.memory_space<hbm>>
      %dma_start3A_151 = tpu.memref_slice %arg6[%add3A_131] : memref<10000xi32, #tpu.memory_space<hbm>> -> memref<128xi32, #tpu.memory_space<hbm>>
      tpu.enqueue_dma source(%dma_start3A_151 : memref<128xi32, #tpu.memory_space<hbm>>) target(%arg10 : memref<128xi32, #tpu.memory_space<vmem>>) target_semaphore(%run_scoped3A : memref<!tpu.dma_semaphore, #tpu.memory_space<semaphore_mem>>)
      %dma_wait3A = tpu.memref_slice %arg6[%add3A_131] : memref<10000xi32, #tpu.memory_space<hbm>> -> memref<128xi32, #tpu.memory_space<hbm>>
      %dma_wait3A_152 = tpu.memref_slice %arg6[%add3A_131] : memref<10000xi32, #tpu.memory_space<hbm>> -> memref<128xi32, #tpu.memory_space<hbm>>
      tpu.wait_dma2 semaphore(%run_scoped3A : memref<!tpu.dma_semaphore, #tpu.memory_space<semaphore_mem>>) src(%dma_wait3A_152 : memref<128xi32, #tpu.memory_space<hbm>>) dst(%arg10 : memref<128xi32, #tpu.memory_space<vmem>>)
      tpu.yield
    }) : () -> ()
    "tpu.region"() ({
      %run_scoped3A = tpu.sem_alloc : memref<!tpu.dma_semaphore, #tpu.memory_space<semaphore_mem>>
      %dma_start3A = arith.constant 0 : i32
      %dma_start3A_151 = arith.constant 0 : i32
      %dma_start3A_152 = tpu.memref_slice %arg9[%dma_start3A, %dma_start3A_151] : memref<10000x128xf32, #tpu.memory_space<vmem_shared>> -> memref<10000x128xf32, #tpu.memory_space<vmem_shared>>
      tpu.enqueue_indirect_dma source(%dma_start3A_152 : memref<10000x128xf32, #tpu.memory_space<vmem_shared>>) target(%arg11 : memref<128x128xf32, #tpu.memory_space<vmem>>) offsets(%arg10 : memref<128xi32, #tpu.memory_space<vmem>>) semaphore(%run_scoped3A : memref<!tpu.dma_semaphore, #tpu.memory_space<semaphore_mem>>)
      %dma_wait3A = arith.constant 0 : i32
      %dma_wait3A_153 = arith.constant 0 : i32
      %dma_wait3A_154 = tpu.memref_slice %arg9[%dma_wait3A, %dma_wait3A_153] : memref<10000x128xf32, #tpu.memory_space<vmem_shared>> -> memref<10000x128xf32, #tpu.memory_space<vmem_shared>>
      tpu.wait_indirect_dma semaphore(%run_scoped3A : memref<!tpu.dma_semaphore, #tpu.memory_space<semaphore_mem>>) src(%dma_wait3A_154 : memref<10000x128xf32, #tpu.memory_space<vmem_shared>>) dst(%arg11 : memref<128x128xf32, #tpu.memory_space<vmem>>)
      tpu.yield
    }) : () -> ()
    %mul3A_132 = arith.constant 10000 : i32
    %mul3A_133 = arith.muli %arg0, %mul3A_132 : i32
    %add3A_134 = arith.addi %mul3A_133, %multiple_of3A : i32
    %add3A_135 = arith.constant 256 : i32
    %add3A_136 = arith.addi %add3A_134, %add3A_135 : i32
    "tpu.region"() ({
      %run_scoped3A = tpu.sem_alloc : memref<!tpu.dma_semaphore, #tpu.memory_space<semaphore_mem>>
      %dma_start3A = arith.constant 0 : i32
      %dma_start3A_151 = arith.constant 0 : i32
      %dma_start3A_152 = tpu.memref_slice %arg11[%dma_start3A, %dma_start3A_151] : memref<128x128xf32, #tpu.memory_space<vmem>> -> memref<128x128xf32, #tpu.memory_space<vmem>>
      %dma_start3A_153 = arith.constant 0 : i32
      %dma_start3A_154 = tpu.memref_slice %arg8[%add3A_136, %dma_start3A_153] : memref<20000x128xf32, #tpu.memory_space<hbm>> -> memref<128x128xf32, #tpu.memory_space<hbm>>
      %dma_start3A_155 = arith.constant 0 : i32
      %dma_start3A_156 = tpu.memref_slice %arg8[%add3A_136, %dma_start3A_155] : memref<20000x128xf32, #tpu.memory_space<hbm>> -> memref<128x128xf32, #tpu.memory_space<hbm>>
      %dma_start3A_157 = arith.constant 0 : i32
      %dma_start3A_158 = arith.constant 0 : i32
      %dma_start3A_159 = tpu.memref_slice %arg11[%dma_start3A_157, %dma_start3A_158] : memref<128x128xf32, #tpu.memory_space<vmem>> -> memref<128x128xf32, #tpu.memory_space<vmem>>
      tpu.enqueue_dma source(%dma_start3A_159 : memref<128x128xf32, #tpu.memory_space<vmem>>) target(%dma_start3A_156 : memref<128x128xf32, #tpu.memory_space<hbm>>) target_semaphore(%run_scoped3A : memref<!tpu.dma_semaphore, #tpu.memory_space<semaphore_mem>>)
      %dma_wait3A = arith.constant 0 : i32
      %dma_wait3A_160 = arith.constant 0 : i32
      %dma_wait3A_161 = tpu.memref_slice %arg11[%dma_wait3A, %dma_wait3A_160] : memref<128x128xf32, #tpu.memory_space<vmem>> -> memref<128x128xf32, #tpu.memory_space<vmem>>
      %dma_wait3A_162 = arith.constant 0 : i32
      %dma_wait3A_163 = tpu.memref_slice %arg8[%add3A_136, %dma_wait3A_162] : memref<20000x128xf32, #tpu.memory_space<hbm>> -> memref<128x128xf32, #tpu.memory_space<hbm>>
      %dma_wait3A_164 = arith.constant 0 : i32
      %dma_wait3A_165 = tpu.memref_slice %arg8[%add3A_136, %dma_wait3A_164] : memref<20000x128xf32, #tpu.memory_space<hbm>> -> memref<128x128xf32, #tpu.memory_space<hbm>>
      %dma_wait3A_166 = arith.constant 0 : i32
      %dma_wait3A_167 = arith.constant 0 : i32
      %dma_wait3A_168 = tpu.memref_slice %arg11[%dma_wait3A_166, %dma_wait3A_167] : memref<128x128xf32, #tpu.memory_space<vmem>> -> memref<128x128xf32, #tpu.memory_space<vmem>>
      tpu.wait_dma2 semaphore(%run_scoped3A : memref<!tpu.dma_semaphore, #tpu.memory_space<semaphore_mem>>) src(%dma_wait3A_168 : memref<128x128xf32, #tpu.memory_space<vmem>>) dst(%dma_wait3A_165 : memref<128x128xf32, #tpu.memory_space<hbm>>)
      tpu.yield
    }) : () -> ()
    %add3A_137 = arith.constant 384 : i32
    %add3A_138 = arith.addi %multiple_of3A, %add3A_137 : i32
    "tpu.region"() ({
      %run_scoped3A = tpu.sem_alloc : memref<!tpu.dma_semaphore, #tpu.memory_space<semaphore_mem>>
      %dma_start3A = tpu.memref_slice %arg6[%add3A_138] : memref<10000xi32, #tpu.memory_space<hbm>> -> memref<128xi32, #tpu.memory_space<hbm>>
      %dma_start3A_151 = tpu.memref_slice %arg6[%add3A_138] : memref<10000xi32, #tpu.memory_space<hbm>> -> memref<128xi32, #tpu.memory_space<hbm>>
      tpu.enqueue_dma source(%dma_start3A_151 : memref<128xi32, #tpu.memory_space<hbm>>) target(%arg10 : memref<128xi32, #tpu.memory_space<vmem>>) target_semaphore(%run_scoped3A : memref<!tpu.dma_semaphore, #tpu.memory_space<semaphore_mem>>)
      %dma_wait3A = tpu.memref_slice %arg6[%add3A_138] : memref<10000xi32, #tpu.memory_space<hbm>> -> memref<128xi32, #tpu.memory_space<hbm>>
      %dma_wait3A_152 = tpu.memref_slice %arg6[%add3A_138] : memref<10000xi32, #tpu.memory_space<hbm>> -> memref<128xi32, #tpu.memory_space<hbm>>
      tpu.wait_dma2 semaphore(%run_scoped3A : memref<!tpu.dma_semaphore, #tpu.memory_space<semaphore_mem>>) src(%dma_wait3A_152 : memref<128xi32, #tpu.memory_space<hbm>>) dst(%arg10 : memref<128xi32, #tpu.memory_space<vmem>>)
      tpu.yield
    }) : () -> ()
    "tpu.region"() ({
      %run_scoped3A = tpu.sem_alloc : memref<!tpu.dma_semaphore, #tpu.memory_space<semaphore_mem>>
      %dma_start3A = arith.constant 0 : i32
      %dma_start3A_151 = arith.constant 0 : i32
      %dma_start3A_152 = tpu.memref_slice %arg9[%dma_start3A, %dma_start3A_151] : memref<10000x128xf32, #tpu.memory_space<vmem_shared>> -> memref<10000x128xf32, #tpu.memory_space<vmem_shared>>
      tpu.enqueue_indirect_dma source(%dma_start3A_152 : memref<10000x128xf32, #tpu.memory_space<vmem_shared>>) target(%arg11 : memref<128x128xf32, #tpu.memory_space<vmem>>) offsets(%arg10 : memref<128xi32, #tpu.memory_space<vmem>>) semaphore(%run_scoped3A : memref<!tpu.dma_semaphore, #tpu.memory_space<semaphore_mem>>)
      %dma_wait3A = arith.constant 0 : i32
      %dma_wait3A_153 = arith.constant 0 : i32
      %dma_wait3A_154 = tpu.memref_slice %arg9[%dma_wait3A, %dma_wait3A_153] : memref<10000x128xf32, #tpu.memory_space<vmem_shared>> -> memref<10000x128xf32, #tpu.memory_space<vmem_shared>>
      tpu.wait_indirect_dma semaphore(%run_scoped3A : memref<!tpu.dma_semaphore, #tpu.memory_space<semaphore_mem>>) src(%dma_wait3A_154 : memref<10000x128xf32, #tpu.memory_space<vmem_shared>>) dst(%arg11 : memref<128x128xf32, #tpu.memory_space<vmem>>)
      tpu.yield
    }) : () -> ()
    %mul3A_139 = arith.constant 10000 : i32
    %mul3A_140 = arith.muli %arg0, %mul3A_139 : i32
    %add3A_141 = arith.addi %mul3A_140, %multiple_of3A : i32
    %add3A_142 = arith.constant 384 : i32
    %add3A_143 = arith.addi %add3A_141, %add3A_142 : i32
    "tpu.region"() ({
      %run_scoped3A = tpu.sem_alloc : memref<!tpu.dma_semaphore, #tpu.memory_space<semaphore_mem>>
      %dma_start3A = arith.constant 0 : i32
      %dma_start3A_151 = arith.constant 0 : i32
      %dma_start3A_152 = tpu.memref_slice %arg11[%dma_start3A, %dma_start3A_151] : memref<128x128xf32, #tpu.memory_space<vmem>> -> memref<128x128xf32, #tpu.memory_space<vmem>>
      %dma_start3A_153 = arith.constant 0 : i32
      %dma_start3A_154 = tpu.memref_slice %arg8[%add3A_143, %dma_start3A_153] : memref<20000x128xf32, #tpu.memory_space<hbm>> -> memref<128x128xf32, #tpu.memory_space<hbm>>
      %dma_start3A_155 = arith.constant 0 : i32
      %dma_start3A_156 = tpu.memref_slice %arg8[%add3A_143, %dma_start3A_155] : memref<20000x128xf32, #tpu.memory_space<hbm>> -> memref<128x128xf32, #tpu.memory_space<hbm>>
      %dma_start3A_157 = arith.constant 0 : i32
      %dma_start3A_158 = arith.constant 0 : i32
      %dma_start3A_159 = tpu.memref_slice %arg11[%dma_start3A_157, %dma_start3A_158] : memref<128x128xf32, #tpu.memory_space<vmem>> -> memref<128x128xf32, #tpu.memory_space<vmem>>
      tpu.enqueue_dma source(%dma_start3A_159 : memref<128x128xf32, #tpu.memory_space<vmem>>) target(%dma_start3A_156 : memref<128x128xf32, #tpu.memory_space<hbm>>) target_semaphore(%run_scoped3A : memref<!tpu.dma_semaphore, #tpu.memory_space<semaphore_mem>>)
      %dma_wait3A = arith.constant 0 : i32
      %dma_wait3A_160 = arith.constant 0 : i32
      %dma_wait3A_161 = tpu.memref_slice %arg11[%dma_wait3A, %dma_wait3A_160] : memref<128x128xf32, #tpu.memory_space<vmem>> -> memref<128x128xf32, #tpu.memory_space<vmem>>
      %dma_wait3A_162 = arith.constant 0 : i32
      %dma_wait3A_163 = tpu.memref_slice %arg8[%add3A_143, %dma_wait3A_162] : memref<20000x128xf32, #tpu.memory_space<hbm>> -> memref<128x128xf32, #tpu.memory_space<hbm>>
      %dma_wait3A_164 = arith.constant 0 : i32
      %dma_wait3A_165 = tpu.memref_slice %arg8[%add3A_143, %dma_wait3A_164] : memref<20000x128xf32, #tpu.memory_space<hbm>> -> memref<128x128xf32, #tpu.memory_space<hbm>>
      %dma_wait3A_166 = arith.constant 0 : i32
      %dma_wait3A_167 = arith.constant 0 : i32
      %dma_wait3A_168 = tpu.memref_slice %arg11[%dma_wait3A_166, %dma_wait3A_167] : memref<128x128xf32, #tpu.memory_space<vmem>> -> memref<128x128xf32, #tpu.memory_space<vmem>>
      tpu.wait_dma2 semaphore(%run_scoped3A : memref<!tpu.dma_semaphore, #tpu.memory_space<semaphore_mem>>) src(%dma_wait3A_168 : memref<128x128xf32, #tpu.memory_space<vmem>>) dst(%dma_wait3A_165 : memref<128x128xf32, #tpu.memory_space<hbm>>)
      tpu.yield
    }) : () -> ()
    %add3A_144 = arith.constant 512 : i32
    %add3A_145 = arith.addi %multiple_of3A, %add3A_144 : i32
    "tpu.region"() ({
      %run_scoped3A = tpu.sem_alloc : memref<!tpu.dma_semaphore, #tpu.memory_space<semaphore_mem>>
      %dma_start3A = tpu.memref_slice %arg6[%add3A_145] : memref<10000xi32, #tpu.memory_space<hbm>> -> memref<128xi32, #tpu.memory_space<hbm>>
      %dma_start3A_151 = tpu.memref_slice %arg6[%add3A_145] : memref<10000xi32, #tpu.memory_space<hbm>> -> memref<128xi32, #tpu.memory_space<hbm>>
      tpu.enqueue_dma source(%dma_start3A_151 : memref<128xi32, #tpu.memory_space<hbm>>) target(%arg10 : memref<128xi32, #tpu.memory_space<vmem>>) target_semaphore(%run_scoped3A : memref<!tpu.dma_semaphore, #tpu.memory_space<semaphore_mem>>)
      %dma_wait3A = tpu.memref_slice %arg6[%add3A_145] : memref<10000xi32, #tpu.memory_space<hbm>> -> memref<128xi32, #tpu.memory_space<hbm>>
      %dma_wait3A_152 = tpu.memref_slice %arg6[%add3A_145] : memref<10000xi32, #tpu.memory_space<hbm>> -> memref<128xi32, #tpu.memory_space<hbm>>
      tpu.wait_dma2 semaphore(%run_scoped3A : memref<!tpu.dma_semaphore, #tpu.memory_space<semaphore_mem>>) src(%dma_wait3A_152 : memref<128xi32, #tpu.memory_space<hbm>>) dst(%arg10 : memref<128xi32, #tpu.memory_space<vmem>>)
      tpu.yield
    }) : () -> ()
    "tpu.region"() ({
      %run_scoped3A = tpu.sem_alloc : memref<!tpu.dma_semaphore, #tpu.memory_space<semaphore_mem>>
      %dma_start3A = arith.constant 0 : i32
      %dma_start3A_151 = arith.constant 0 : i32
      %dma_start3A_152 = tpu.memref_slice %arg9[%dma_start3A, %dma_start3A_151] : memref<10000x128xf32, #tpu.memory_space<vmem_shared>> -> memref<10000x128xf32, #tpu.memory_space<vmem_shared>>
      tpu.enqueue_indirect_dma source(%dma_start3A_152 : memref<10000x128xf32, #tpu.memory_space<vmem_shared>>) target(%arg11 : memref<128x128xf32, #tpu.memory_space<vmem>>) offsets(%arg10 : memref<128xi32, #tpu.memory_space<vmem>>) semaphore(%run_scoped3A : memref<!tpu.dma_semaphore, #tpu.memory_space<semaphore_mem>>)
      %dma_wait3A = arith.constant 0 : i32
      %dma_wait3A_153 = arith.constant 0 : i32
      %dma_wait3A_154 = tpu.memref_slice %arg9[%dma_wait3A, %dma_wait3A_153] : memref<10000x128xf32, #tpu.memory_space<vmem_shared>> -> memref<10000x128xf32, #tpu.memory_space<vmem_shared>>
      tpu.wait_indirect_dma semaphore(%run_scoped3A : memref<!tpu.dma_semaphore, #tpu.memory_space<semaphore_mem>>) src(%dma_wait3A_154 : memref<10000x128xf32, #tpu.memory_space<vmem_shared>>) dst(%arg11 : memref<128x128xf32, #tpu.memory_space<vmem>>)
      tpu.yield
    }) : () -> ()
    %mul3A_146 = arith.constant 10000 : i32
    %mul3A_147 = arith.muli %arg0, %mul3A_146 : i32
    %add3A_148 = arith.addi %mul3A_147, %multiple_of3A : i32
    %add3A_149 = arith.constant 512 : i32
    %add3A_150 = arith.addi %add3A_148, %add3A_149 : i32
    "tpu.region"() ({
      %run_scoped3A = tpu.sem_alloc : memref<!tpu.dma_semaphore, #tpu.memory_space<semaphore_mem>>
      %dma_start3A = arith.constant 0 : i32
      %dma_start3A_151 = arith.constant 0 : i32
      %dma_start3A_152 = tpu.memref_slice %arg11[%dma_start3A, %dma_start3A_151] : memref<128x128xf32, #tpu.memory_space<vmem>> -> memref<128x128xf32, #tpu.memory_space<vmem>>
      %dma_start3A_153 = arith.constant 0 : i32
      %dma_start3A_154 = tpu.memref_slice %arg8[%add3A_150, %dma_start3A_153] : memref<20000x128xf32, #tpu.memory_space<hbm>> -> memref<128x128xf32, #tpu.memory_space<hbm>>
      %dma_start3A_155 = arith.constant 0 : i32
      %dma_start3A_156 = tpu.memref_slice %arg8[%add3A_150, %dma_start3A_155] : memref<20000x128xf32, #tpu.memory_space<hbm>> -> memref<128x128xf32, #tpu.memory_space<hbm>>
      %dma_start3A_157 = arith.constant 0 : i32
      %dma_start3A_158 = arith.constant 0 : i32
      %dma_start3A_159 = tpu.memref_slice %arg11[%dma_start3A_157, %dma_start3A_158] : memref<128x128xf32, #tpu.memory_space<vmem>> -> memref<128x128xf32, #tpu.memory_space<vmem>>
      tpu.enqueue_dma source(%dma_start3A_159 : memref<128x128xf32, #tpu.memory_space<vmem>>) target(%dma_start3A_156 : memref<128x128xf32, #tpu.memory_space<hbm>>) target_semaphore(%run_scoped3A : memref<!tpu.dma_semaphore, #tpu.memory_space<semaphore_mem>>)
      %dma_wait3A = arith.constant 0 : i32
      %dma_wait3A_160 = arith.constant 0 : i32
      %dma_wait3A_161 = tpu.memref_slice %arg11[%dma_wait3A, %dma_wait3A_160] : memref<128x128xf32, #tpu.memory_space<vmem>> -> memref<128x128xf32, #tpu.memory_space<vmem>>
      %dma_wait3A_162 = arith.constant 0 : i32
      %dma_wait3A_163 = tpu.memref_slice %arg8[%add3A_150, %dma_wait3A_162] : memref<20000x128xf32, #tpu.memory_space<hbm>> -> memref<128x128xf32, #tpu.memory_space<hbm>>
      %dma_wait3A_164 = arith.constant 0 : i32
      %dma_wait3A_165 = tpu.memref_slice %arg8[%add3A_150, %dma_wait3A_164] : memref<20000x128xf32, #tpu.memory_space<hbm>> -> memref<128x128xf32, #tpu.memory_space<hbm>>
      %dma_wait3A_166 = arith.constant 0 : i32
      %dma_wait3A_167 = arith.constant 0 : i32
      %dma_wait3A_168 = tpu.memref_slice %arg11[%dma_wait3A_166, %dma_wait3A_167] : memref<128x128xf32, #tpu.memory_space<vmem>> -> memref<128x128xf32, #tpu.memory_space<vmem>>
      tpu.wait_dma2 semaphore(%run_scoped3A : memref<!tpu.dma_semaphore, #tpu.memory_space<semaphore_mem>>) src(%dma_wait3A_168 : memref<128x128xf32, #tpu.memory_space<vmem>>) dst(%dma_wait3A_165 : memref<128x128xf32, #tpu.memory_space<hbm>>)
      tpu.yield
    }) : () -> ()
    return
  }
}

#map = affine_map<(d0, d1) -> (0, 0)>
#map1 = affine_map<(d0, d1) -> (0)>
module attributes {stable_mosaic.version = 14 : i64} {
  func.func @gather_kernel(%arg0: i32, %arg1: i32, %arg2: memref<20000x128xf32, #tpu.memory_space<hbm>>, %arg3: memref<20000x128xf32, #tpu.memory_space<hbm>>, %arg4: memref<320000xi32, #tpu.memory_space<hbm>>, %arg5: memref<320000xi32, #tpu.memory_space<hbm>>, %arg6: memref<320000x128xf32, #tpu.memory_space<hbm>>, %arg7: memref<320000x128xf32, #tpu.memory_space<hbm>>, %arg8: memref<128xi32, #tpu.memory_space<vmem>>, %arg9: memref<128xi32, #tpu.memory_space<vmem>>, %arg10: memref<128x128xf32, #tpu.memory_space<vmem>>, %arg11: memref<128x128xf32, #tpu.memory_space<vmem>>, %arg12: memref<16xi32, #tpu.memory_space<vmem>>, %arg13: memref<16xi32, #tpu.memory_space<vmem>>, %arg14: memref<16x128xf32, #tpu.memory_space<vmem>>, %arg15: memref<16x128xf32, #tpu.memory_space<vmem>>) attributes {dimension_semantics = [#tpu.dimension_semantics<core_parallel>, #tpu.dimension_semantics<subcore_parallel>], iteration_bounds = array<i64: 2, 16>, scalar_prefetch = 0 : i64, scratch_operands = 8 : i64, tpu.core_type = #tpu.core_type<sc_vector_subcore>, window_params = [{transform_indices = #map}, {transform_indices = #map}, {transform_indices = #map1}, {transform_indices = #map1}, {transform_indices = #map}, {transform_indices = #map}]} {
    %mul3A = arith.constant 16 : i32
    %mul3A_0 = arith.muli %arg0, %mul3A : i32
    %add3A = arith.addi %mul3A_0, %arg1 : i32
    %mul3A_1 = arith.constant 10000 : i32
    %mul3A_2 = arith.muli %add3A, %mul3A_1 : i32
    %scan3A = arith.constant 0 : i32
    %scan3A_3 = arith.constant 0 : i32
    %scan3A_4 = arith.constant 78 : i32
    %scan3A_5 = arith.addi %scan3A_3, %scan3A_4 : i32
    %scan3A_6 = arith.constant 1 : i32
    scf.for %scan3A_10 = %scan3A_3 to %scan3A_5 step %scan3A_6  : i32 {
      %mul3A_11 = arith.constant 128 : i32
      %mul3A_12 = arith.muli %scan3A_10, %mul3A_11 : i32
      %add3A_13 = arith.addi %mul3A_2, %mul3A_12 : i32
      %multiple_of3A_14 = tpu.assume_multiple %add3A_13, 8 : i32
      "tpu.region"() ({
        %run_scoped3A = tpu.sem_alloc : memref<!tpu.dma_semaphore, #tpu.memory_space<semaphore_mem>>
        %dma_start3A = tpu.memref_slice %arg4[%multiple_of3A_14] : memref<320000xi32, #tpu.memory_space<hbm>> -> memref<128xi32, #tpu.memory_space<hbm>>
        %dma_start3A_15 = tpu.memref_slice %arg4[%multiple_of3A_14] : memref<320000xi32, #tpu.memory_space<hbm>> -> memref<128xi32, #tpu.memory_space<hbm>>
        tpu.enqueue_dma source(%dma_start3A_15 : memref<128xi32, #tpu.memory_space<hbm>>) target(%arg8 : memref<128xi32, #tpu.memory_space<vmem>>) target_semaphore(%run_scoped3A : memref<!tpu.dma_semaphore, #tpu.memory_space<semaphore_mem>>)
        %dma_wait3A = tpu.memref_slice %arg4[%multiple_of3A_14] : memref<320000xi32, #tpu.memory_space<hbm>> -> memref<128xi32, #tpu.memory_space<hbm>>
        %dma_wait3A_16 = tpu.memref_slice %arg4[%multiple_of3A_14] : memref<320000xi32, #tpu.memory_space<hbm>> -> memref<128xi32, #tpu.memory_space<hbm>>
        tpu.wait_dma2 semaphore(%run_scoped3A : memref<!tpu.dma_semaphore, #tpu.memory_space<semaphore_mem>>) src(%dma_wait3A_16 : memref<128xi32, #tpu.memory_space<hbm>>) dst(%arg8 : memref<128xi32, #tpu.memory_space<vmem>>)
        tpu.yield
      }) : () -> ()
      "tpu.region"() ({
        %run_scoped3A = tpu.sem_alloc : memref<!tpu.dma_semaphore, #tpu.memory_space<semaphore_mem>>
        %dma_start3A = tpu.memref_slice %arg5[%multiple_of3A_14] : memref<320000xi32, #tpu.memory_space<hbm>> -> memref<128xi32, #tpu.memory_space<hbm>>
        %dma_start3A_15 = tpu.memref_slice %arg5[%multiple_of3A_14] : memref<320000xi32, #tpu.memory_space<hbm>> -> memref<128xi32, #tpu.memory_space<hbm>>
        tpu.enqueue_dma source(%dma_start3A_15 : memref<128xi32, #tpu.memory_space<hbm>>) target(%arg9 : memref<128xi32, #tpu.memory_space<vmem>>) target_semaphore(%run_scoped3A : memref<!tpu.dma_semaphore, #tpu.memory_space<semaphore_mem>>)
        %dma_wait3A = tpu.memref_slice %arg5[%multiple_of3A_14] : memref<320000xi32, #tpu.memory_space<hbm>> -> memref<128xi32, #tpu.memory_space<hbm>>
        %dma_wait3A_16 = tpu.memref_slice %arg5[%multiple_of3A_14] : memref<320000xi32, #tpu.memory_space<hbm>> -> memref<128xi32, #tpu.memory_space<hbm>>
        tpu.wait_dma2 semaphore(%run_scoped3A : memref<!tpu.dma_semaphore, #tpu.memory_space<semaphore_mem>>) src(%dma_wait3A_16 : memref<128xi32, #tpu.memory_space<hbm>>) dst(%arg9 : memref<128xi32, #tpu.memory_space<vmem>>)
        tpu.yield
      }) : () -> ()
      "tpu.region"() ({
        %run_scoped3A = tpu.sem_alloc : memref<!tpu.dma_semaphore, #tpu.memory_space<semaphore_mem>>
        %dma_start3A = arith.constant 0 : i32
        %dma_start3A_15 = arith.constant 0 : i32
        %dma_start3A_16 = tpu.memref_slice %arg2[%dma_start3A, %dma_start3A_15] : memref<20000x128xf32, #tpu.memory_space<hbm>> -> memref<20000x128xf32, #tpu.memory_space<hbm>>
        tpu.enqueue_indirect_dma source(%dma_start3A_16 : memref<20000x128xf32, #tpu.memory_space<hbm>>) target(%arg10 : memref<128x128xf32, #tpu.memory_space<vmem>>) offsets(%arg8 : memref<128xi32, #tpu.memory_space<vmem>>) semaphore(%run_scoped3A : memref<!tpu.dma_semaphore, #tpu.memory_space<semaphore_mem>>)
        %dma_wait3A = arith.constant 0 : i32
        %dma_wait3A_17 = arith.constant 0 : i32
        %dma_wait3A_18 = tpu.memref_slice %arg2[%dma_wait3A, %dma_wait3A_17] : memref<20000x128xf32, #tpu.memory_space<hbm>> -> memref<20000x128xf32, #tpu.memory_space<hbm>>
        tpu.wait_indirect_dma semaphore(%run_scoped3A : memref<!tpu.dma_semaphore, #tpu.memory_space<semaphore_mem>>) src(%dma_wait3A_18 : memref<20000x128xf32, #tpu.memory_space<hbm>>) dst(%arg10 : memref<128x128xf32, #tpu.memory_space<vmem>>)
        tpu.yield
      }) : () -> ()
      "tpu.region"() ({
        %run_scoped3A = tpu.sem_alloc : memref<!tpu.dma_semaphore, #tpu.memory_space<semaphore_mem>>
        %dma_start3A = arith.constant 0 : i32
        %dma_start3A_15 = arith.constant 0 : i32
        %dma_start3A_16 = tpu.memref_slice %arg3[%dma_start3A, %dma_start3A_15] : memref<20000x128xf32, #tpu.memory_space<hbm>> -> memref<20000x128xf32, #tpu.memory_space<hbm>>
        tpu.enqueue_indirect_dma source(%dma_start3A_16 : memref<20000x128xf32, #tpu.memory_space<hbm>>) target(%arg11 : memref<128x128xf32, #tpu.memory_space<vmem>>) offsets(%arg9 : memref<128xi32, #tpu.memory_space<vmem>>) semaphore(%run_scoped3A : memref<!tpu.dma_semaphore, #tpu.memory_space<semaphore_mem>>)
        %dma_wait3A = arith.constant 0 : i32
        %dma_wait3A_17 = arith.constant 0 : i32
        %dma_wait3A_18 = tpu.memref_slice %arg3[%dma_wait3A, %dma_wait3A_17] : memref<20000x128xf32, #tpu.memory_space<hbm>> -> memref<20000x128xf32, #tpu.memory_space<hbm>>
        tpu.wait_indirect_dma semaphore(%run_scoped3A : memref<!tpu.dma_semaphore, #tpu.memory_space<semaphore_mem>>) src(%dma_wait3A_18 : memref<20000x128xf32, #tpu.memory_space<hbm>>) dst(%arg11 : memref<128x128xf32, #tpu.memory_space<vmem>>)
        tpu.yield
      }) : () -> ()
      "tpu.region"() ({
        %run_scoped3A = tpu.sem_alloc : memref<!tpu.dma_semaphore, #tpu.memory_space<semaphore_mem>>
        %dma_start3A = arith.constant 0 : i32
        %dma_start3A_15 = tpu.memref_slice %arg6[%multiple_of3A_14, %dma_start3A] : memref<320000x128xf32, #tpu.memory_space<hbm>> -> memref<128x128xf32, #tpu.memory_space<hbm>>
        %dma_start3A_16 = arith.constant 0 : i32
        %dma_start3A_17 = tpu.memref_slice %arg6[%multiple_of3A_14, %dma_start3A_16] : memref<320000x128xf32, #tpu.memory_space<hbm>> -> memref<128x128xf32, #tpu.memory_space<hbm>>
        tpu.enqueue_dma source(%arg10 : memref<128x128xf32, #tpu.memory_space<vmem>>) target(%dma_start3A_17 : memref<128x128xf32, #tpu.memory_space<hbm>>) target_semaphore(%run_scoped3A : memref<!tpu.dma_semaphore, #tpu.memory_space<semaphore_mem>>)
        %dma_wait3A = arith.constant 0 : i32
        %dma_wait3A_18 = tpu.memref_slice %arg6[%multiple_of3A_14, %dma_wait3A] : memref<320000x128xf32, #tpu.memory_space<hbm>> -> memref<128x128xf32, #tpu.memory_space<hbm>>
        %dma_wait3A_19 = arith.constant 0 : i32
        %dma_wait3A_20 = tpu.memref_slice %arg6[%multiple_of3A_14, %dma_wait3A_19] : memref<320000x128xf32, #tpu.memory_space<hbm>> -> memref<128x128xf32, #tpu.memory_space<hbm>>
        tpu.wait_dma2 semaphore(%run_scoped3A : memref<!tpu.dma_semaphore, #tpu.memory_space<semaphore_mem>>) src(%arg10 : memref<128x128xf32, #tpu.memory_space<vmem>>) dst(%dma_wait3A_20 : memref<128x128xf32, #tpu.memory_space<hbm>>)
        tpu.yield
      }) : () -> ()
      "tpu.region"() ({
        %run_scoped3A = tpu.sem_alloc : memref<!tpu.dma_semaphore, #tpu.memory_space<semaphore_mem>>
        %dma_start3A = arith.constant 0 : i32
        %dma_start3A_15 = tpu.memref_slice %arg7[%multiple_of3A_14, %dma_start3A] : memref<320000x128xf32, #tpu.memory_space<hbm>> -> memref<128x128xf32, #tpu.memory_space<hbm>>
        %dma_start3A_16 = arith.constant 0 : i32
        %dma_start3A_17 = tpu.memref_slice %arg7[%multiple_of3A_14, %dma_start3A_16] : memref<320000x128xf32, #tpu.memory_space<hbm>> -> memref<128x128xf32, #tpu.memory_space<hbm>>
        tpu.enqueue_dma source(%arg11 : memref<128x128xf32, #tpu.memory_space<vmem>>) target(%dma_start3A_17 : memref<128x128xf32, #tpu.memory_space<hbm>>) target_semaphore(%run_scoped3A : memref<!tpu.dma_semaphore, #tpu.memory_space<semaphore_mem>>)
        %dma_wait3A = arith.constant 0 : i32
        %dma_wait3A_18 = tpu.memref_slice %arg7[%multiple_of3A_14, %dma_wait3A] : memref<320000x128xf32, #tpu.memory_space<hbm>> -> memref<128x128xf32, #tpu.memory_space<hbm>>
        %dma_wait3A_19 = arith.constant 0 : i32
        %dma_wait3A_20 = tpu.memref_slice %arg7[%multiple_of3A_14, %dma_wait3A_19] : memref<320000x128xf32, #tpu.memory_space<hbm>> -> memref<128x128xf32, #tpu.memory_space<hbm>>
        tpu.wait_dma2 semaphore(%run_scoped3A : memref<!tpu.dma_semaphore, #tpu.memory_space<semaphore_mem>>) src(%arg11 : memref<128x128xf32, #tpu.memory_space<vmem>>) dst(%dma_wait3A_20 : memref<128x128xf32, #tpu.memory_space<hbm>>)
        tpu.yield
      }) : () -> ()
    }
    %scan3A_7 = arith.constant 78 : i32
    %add3A_8 = arith.constant 9984 : i32
    %add3A_9 = arith.addi %mul3A_2, %add3A_8 : i32
    %multiple_of3A = tpu.assume_multiple %add3A_9, 8 : i32
    "tpu.region"() ({
      %run_scoped3A = tpu.sem_alloc : memref<!tpu.dma_semaphore, #tpu.memory_space<semaphore_mem>>
      %dma_start3A = tpu.memref_slice %arg4[%multiple_of3A] : memref<320000xi32, #tpu.memory_space<hbm>> -> memref<16xi32, #tpu.memory_space<hbm>>
      %dma_start3A_10 = tpu.memref_slice %arg4[%multiple_of3A] : memref<320000xi32, #tpu.memory_space<hbm>> -> memref<16xi32, #tpu.memory_space<hbm>>
      tpu.enqueue_dma source(%dma_start3A_10 : memref<16xi32, #tpu.memory_space<hbm>>) target(%arg12 : memref<16xi32, #tpu.memory_space<vmem>>) target_semaphore(%run_scoped3A : memref<!tpu.dma_semaphore, #tpu.memory_space<semaphore_mem>>)
      %dma_wait3A = tpu.memref_slice %arg4[%multiple_of3A] : memref<320000xi32, #tpu.memory_space<hbm>> -> memref<16xi32, #tpu.memory_space<hbm>>
      %dma_wait3A_11 = tpu.memref_slice %arg4[%multiple_of3A] : memref<320000xi32, #tpu.memory_space<hbm>> -> memref<16xi32, #tpu.memory_space<hbm>>
      tpu.wait_dma2 semaphore(%run_scoped3A : memref<!tpu.dma_semaphore, #tpu.memory_space<semaphore_mem>>) src(%dma_wait3A_11 : memref<16xi32, #tpu.memory_space<hbm>>) dst(%arg12 : memref<16xi32, #tpu.memory_space<vmem>>)
      tpu.yield
    }) : () -> ()
    "tpu.region"() ({
      %run_scoped3A = tpu.sem_alloc : memref<!tpu.dma_semaphore, #tpu.memory_space<semaphore_mem>>
      %dma_start3A = tpu.memref_slice %arg5[%multiple_of3A] : memref<320000xi32, #tpu.memory_space<hbm>> -> memref<16xi32, #tpu.memory_space<hbm>>
      %dma_start3A_10 = tpu.memref_slice %arg5[%multiple_of3A] : memref<320000xi32, #tpu.memory_space<hbm>> -> memref<16xi32, #tpu.memory_space<hbm>>
      tpu.enqueue_dma source(%dma_start3A_10 : memref<16xi32, #tpu.memory_space<hbm>>) target(%arg13 : memref<16xi32, #tpu.memory_space<vmem>>) target_semaphore(%run_scoped3A : memref<!tpu.dma_semaphore, #tpu.memory_space<semaphore_mem>>)
      %dma_wait3A = tpu.memref_slice %arg5[%multiple_of3A] : memref<320000xi32, #tpu.memory_space<hbm>> -> memref<16xi32, #tpu.memory_space<hbm>>
      %dma_wait3A_11 = tpu.memref_slice %arg5[%multiple_of3A] : memref<320000xi32, #tpu.memory_space<hbm>> -> memref<16xi32, #tpu.memory_space<hbm>>
      tpu.wait_dma2 semaphore(%run_scoped3A : memref<!tpu.dma_semaphore, #tpu.memory_space<semaphore_mem>>) src(%dma_wait3A_11 : memref<16xi32, #tpu.memory_space<hbm>>) dst(%arg13 : memref<16xi32, #tpu.memory_space<vmem>>)
      tpu.yield
    }) : () -> ()
    "tpu.region"() ({
      %run_scoped3A = tpu.sem_alloc : memref<!tpu.dma_semaphore, #tpu.memory_space<semaphore_mem>>
      %dma_start3A = arith.constant 0 : i32
      %dma_start3A_10 = arith.constant 0 : i32
      %dma_start3A_11 = tpu.memref_slice %arg2[%dma_start3A, %dma_start3A_10] : memref<20000x128xf32, #tpu.memory_space<hbm>> -> memref<20000x128xf32, #tpu.memory_space<hbm>>
      tpu.enqueue_indirect_dma source(%dma_start3A_11 : memref<20000x128xf32, #tpu.memory_space<hbm>>) target(%arg14 : memref<16x128xf32, #tpu.memory_space<vmem>>) offsets(%arg12 : memref<16xi32, #tpu.memory_space<vmem>>) semaphore(%run_scoped3A : memref<!tpu.dma_semaphore, #tpu.memory_space<semaphore_mem>>)
      %dma_wait3A = arith.constant 0 : i32
      %dma_wait3A_12 = arith.constant 0 : i32
      %dma_wait3A_13 = tpu.memref_slice %arg2[%dma_wait3A, %dma_wait3A_12] : memref<20000x128xf32, #tpu.memory_space<hbm>> -> memref<20000x128xf32, #tpu.memory_space<hbm>>
      tpu.wait_indirect_dma semaphore(%run_scoped3A : memref<!tpu.dma_semaphore, #tpu.memory_space<semaphore_mem>>) src(%dma_wait3A_13 : memref<20000x128xf32, #tpu.memory_space<hbm>>) dst(%arg14 : memref<16x128xf32, #tpu.memory_space<vmem>>)
      tpu.yield
    }) : () -> ()
    "tpu.region"() ({
      %run_scoped3A = tpu.sem_alloc : memref<!tpu.dma_semaphore, #tpu.memory_space<semaphore_mem>>
      %dma_start3A = arith.constant 0 : i32
      %dma_start3A_10 = arith.constant 0 : i32
      %dma_start3A_11 = tpu.memref_slice %arg3[%dma_start3A, %dma_start3A_10] : memref<20000x128xf32, #tpu.memory_space<hbm>> -> memref<20000x128xf32, #tpu.memory_space<hbm>>
      tpu.enqueue_indirect_dma source(%dma_start3A_11 : memref<20000x128xf32, #tpu.memory_space<hbm>>) target(%arg15 : memref<16x128xf32, #tpu.memory_space<vmem>>) offsets(%arg13 : memref<16xi32, #tpu.memory_space<vmem>>) semaphore(%run_scoped3A : memref<!tpu.dma_semaphore, #tpu.memory_space<semaphore_mem>>)
      %dma_wait3A = arith.constant 0 : i32
      %dma_wait3A_12 = arith.constant 0 : i32
      %dma_wait3A_13 = tpu.memref_slice %arg3[%dma_wait3A, %dma_wait3A_12] : memref<20000x128xf32, #tpu.memory_space<hbm>> -> memref<20000x128xf32, #tpu.memory_space<hbm>>
      tpu.wait_indirect_dma semaphore(%run_scoped3A : memref<!tpu.dma_semaphore, #tpu.memory_space<semaphore_mem>>) src(%dma_wait3A_13 : memref<20000x128xf32, #tpu.memory_space<hbm>>) dst(%arg15 : memref<16x128xf32, #tpu.memory_space<vmem>>)
      tpu.yield
    }) : () -> ()
    "tpu.region"() ({
      %run_scoped3A = tpu.sem_alloc : memref<!tpu.dma_semaphore, #tpu.memory_space<semaphore_mem>>
      %dma_start3A = arith.constant 0 : i32
      %dma_start3A_10 = tpu.memref_slice %arg6[%multiple_of3A, %dma_start3A] : memref<320000x128xf32, #tpu.memory_space<hbm>> -> memref<16x128xf32, #tpu.memory_space<hbm>>
      %dma_start3A_11 = arith.constant 0 : i32
      %dma_start3A_12 = tpu.memref_slice %arg6[%multiple_of3A, %dma_start3A_11] : memref<320000x128xf32, #tpu.memory_space<hbm>> -> memref<16x128xf32, #tpu.memory_space<hbm>>
      tpu.enqueue_dma source(%arg14 : memref<16x128xf32, #tpu.memory_space<vmem>>) target(%dma_start3A_12 : memref<16x128xf32, #tpu.memory_space<hbm>>) target_semaphore(%run_scoped3A : memref<!tpu.dma_semaphore, #tpu.memory_space<semaphore_mem>>)
      %dma_wait3A = arith.constant 0 : i32
      %dma_wait3A_13 = tpu.memref_slice %arg6[%multiple_of3A, %dma_wait3A] : memref<320000x128xf32, #tpu.memory_space<hbm>> -> memref<16x128xf32, #tpu.memory_space<hbm>>
      %dma_wait3A_14 = arith.constant 0 : i32
      %dma_wait3A_15 = tpu.memref_slice %arg6[%multiple_of3A, %dma_wait3A_14] : memref<320000x128xf32, #tpu.memory_space<hbm>> -> memref<16x128xf32, #tpu.memory_space<hbm>>
      tpu.wait_dma2 semaphore(%run_scoped3A : memref<!tpu.dma_semaphore, #tpu.memory_space<semaphore_mem>>) src(%arg14 : memref<16x128xf32, #tpu.memory_space<vmem>>) dst(%dma_wait3A_15 : memref<16x128xf32, #tpu.memory_space<hbm>>)
      tpu.yield
    }) : () -> ()
    "tpu.region"() ({
      %run_scoped3A = tpu.sem_alloc : memref<!tpu.dma_semaphore, #tpu.memory_space<semaphore_mem>>
      %dma_start3A = arith.constant 0 : i32
      %dma_start3A_10 = tpu.memref_slice %arg7[%multiple_of3A, %dma_start3A] : memref<320000x128xf32, #tpu.memory_space<hbm>> -> memref<16x128xf32, #tpu.memory_space<hbm>>
      %dma_start3A_11 = arith.constant 0 : i32
      %dma_start3A_12 = tpu.memref_slice %arg7[%multiple_of3A, %dma_start3A_11] : memref<320000x128xf32, #tpu.memory_space<hbm>> -> memref<16x128xf32, #tpu.memory_space<hbm>>
      tpu.enqueue_dma source(%arg15 : memref<16x128xf32, #tpu.memory_space<vmem>>) target(%dma_start3A_12 : memref<16x128xf32, #tpu.memory_space<hbm>>) target_semaphore(%run_scoped3A : memref<!tpu.dma_semaphore, #tpu.memory_space<semaphore_mem>>)
      %dma_wait3A = arith.constant 0 : i32
      %dma_wait3A_13 = tpu.memref_slice %arg7[%multiple_of3A, %dma_wait3A] : memref<320000x128xf32, #tpu.memory_space<hbm>> -> memref<16x128xf32, #tpu.memory_space<hbm>>
      %dma_wait3A_14 = arith.constant 0 : i32
      %dma_wait3A_15 = tpu.memref_slice %arg7[%multiple_of3A, %dma_wait3A_14] : memref<320000x128xf32, #tpu.memory_space<hbm>> -> memref<16x128xf32, #tpu.memory_space<hbm>>
      tpu.wait_dma2 semaphore(%run_scoped3A : memref<!tpu.dma_semaphore, #tpu.memory_space<semaphore_mem>>) src(%arg15 : memref<16x128xf32, #tpu.memory_space<vmem>>) dst(%dma_wait3A_15 : memref<16x128xf32, #tpu.memory_space<hbm>>)
      tpu.yield
    }) : () -> ()
    return
  }
}

module attributes {stable_mosaic.version = 14 : i64} {
  func.func @body(%arg0: i32, %arg1: memref<2000x128xf32, #tpu.memory_space<vmem>>, %arg2: memref<128x128xf32, #tpu.memory_space<vmem>>, %arg3: memref<128x128xf32, #tpu.memory_space<vmem>>, %arg4: memref<2000x128xf32, #tpu.memory_space<vmem>>, %arg5: memref<2000x128xf32, #tpu.memory_space<vmem>>) attributes {dimension_semantics = [#tpu.dimension_semantics<arbitrary>], iteration_bounds = array<i64: 10>, scalar_prefetch = 0 : i64, scratch_operands = 0 : i64, tpu.core_type = #tpu.core_type<tc>, window_params = [{transform_indices = @transform_0, window_bounds = array<i64: 2000, 128>}, {pipeline_mode = #tpu.pipeline_mode<synchronous>, transform_indices = @transform_1, window_bounds = array<i64: 128, 128>}, {pipeline_mode = #tpu.pipeline_mode<synchronous>, transform_indices = @transform_2, window_bounds = array<i64: 128, 128>}, {transform_indices = @transform_3, window_bounds = array<i64: 2000, 128>}, {transform_indices = @transform_4, window_bounds = array<i64: 2000, 128>}]} {
    %get3A = arith.constant 0 : index
    %get3A_0 = arith.constant 0 : index
    %get3A_1 = vector.load %arg1[%get3A, %get3A_0] : memref<2000x128xf32, #tpu.memory_space<vmem>>, vector<2000x128xf32>
    %get3A_2 = arith.constant 0 : index
    %get3A_3 = arith.constant 0 : index
    %get3A_4 = vector.load %arg2[%get3A_2, %get3A_3] : memref<128x128xf32, #tpu.memory_space<vmem>>, vector<128x128xf32>
    %dot_general3A = arith.constant dense<0.000000e+00> : vector<2000x128xf32>
    %dot_general3A_5 = tpu.matmul %get3A_1, %get3A_4, %dot_general3A {dimension_numbers = #tpu.dot_dimension_numbers<[1], [0], [0], [1], [0, 0, 1, 1], [], []>, transpose_lhs_hint = false} : vector<2000x128xf32>, vector<128x128xf32>, vector<2000x128xf32> -> vector<2000x128xf32>
    %swap3A = arith.constant 0 : index
    %swap3A_6 = arith.constant 0 : index
    %swap3A_7 = vector.load %arg4[%swap3A, %swap3A_6] : memref<2000x128xf32, #tpu.memory_space<vmem>>, vector<2000x128xf32>
    tpu.vector_store %arg4[%swap3A, %swap3A_6], %dot_general3A_5 {strides = array<i32>} : memref<2000x128xf32, #tpu.memory_space<vmem>>, vector<2000x128xf32>,
    %get3A_8 = arith.constant 0 : index
    %get3A_9 = arith.constant 0 : index
    %get3A_10 = vector.load %arg3[%get3A_8, %get3A_9] : memref<128x128xf32, #tpu.memory_space<vmem>>, vector<128x128xf32>
    %dot_general3A_11 = arith.constant dense<0.000000e+00> : vector<2000x128xf32>
    %dot_general3A_12 = tpu.matmul %get3A_1, %get3A_10, %dot_general3A_11 {dimension_numbers = #tpu.dot_dimension_numbers<[1], [0], [0], [1], [0, 0, 1, 1], [], []>, transpose_lhs_hint = false} : vector<2000x128xf32>, vector<128x128xf32>, vector<2000x128xf32> -> vector<2000x128xf32>
    %swap3A_13 = arith.constant 0 : index
    %swap3A_14 = arith.constant 0 : index
    %swap3A_15 = vector.load %arg5[%swap3A_13, %swap3A_14] : memref<2000x128xf32, #tpu.memory_space<vmem>>, vector<2000x128xf32>
    tpu.vector_store %arg5[%swap3A_13, %swap3A_14], %dot_general3A_12 {strides = array<i32>} : memref<2000x128xf32, #tpu.memory_space<vmem>>, vector<2000x128xf32>,
    return
  }
  func.func @transform_0(%arg0: i32) -> (i32, i32) {
    %c0_i32 = arith.constant 0 : i32
    %c0_i32_0 = arith.constant 0 : i32
    return %arg0, %c0_i32 : i32, i32
  }
  func.func @transform_1(%arg0: i32) -> (i32, i32) {
    %c0_i32 = arith.constant 0 : i32
    %c0_i32_0 = arith.constant 0 : i32
    %c0_i32_1 = arith.constant 0 : i32
    return %c0_i32, %c0_i32_0 : i32, i32
  }
  func.func @transform_2(%arg0: i32) -> (i32, i32) {
    %c0_i32 = arith.constant 0 : i32
    %c0_i32_0 = arith.constant 0 : i32
    %c0_i32_1 = arith.constant 0 : i32
    return %c0_i32, %c0_i32_0 : i32, i32
  }
  func.func @transform_3(%arg0: i32) -> (i32, i32) {
    %c0_i32 = arith.constant 0 : i32
    %c0_i32_0 = arith.constant 0 : i32
    return %arg0, %c0_i32 : i32, i32
  }
  func.func @transform_4(%arg0: i32) -> (i32, i32) {
    %c0_i32 = arith.constant 0 : i32
    %c0_i32_0 = arith.constant 0 : i32
    return %arg0, %c0_i32 : i32, i32
  }
}

module attributes {stable_mosaic.version = 14 : i64} {
  func.func @body(%arg0: i32, %arg1: memref<2560x128xf32, #tpu.memory_space<vmem>>, %arg2: memref<2560x128xf32, #tpu.memory_space<vmem>>, %arg3: memref<2560x128xf32, #tpu.memory_space<vmem>>, %arg4: memref<2560x1xf32, #tpu.memory_space<vmem>>, %arg5: memref<128x128xf32, #tpu.memory_space<vmem>>, %arg6: memref<1x128xf32, #tpu.memory_space<vmem>>, %arg7: memref<128x384xf32, #tpu.memory_space<vmem>>, %arg8: memref<1x384xf32, #tpu.memory_space<vmem>>, %arg9: memref<2560x128xf32, #tpu.memory_space<vmem>>, %arg10: memref<2x2560x128xf32, #tpu.memory_space<vmem>>, %arg11: memref<2560x128xf32, #tpu.memory_space<vmem>>) attributes {dimension_semantics = [#tpu.dimension_semantics<arbitrary>], iteration_bounds = array<i64: 125>, scalar_prefetch = 0 : i64, scratch_operands = 0 : i64, tpu.core_type = #tpu.core_type<tc>, window_params = [{transform_indices = @transform_0, window_bounds = array<i64: 2560, 128>}, {transform_indices = @transform_1, window_bounds = array<i64: 2560, 128>}, {transform_indices = @transform_2, window_bounds = array<i64: 2560, 128>}, {transform_indices = @transform_3, window_bounds = array<i64: 2560, 1>}, {pipeline_mode = #tpu.pipeline_mode<synchronous>, transform_indices = @transform_4, window_bounds = array<i64: 128, 128>}, {pipeline_mode = #tpu.pipeline_mode<synchronous>, transform_indices = @transform_5, window_bounds = array<i64: 1, 128>}, {pipeline_mode = #tpu.pipeline_mode<synchronous>, transform_indices = @transform_6, window_bounds = array<i64: 128, 384>}, {pipeline_mode = #tpu.pipeline_mode<synchronous>, transform_indices = @transform_7, window_bounds = array<i64: 1, 384>}, {transform_indices = @transform_8, window_bounds = array<i64: 2560, 128>}, {transform_indices = @transform_9, window_bounds = array<i64: 2, 2560, 128>}, {transform_indices = @transform_10, window_bounds = array<i64: 2560, 128>}]} {
    %get3A = arith.constant 0 : index
    %get3A_0 = arith.constant 0 : index
    %get3A_1 = vector.load %arg3[%get3A, %get3A_0] : memref<2560x128xf32, #tpu.memory_space<vmem>>, vector<2560x128xf32>
    %get3A_2 = arith.constant 0 : index
    %get3A_3 = arith.constant 0 : index
    %get3A_4 = vector.load %arg5[%get3A_2, %get3A_3] : memref<128x128xf32, #tpu.memory_space<vmem>>, vector<128x128xf32>
    %dot_general3A = arith.constant dense<0.000000e+00> : vector<2560x128xf32>
    %dot_general3A_5 = tpu.matmul %get3A_1, %get3A_4, %dot_general3A {dimension_numbers = #tpu.dot_dimension_numbers<[1], [0], [0], [1], [0, 0, 1, 1], [], []>, transpose_lhs_hint = false} : vector<2560x128xf32>, vector<128x128xf32>, vector<2560x128xf32> -> vector<2560x128xf32>
    %get3A_6 = arith.constant 0 : index
    %get3A_7 = arith.constant 0 : index
    %get3A_8 = vector.load %arg1[%get3A_6, %get3A_7] : memref<2560x128xf32, #tpu.memory_space<vmem>>, vector<2560x128xf32>
    %get3A_9 = arith.constant 0 : index
    %get3A_10 = arith.constant 0 : index
    %get3A_11 = vector.load %arg2[%get3A_9, %get3A_10] : memref<2560x128xf32, #tpu.memory_space<vmem>>, vector<2560x128xf32>
    %add3A = arith.addf %get3A_8, %get3A_11 : vector<2560x128xf32>
    %add3A_12 = arith.addf %add3A, %dot_general3A_5 : vector<2560x128xf32>
    %get3A_13 = arith.constant 0 : index
    %get3A_14 = arith.constant 0 : index
    %get3A_15 = vector.load %arg6[%get3A_13, %get3A_14] : memref<1x128xf32, #tpu.memory_space<vmem>>, vector<1x128xf32>
    %add3A_16 = vector.broadcast %get3A_15 : vector<1x128xf32> to vector<2560x128xf32>
    %add3A_17 = arith.addf %add3A_12, %add3A_16 : vector<2560x128xf32>
    %max3A = arith.constant 0.000000e+00 : f32
    %max3A_18 = vector.broadcast %max3A : f32 to vector<2560x128xf32>
    %max3A_19 = arith.maximumf %add3A_17, %max3A_18 : vector<2560x128xf32>
    %get3A_20 = arith.constant 0 : index
    %get3A_21 = arith.constant 0 : index
    %get3A_22 = vector.load %arg7[%get3A_20, %get3A_21] : memref<128x384xf32, #tpu.memory_space<vmem>>, vector<128x384xf32>
    %dot_general3A_23 = arith.constant dense<0.000000e+00> : vector<2560x384xf32>
    %dot_general3A_24 = tpu.matmul %max3A_19, %get3A_22, %dot_general3A_23 {dimension_numbers = #tpu.dot_dimension_numbers<[1], [0], [0], [1], [0, 0, 1, 1], [], []>, transpose_lhs_hint = false} : vector<2560x128xf32>, vector<128x384xf32>, vector<2560x384xf32> -> vector<2560x384xf32>
    %get3A_25 = arith.constant 0 : index
    %get3A_26 = arith.constant 0 : index
    %get3A_27 = vector.load %arg8[%get3A_25, %get3A_26] : memref<1x384xf32, #tpu.memory_space<vmem>>, vector<1x384xf32>
    %add3A_28 = vector.broadcast %get3A_27 : vector<1x384xf32> to vector<2560x384xf32>
    %add3A_29 = arith.addf %dot_general3A_24, %add3A_28 : vector<2560x384xf32>
    %max3A_30 = arith.constant 0.000000e+00 : f32
    %max3A_31 = vector.broadcast %max3A_30 : f32 to vector<2560x384xf32>
    %max3A_32 = arith.maximumf %add3A_29, %max3A_31 : vector<2560x384xf32>
    %get3A_33 = arith.constant 0 : index
    %get3A_34 = arith.constant 0 : index
    %get3A_35 = vector.load %arg4[%get3A_33, %get3A_34] : memref<2560x1xf32, #tpu.memory_space<vmem>>, vector<2560x1xf32>
    %slice3A = vector.extract_strided_slice %max3A_32 {offsets = [0, 128], sizes = [2560, 128], strides = [1, 1]} : vector<2560x384xf32> to vector<2560x128xf32>
    %swap3A = arith.constant 0 : index
    %swap3A_36 = arith.constant 0 : index
    %swap3A_37 = vector.load %arg9[%swap3A, %swap3A_36] : memref<2560x128xf32, #tpu.memory_space<vmem>>, vector<2560x128xf32>
    tpu.vector_store %arg9[%swap3A, %swap3A_36], %slice3A {strides = array<i32>} : memref<2560x128xf32, #tpu.memory_space<vmem>>, vector<2560x128xf32>,
    %slice3A_38 = vector.extract_strided_slice %max3A_32 {offsets = [0, 0], sizes = [2560, 128], strides = [1, 1]} : vector<2560x384xf32> to vector<2560x128xf32>
    %mul3A = vector.broadcast %get3A_35 : vector<2560x1xf32> to vector<2560x128xf32>
    %mul3A_39 = arith.mulf %slice3A_38, %mul3A : vector<2560x128xf32>
    %swap3A_40 = arith.constant 0 : index
    %swap3A_41 = arith.constant 0 : index
    %swap3A_42 = arith.constant 0 : index
    %swap3A_43 = vector.load %arg10[%swap3A_40, %swap3A_41, %swap3A_42] : memref<2x2560x128xf32, #tpu.memory_space<vmem>>, vector<1x2560x128xf32>
    %swap3A_44 = vector.shape_cast %swap3A_43 : vector<1x2560x128xf32> to vector<2560x128xf32>
    %swap3A_45 = vector.shape_cast %mul3A_39 : vector<2560x128xf32> to vector<1x2560x128xf32>
    tpu.vector_store %arg10[%swap3A_40, %swap3A_41, %swap3A_42], %swap3A_45 {strides = array<i32>} : memref<2x2560x128xf32, #tpu.memory_space<vmem>>, vector<1x2560x128xf32>,
    %slice3A_46 = vector.extract_strided_slice %max3A_32 {offsets = [0, 256], sizes = [2560, 128], strides = [1, 1]} : vector<2560x384xf32> to vector<2560x128xf32>
    %mul3A_47 = vector.broadcast %get3A_35 : vector<2560x1xf32> to vector<2560x128xf32>
    %mul3A_48 = arith.mulf %slice3A_46, %mul3A_47 : vector<2560x128xf32>
    %swap3A_49 = arith.constant 1 : index
    %swap3A_50 = arith.constant 0 : index
    %swap3A_51 = arith.constant 0 : index
    %swap3A_52 = vector.load %arg10[%swap3A_49, %swap3A_50, %swap3A_51] : memref<2x2560x128xf32, #tpu.memory_space<vmem>>, vector<1x2560x128xf32>
    %swap3A_53 = vector.shape_cast %swap3A_52 : vector<1x2560x128xf32> to vector<2560x128xf32>
    %swap3A_54 = vector.shape_cast %mul3A_48 : vector<2560x128xf32> to vector<1x2560x128xf32>
    tpu.vector_store %arg10[%swap3A_49, %swap3A_50, %swap3A_51], %swap3A_54 {strides = array<i32>} : memref<2x2560x128xf32, #tpu.memory_space<vmem>>, vector<1x2560x128xf32>,
    %iota3A = tpu.iota {dimensions = array<i32: 1>} : vector<2560x128xi32>
    %eq3A = arith.constant 0 : i32
    %eq3A_55 = vector.broadcast %eq3A : i32 to vector<2560x128xi32>
    %eq3A_56 = arith.cmpi eq, %iota3A, %eq3A_55 : vector<2560x128xi32>
    %jit3A = arith.constant 0.000000e+00 : f32
    %broadcast_in_dim3A = vector.shape_cast %get3A_35 : vector<2560x1xf32> to vector<2560x1xf32>
    %broadcast_in_dim3A_57 = vector.broadcast %broadcast_in_dim3A : vector<2560x1xf32> to vector<2560x128xf32>
    %broadcast_in_dim3A_58 = vector.broadcast %jit3A : f32 to vector<2560x128xf32>
    %select_n3A = arith.select %eq3A_56, %broadcast_in_dim3A_57, %broadcast_in_dim3A_58 : vector<2560x128xi1>, vector<2560x128xf32>
    %swap3A_59 = arith.constant 0 : index
    %swap3A_60 = arith.constant 0 : index
    %swap3A_61 = vector.load %arg11[%swap3A_59, %swap3A_60] : memref<2560x128xf32, #tpu.memory_space<vmem>>, vector<2560x128xf32>
    tpu.vector_store %arg11[%swap3A_59, %swap3A_60], %select_n3A {strides = array<i32>} : memref<2560x128xf32, #tpu.memory_space<vmem>>, vector<2560x128xf32>,
    return
  }
  func.func @transform_0(%arg0: i32) -> (i32, i32) {
    %c0_i32 = arith.constant 0 : i32
    %c0_i32_0 = arith.constant 0 : i32
    return %arg0, %c0_i32 : i32, i32
  }
  func.func @transform_1(%arg0: i32) -> (i32, i32) {
    %c0_i32 = arith.constant 0 : i32
    %c0_i32_0 = arith.constant 0 : i32
    return %arg0, %c0_i32 : i32, i32
  }
  func.func @transform_2(%arg0: i32) -> (i32, i32) {
    %c0_i32 = arith.constant 0 : i32
    %c0_i32_0 = arith.constant 0 : i32
    return %arg0, %c0_i32 : i32, i32
  }
  func.func @transform_3(%arg0: i32) -> (i32, i32) {
    %c0_i32 = arith.constant 0 : i32
    %c0_i32_0 = arith.constant 0 : i32
    return %arg0, %c0_i32 : i32, i32
  }
  func.func @transform_4(%arg0: i32) -> (i32, i32) {
    %c0_i32 = arith.constant 0 : i32
    %c0_i32_0 = arith.constant 0 : i32
    %c0_i32_1 = arith.constant 0 : i32
    return %c0_i32, %c0_i32_0 : i32, i32
  }
  func.func @transform_5(%arg0: i32) -> (i32, i32) {
    %c0_i32 = arith.constant 0 : i32
    %c0_i32_0 = arith.constant 0 : i32
    %c0_i32_1 = arith.constant 0 : i32
    return %c0_i32, %c0_i32_0 : i32, i32
  }
  func.func @transform_6(%arg0: i32) -> (i32, i32) {
    %c0_i32 = arith.constant 0 : i32
    %c0_i32_0 = arith.constant 0 : i32
    %c0_i32_1 = arith.constant 0 : i32
    return %c0_i32, %c0_i32_0 : i32, i32
  }
  func.func @transform_7(%arg0: i32) -> (i32, i32) {
    %c0_i32 = arith.constant 0 : i32
    %c0_i32_0 = arith.constant 0 : i32
    %c0_i32_1 = arith.constant 0 : i32
    return %c0_i32, %c0_i32_0 : i32, i32
  }
  func.func @transform_8(%arg0: i32) -> (i32, i32) {
    %c0_i32 = arith.constant 0 : i32
    %c0_i32_0 = arith.constant 0 : i32
    return %arg0, %c0_i32 : i32, i32
  }
  func.func @transform_9(%arg0: i32) -> (i32, i32, i32) {
    %c0_i32 = arith.constant 0 : i32
    %c0_i32_0 = arith.constant 0 : i32
    %c0_i32_1 = arith.constant 0 : i32
    return %c0_i32, %arg0, %c0_i32_0 : i32, i32, i32
  }
  func.func @transform_10(%arg0: i32) -> (i32, i32) {
    %c0_i32 = arith.constant 0 : i32
    %c0_i32_0 = arith.constant 0 : i32
    return %arg0, %c0_i32 : i32, i32
  }
}

module attributes {stable_mosaic.version = 14 : i64} {
  func.func @body(%arg0: i32, %arg1: memref<2000x128xf32, #tpu.memory_space<vmem>>, %arg2: memref<2000x16xf32, #tpu.memory_space<vmem>>, %arg3: memref<128x128xf32, #tpu.memory_space<vmem>>, %arg4: memref<1x128xf32, #tpu.memory_space<vmem>>, %arg5: memref<128x128xf32, #tpu.memory_space<vmem>>, %arg6: memref<1x128xf32, #tpu.memory_space<vmem>>, %arg7: memref<2000x128xf32, #tpu.memory_space<vmem>>) attributes {dimension_semantics = [#tpu.dimension_semantics<arbitrary>], iteration_bounds = array<i64: 10>, scalar_prefetch = 0 : i64, scratch_operands = 0 : i64, tpu.core_type = #tpu.core_type<tc>, window_params = [{transform_indices = @transform_0, window_bounds = array<i64: 2000, 128>}, {transform_indices = @transform_1, window_bounds = array<i64: 2000, 16>}, {pipeline_mode = #tpu.pipeline_mode<synchronous>, transform_indices = @transform_2, window_bounds = array<i64: 128, 128>}, {pipeline_mode = #tpu.pipeline_mode<synchronous>, transform_indices = @transform_3, window_bounds = array<i64: 1, 128>}, {pipeline_mode = #tpu.pipeline_mode<synchronous>, transform_indices = @transform_4, window_bounds = array<i64: 128, 128>}, {pipeline_mode = #tpu.pipeline_mode<synchronous>, transform_indices = @transform_5, window_bounds = array<i64: 1, 128>}, {transform_indices = @transform_6, window_bounds = array<i64: 2000, 128>}]} {
    %get3A = arith.constant 0 : index
    %get3A_0 = arith.constant 0 : index
    %get3A_1 = vector.load %arg2[%get3A, %get3A_0] : memref<2000x16xf32, #tpu.memory_space<vmem>>, vector<2000x16xf32>
    %slice3A = vector.extract_strided_slice %get3A_1 {offsets = [0, 0], sizes = [2000, 1], strides = [1, 1]} : vector<2000x16xf32> to vector<2000x1xf32>
    %gt3A = arith.constant 0.000000e+00 : f32
    %gt3A_2 = vector.broadcast %gt3A : f32 to vector<2000x1xf32>
    %gt3A_3 = arith.cmpf ogt, %slice3A, %gt3A_2 : vector<2000x1xf32>
    %jit3A = arith.constant 1.000000e+00 : f32
    %broadcast_in_dim3A = vector.broadcast %jit3A : f32 to vector<2000x1xf32>
    %select_n3A = arith.select %gt3A_3, %slice3A, %broadcast_in_dim3A : vector<2000x1xi1>, vector<2000x1xf32>
    %get3A_4 = arith.constant 0 : index
    %get3A_5 = arith.constant 0 : index
    %get3A_6 = vector.load %arg1[%get3A_4, %get3A_5] : memref<2000x128xf32, #tpu.memory_space<vmem>>, vector<2000x128xf32>
    %div3A = vector.broadcast %select_n3A : vector<2000x1xf32> to vector<2000x128xf32>
    %div3A_7 = arith.divf %get3A_6, %div3A : vector<2000x128xf32>
    %get3A_8 = arith.constant 0 : index
    %get3A_9 = arith.constant 0 : index
    %get3A_10 = vector.load %arg3[%get3A_8, %get3A_9] : memref<128x128xf32, #tpu.memory_space<vmem>>, vector<128x128xf32>
    %dot_general3A = arith.constant dense<0.000000e+00> : vector<2000x128xf32>
    %dot_general3A_11 = tpu.matmul %div3A_7, %get3A_10, %dot_general3A {dimension_numbers = #tpu.dot_dimension_numbers<[1], [0], [0], [1], [0, 0, 1, 1], [], []>, transpose_lhs_hint = false} : vector<2000x128xf32>, vector<128x128xf32>, vector<2000x128xf32> -> vector<2000x128xf32>
    %get3A_12 = arith.constant 0 : index
    %get3A_13 = arith.constant 0 : index
    %get3A_14 = vector.load %arg4[%get3A_12, %get3A_13] : memref<1x128xf32, #tpu.memory_space<vmem>>, vector<1x128xf32>
    %add3A = vector.broadcast %get3A_14 : vector<1x128xf32> to vector<2000x128xf32>
    %add3A_15 = arith.addf %dot_general3A_11, %add3A : vector<2000x128xf32>
    %max3A = arith.constant 0.000000e+00 : f32
    %max3A_16 = vector.broadcast %max3A : f32 to vector<2000x128xf32>
    %max3A_17 = arith.maximumf %add3A_15, %max3A_16 : vector<2000x128xf32>
    %get3A_18 = arith.constant 0 : index
    %get3A_19 = arith.constant 0 : index
    %get3A_20 = vector.load %arg5[%get3A_18, %get3A_19] : memref<128x128xf32, #tpu.memory_space<vmem>>, vector<128x128xf32>
    %dot_general3A_21 = arith.constant dense<0.000000e+00> : vector<2000x128xf32>
    %dot_general3A_22 = tpu.matmul %max3A_17, %get3A_20, %dot_general3A_21 {dimension_numbers = #tpu.dot_dimension_numbers<[1], [0], [0], [1], [0, 0, 1, 1], [], []>, transpose_lhs_hint = false} : vector<2000x128xf32>, vector<128x128xf32>, vector<2000x128xf32> -> vector<2000x128xf32>
    %get3A_23 = arith.constant 0 : index
    %get3A_24 = arith.constant 0 : index
    %get3A_25 = vector.load %arg6[%get3A_23, %get3A_24] : memref<1x128xf32, #tpu.memory_space<vmem>>, vector<1x128xf32>
    %add3A_26 = vector.broadcast %get3A_25 : vector<1x128xf32> to vector<2000x128xf32>
    %add3A_27 = arith.addf %dot_general3A_22, %add3A_26 : vector<2000x128xf32>
    %max3A_28 = arith.constant 0.000000e+00 : f32
    %max3A_29 = vector.broadcast %max3A_28 : f32 to vector<2000x128xf32>
    %max3A_30 = arith.maximumf %add3A_27, %max3A_29 : vector<2000x128xf32>
    %swap3A = arith.constant 0 : index
    %swap3A_31 = arith.constant 0 : index
    %swap3A_32 = vector.load %arg7[%swap3A, %swap3A_31] : memref<2000x128xf32, #tpu.memory_space<vmem>>, vector<2000x128xf32>
    tpu.vector_store %arg7[%swap3A, %swap3A_31], %max3A_30 {strides = array<i32>} : memref<2000x128xf32, #tpu.memory_space<vmem>>, vector<2000x128xf32>,
    return
  }
  func.func @transform_0(%arg0: i32) -> (i32, i32) {
    %c0_i32 = arith.constant 0 : i32
    %c0_i32_0 = arith.constant 0 : i32
    return %arg0, %c0_i32 : i32, i32
  }
  func.func @transform_1(%arg0: i32) -> (i32, i32) {
    %c0_i32 = arith.constant 0 : i32
    %c0_i32_0 = arith.constant 0 : i32
    return %arg0, %c0_i32 : i32, i32
  }
  func.func @transform_2(%arg0: i32) -> (i32, i32) {
    %c0_i32 = arith.constant 0 : i32
    %c0_i32_0 = arith.constant 0 : i32
    %c0_i32_1 = arith.constant 0 : i32
    return %c0_i32, %c0_i32_0 : i32, i32
  }
  func.func @transform_3(%arg0: i32) -> (i32, i32) {
    %c0_i32 = arith.constant 0 : i32
    %c0_i32_0 = arith.constant 0 : i32
    %c0_i32_1 = arith.constant 0 : i32
    return %c0_i32, %c0_i32_0 : i32, i32
  }
  func.func @transform_4(%arg0: i32) -> (i32, i32) {
    %c0_i32 = arith.constant 0 : i32
    %c0_i32_0 = arith.constant 0 : i32
    %c0_i32_1 = arith.constant 0 : i32
    return %c0_i32, %c0_i32_0 : i32, i32
  }
  func.func @transform_5(%arg0: i32) -> (i32, i32) {
    %c0_i32 = arith.constant 0 : i32
    %c0_i32_0 = arith.constant 0 : i32
    %c0_i32_1 = arith.constant 0 : i32
    return %c0_i32, %c0_i32_0 : i32, i32
  }
  func.func @transform_6(%arg0: i32) -> (i32, i32) {
    %c0_i32 = arith.constant 0 : i32
    %c0_i32_0 = arith.constant 0 : i32
    return %arg0, %c0_i32 : i32, i32
  }
}

</mosaic_0001>

<sc_bundles>
// kernel: kernel.10.cloned.1.call-start
scs
__scs_entry_jumppad:
0x0: {  	(pc) =	sbr.rel $0x88, $3  }
0x1: {  	(tag) =	ssettag $0x0;
	lr =	simm.s32 $0x1  }
0x2: {  	[smem:$0x3F95] =	sst lr;
	_ =	strace $0xD0000000  }
0x3: {  	_ = 	snop  }
0x4: {  	_ = 	snop  }
0x5: {  	_ = 	snop  }
0x6: {  	_ = 	snop  }
0x7: {  	_ = 	snop  }
__scs_overlays_trampoline_lowered:
0x8: {  	[smem:$0x3FA4] =	sst s0  }
0x9: {  	[smem:$0x3FA5] =	sst s1  }
0xa: {  	[smem:$0x3FA6] =	sst s2  }
0xb: {  	[smem:$0x3FA7] =	sst s3  }
0xc: {  	[smem:$0x3FA8] =	sst s4  }
0xd: {  	[smem:$0x3FA9] =	sst s5  }
0xe: {  	[smem:$0x3FAA] =	sst s6  }
0xf: {  	[smem:$0x3FAB] =	sst s7  }
0x10: {  	[smem:$0x3FAC] =	sst s8  }
0x11: {  	[smem:$0x3FAD] =	sst s9;
	s0 =	simm.s32 @!p0 $0x0  }
0x12: {  	s1 =	sld [smem:$0x3F93];
	s0 =	simm.s32 @p0 $0x1  }
0x13: {  	[smem:$0x3FAE] =	sst s0;
	s0 =	simm.s32 @!p1 $0x0  }
0x14: {  	s2 =	sld [smem:$0x3F92];
	s0 =	simm.s32 @p1 $0x1  }
0x15: {  	[smem:$0x3FAF] =	sst s0;
	s0 =	simm.s32 @!p2 $0x0  }
0x16: {  	s3 =	sld [smem:$0x3FDB];
	s0 =	simm.s32 @p2 $0x1  }
0x17: {  	s4 =	simm.s32 $0x1BF5;
	[smem:$0x3FB1] =	sst s0  }
0x18: {  	s0 =	sld [smem:$0x3F94];
	_ =	swait.ge [sflag:s4], $0x0  }
0x19: {  	s7 =	sld [smem:$0x3F95]  }
0x1a: {  	s8 =	sadd.s32 $0xFFFFE003, lr  }
0x1b: {  	s9 =	sadd.s32 $0xFFFFFEF7, lr;
	s5 =	simm.s32 $0xFFFFFFFF;
	p2 =	slt.u32 s8, $0xFFFFF086  }
0x1c: {  	p1 =	slt.u32 s9, $0xF7A;
	s5 =	simm.s32 @!p2 $0x0  }
0x1d: {  	s5 =	simm.s32 @p1 $0x1;
	p0 =	seq.s32 s7, s2  }
0x1e: {  	s7 =	smul.u32 @!p0 $0xF7A, s2;
	p2 =	seq.s32 @!p0 s5, $0x0  }
0x1f: {  	s9 =	smul.u32 $0xF7A, s1;
	s8 =	simm.s32 @!p0 $0x1BF5;
	p2 =	por !p2, p0  }
0x20: {  	[sflag:s8] =	ssyncset.s32 @!p0 $0xFFFFF086;
	s6 =	sadd.s32 @!p0 s3, s7;
	s7 =	simm.s32 @!p0 $0x108  }
0x21: {  	s3 =	sadd.s32 s3, s9;
	s6 =	sadd.s32 @!p0 $0x88, s6;
	s7 =	simm.s32 @p2 $0x1082  }
0x22: {  	[simem:s7], [sflag:s8] =	dma.local @!p0 [hbm:s6], $0xF7A  }
0x23: {  	s9 =	sor.u32 $0xD0000000, s2;
	s6 =	simm.s32 $0x108;
	_ =	swait.ge @!p0 [sflag:s8], $0x0  }
0x24: {  	s3 =	sadd.s32 $0x88, s3;
	s6 =	simm.s32 @!p1 $0x1082;
	[sflag:s4] =	ssyncset.s32 $0xFFFFF086  }
0x25: {  	[simem:s6], [sflag:s4] =	dma.local [hbm:s3], $0xF7A  }
0x26: {  	[smem:$0x3F95] =	sst s1;
	(tag) =	ssettag s2;
	_ =	strace s9  }
0x27: {  	s1 =	sld [smem:$0x3FA5]  }
0x28: {  	s2 =	sld [smem:$0x3FA6]  }
0x29: {  	s4 =	sld [smem:$0x3FA8]  }
0x2a: {  	p0 =	seq.s32 s5, $0x0;
	s5 =	sld [smem:$0x3FA9]  }
0x2b: {  	s6 =	sld [smem:$0x3FAA]  }
0x2c: {  	s7 =	sld [smem:$0x3FAB]  }
0x2d: {  	s3 =	simm.s32 $0x108;
	s8 =	sld [smem:$0x3FAC]  }
0x2e: {  	s3 =	simm.s32 @!p0 $0x1082;
	s9 =	sld [smem:$0x3FAD]  }
0x2f: {  	lr =	sadd.s32 s0, s3;
	s0 =	sld [smem:$0x3FA4]  }
0x30: {  	s3 =	sld [smem:$0x3FA7]  }
0x31: {  	[smem:$0x3FB0] =	sst s10  }
0x32: {  	s10 =	sld [smem:$0x3FAE];
	_ =	sdelay $0x3  }
0x33: {  	p0 =	seq.s32 s10, $0x1;
	s10 =	sld [smem:$0x3FB0];
	_ =	sdelay $0x3  }
0x34: {  	[smem:$0x3FB0] =	sst s10  }
0x35: {  	s10 =	sld [smem:$0x3FAF];
	_ =	sdelay $0x3  }
0x36: {  	p1 =	seq.s32 s10, $0x1;
	s10 =	sld [smem:$0x3FB0];
	_ =	sdelay $0x3  }
0x37: {  	[smem:$0x3FB0] =	sst s10  }
0x38: {  	s10 =	sld [smem:$0x3FB1]  }
0x39: {  	_ = 	snop;
	(pc) =	sbr.ind lr, $3  }
0x3a: {  	_ = 	snop  }
0x3b: {  	_ = 	snop  }
0x3c: {  	p2 =	seq.s32 s10, $0x1;
	s10 =	sld [smem:$0x3FB0]  }
0x3d: {  	_ =	shalt  }
0x3e: {  	_ =	shalt  }
0x3f: {  	_ =	shalt  }
0x40: {  	_ =	shalt  }
0x41: {  	_ =	shalt  }
0x42: {  	_ =	shalt  }
0x43: {  	_ =	shalt  }
0x44: {  	_ =	shalt  }
0x45: {  	_ =	shalt  }
0x46: {  	_ =	shalt  }
0x47: {  	_ =	shalt  }
0x48: {  	_ =	shalt  }
0x49: {  	_ =	shalt  }
0x4a: {  	_ =	shalt  }
0x4b: {  	_ =	shalt  }
0x4c: {  	_ =	shalt  }
0x4d: {  	_ =	shalt  }
0x4e: {  	_ =	shalt  }
0x4f: {  	_ =	shalt  }
0x50: {  	_ =	shalt  }
0x51: {  	_ =	shalt  }
0x52: {  	_ =	shalt  }
0x53: {  	_ =	shalt  }
0x54: {  	_ =	shalt  }
0x55: {  	_ =	shalt  }
0x56: {  	_ =	shalt  }
0x57: {  	_ =	shalt  }
0x58: {  	_ =	shalt  }
0x59: {  	_ =	shalt  }
0x5a: {  	_ =	shalt  }
0x5b: {  	_ =	shalt  }
0x5c: {  	_ =	shalt  }
0x5d: {  	_ =	shalt  }
0x5e: {  	_ =	shalt  }
0x5f: {  	_ =	shalt  }
0x60: {  	_ =	shalt  }
0x61: {  	_ =	shalt  }
0x62: {  	_ =	shalt  }
0x63: {  	_ =	shalt  }
0x64: {  	_ =	shalt  }
0x65: {  	_ =	shalt  }
0x66: {  	_ =	shalt  }
0x67: {  	_ =	shalt  }
0x68: {  	_ =	shalt  }
0x69: {  	_ =	shalt  }
0x6a: {  	_ =	shalt  }
0x6b: {  	_ =	shalt  }
0x6c: {  	_ =	shalt  }
0x6d: {  	_ =	shalt  }
0x6e: {  	_ =	shalt  }
0x6f: {  	_ =	shalt  }
0x70: {  	_ =	shalt  }
0x71: {  	_ =	shalt  }
0x72: {  	_ =	shalt  }
0x73: {  	_ =	shalt  }
0x74: {  	_ =	shalt  }
0x75: {  	_ =	shalt  }
0x76: {  	_ =	shalt  }
0x77: {  	_ =	shalt  }
0x78: {  	_ =	shalt  }
0x79: {  	_ =	shalt  }
0x7a: {  	_ =	shalt  }
0x7b: {  	_ =	shalt  }
0x7c: {  	_ =	shalt  }
0x7d: {  	_ =	shalt  }
0x7e: {  	_ =	shalt  }
0x7f: {  	_ =	shalt  }
0x80: {  	_ =	shalt  }
0x81: {  	_ =	shalt  }
0x82: {  	_ =	shalt  }
0x83: {  	_ =	shalt  }
0x84: {  	_ =	shalt  }
0x85: {  	_ =	shalt  }
0x86: {  	_ =	shalt  }
0x87: {  	_ =	shalt  }
.Lfunc_end0:
.L_simem_size_0:
called_computation.1_lowered:
.L_overlay_start_0:
0x88: {  	s2 =	sld [smem:$0x3FD9]  }
0x89: {  	s3 =	sld [smem:$0x3FFE];
	_ =	sdelay $0x1  }
0x8a: {  	s1 =	srdreg.scid  }
0x8b: {  	s0 =	sand.u32 $0x1, s1  }
0x8c: {  	s14 =	sshll.u32 s0, $0xA;
	s2 =	sadd.s32 s3, s2  }
0x8d: {  	s2 =	sadd.s32 s2, s14  }
0x8e: {  	[smem:$0x3FBC] =	sst s2  }
0x8f: {  	_ = 	snop  }
0x90: {  	s2 =	sld [smem:$0x3FD0];
	_ =	sdelay $0x2  }
0x91: {  	s15 =	simm.s32 $0xA;
	s4 =	simm.s32 $0x10  }
0x92: {  	[smem:s4], [sflag:s15] =	dma.local [hbm:s2], $0x1  }
0x93: {  	_ =	swait.eq [sflag:s15], $0x1  }
0x94: {  	[sflag:s15] =	ssyncset.done $0x0  }
0x95: {  	[sflag:s15] =	ssyncadd.s32 $0xFFFFFFFF  }
0x96: {  	s16 =	sld [smem:$0x10];
	(tm) =	ssettm $0x1  }
0x97: {  	s17 =	sld [smem:$0x3FFB];
	_ =	sdelay $0x3  }
0x98: {  	_ =	strace s17  }
0x99: {  	s3 =	sld [smem:$0x3FFC];
	_ =	sdelay $0x3  }
0x9a: {  	_ =	strace s3  }
0x9b: {  	s3 =	sld [smem:$0x3FFD];
	_ =	sdelay $0x3  }
0x9c: {  	_ =	strace s3  }
0x9d: {  	_ =	strace $0x8FFFFFFF  }
0x9e: {  	s18 =	sld [smem:$0x3FDB];
	_ =	sdelay $0x1  }
0x9f: {  	s19 =	simm.s32 $_scs_section_size  }
0xa0: {  	s5 =	simm.s32 $_size__tile_overlayer_lowered;
	s6 =	simm.s32 $_tile_overlayer_lowered  }
0xa1: {  	s22 =	simm.s32 $0x1BFF;
	s21 =	sshll.u32 s6, $0x1;
	s3 =	sadd.s32 s19, s18  }
0xa2: {  	s7 =	simm.s32 $0x0;
	s20 =	sshll.u32 s5, $0x1;
	s5 =	sadd.s32 s21, s3  }
0xa3: {  	[timem:s7], [sflag:s22] =	dma.local [hbm:s5], s20  }
0xa4: {  	_ =	swait.ge [sflag:s22], s20  }
0xa5: {  	s4 =	ssub.s32 $0x0, s20;
	[sflag:s22] =	ssyncset.done $0x0  }
0xa6: {  	[sflag:s22] =	ssyncadd.s32 s4;
	_ =	sdelay $0x1  }
0xa7: {  	s23 =	simm.s32 $0x1B8B  }
0xa8: {  	_ =	swait.ge [sflag:s23], $0x1  }
0xa9: {  	[sflag:s23] =	ssyncset.done $0x0  }
0xaa: {  	s25 =	simm.s32 $0x1B8E;
	s24 =	sld [smem:$0x3FFE];
	[sflag:s23] =	ssyncadd.s32 $0xFFFFFFFF  }
0xab: {  	s26 =	simm.s32 $execute0_lowered;
	[smem:$0x3FD2] =	sst s25  }
0xac: {  	s5 =	sshll.u32 s26, $0x1;
	_ =	strace $0x80000049;
	[dreg:$0x1] =	wrdreg $0xFFFFFFFF  }
0xad: {  	s28 =	simm.s32 $_size_execute0_lowered;
	s3 =	sadd.s32 s3, s5;
	[dreg:$0x0] =	wrdreg $0x0  }
0xae: {  	s5 =	sshll.u32 s28, $0x1;
	[dreg:$0x2] =	wrdreg s3  }
0xaf: {  	[dreg:$0x3] =	wrdreg s5  }
0xb0: {  	[dreg:$0x4] =	wrdreg $0xC0  }
0xb1: {  	_ =	task [dreg:s7], $0x5FFFF  }
0xb2: {  	[dreg:$0x1] =	wrdreg $0xFFFFFFFF  }
0xb3: {  	[dreg:$0x0] =	wrdreg $0x60  }
0xb4: {  	[dreg:$0x2] =	wrdreg s24  }
0xb5: {  	[dreg:$0x3] =	wrdreg s16  }
0xb6: {  	[dreg:$0x4] =	wrdreg $0x0  }
0xb7: {  	[dreg:$0x5] =	wrdreg $0x9  }
0xb8: {  	_ =	task.clear_ibuf [dreg:s7], $0x6FFFF;
	_ =	strace $0x90000049  }
0xb9: {  	s29 =	simm.s32 $0x9;
	_ =	strace $0x8000004B  }
0xba: {  	_ =	swait.ge [sflag:s29], $0x1  }
0xbb: {  	[sflag:s29] =	ssyncadd.s32 $0xFFFFFFFF  }
0xbc: {  	_ =	strace $0x9000004B  }
0xbd: {  	_ =	sfence  }
0xbe: {  	s30 =	sld [smem:$0x0];
	_ =	sdelay $0x2  }
0xbf: {  	s31 =	sshll.u32 s1, $0xD;
	s1 =	sshrl.u32 s1, $0x2  }
0xc0: {  	s3 =	sand.u32 $0x4000, s31;
	s1 =	sadd.s32 s1, s30  }
0xc1: {  	s0 =	sor.u32 s3, s0;
	s1 =	sshll.u32 s1, $0x11  }
0xc2: {  	s0 =	sor.u32 s1, s0  }
0xc3: {  	s0 =	sadd.s32 $0x8F2B, s0  }
0xc4: {  	[sflag:s0] =	ssyncadd.remote.s32 $0x1  }
0xc5: {  	_ =	sfence.sel $0xFFFF  }
0xc6: {  	[dreg:$0x0] =	wrdreg $0xFFFFFFFF;
	(pc) =	sbr.abs _section_cstart, $3  }
0xc7: {  	[dreg:$0x1] =	wrdreg $0xFFFFFFFF  }
0xc8: {  	_ =	task.clear_ibuf [dreg:s7], $0x2FFFF;
	_ =	strace $0x9FFFFFFF  }
0xc9: {  	(tm) =	ssettm $0x7FFFFFFF  }
tec
execute0_lowered:
.L_overlay_start_1:
0x0: {  	(tag) =	ssettag $0x1  }
0x1: {  	s0 =	srdreg.scid  }
0x2: {  	s3 =	rddreg [dreg:$0x0];
	s20 =	stileid.u32  }
0x3: {  	s5 =	rddreg [dreg:$0x1];
	s4 =	smul.u32 $0x2710, s20;
	s6 =	sadd.s32 $0xECFE00, s3  }
0x4: {  	s0 =	sand.u32 $0x1, s0;
	s7 =	sadd.s32 $0x1893E00, s3;
	s9 =	smul.u32 $0x270, s20  }
0x5: {  	s1 =	rddreg [dreg:$0x2];
	s8 =	sadd.s32 $0xEBC400, s3;
	s2 =	smul.u32 $0x27100, s0  }
0x6: {  	s16 =	sadd.s32 $0x3600, s3;
	s21 =	ssub.s32 $0x2, s0;
	s13 =	smul.u32 $0x2710, s0  }
0x7: {  	s0 =	smul.u32 $0x271000, s0;
	s11 =	sshrl.u32 s21, $0x1;
	s10 =	sadd.s32 s4, s2  }
0x8: {  	s17 =	ssub.s32 s21, s11;
	s23 =	sadd.s32 s13, s9;
	s4 =	sadd.s32 $0x2700, s10  }
0x9: {  	s22 =	sadd.s32 $0x50900, s10;
	s30 =	smax.u32 s17, $0x1;
	s17 =	simm.s32 $0x13900  }
0xa: {  	s12 =	sshrl.u32 s4, $0x3;
	s11 =	sshll.u32 s4, $0x4;
	s24 =	sshrl.u32 s22, $0x3  }
0xb: {  	s14 =	sshll.u32 s22, $0x4;
	s2 =	sadd.s32 s8, s12;
	s4 =	sadd.s32 s6, s11  }
0xc: {  	s12 =	sshll.u32 s23, $0x4;
	s25 =	sadd.s32 s6, s14;
	s11 =	sadd.s32 s7, s11  }
0xd: {  	s6 =	sadd.s32 s0, s6;
	s0 =	sadd.s32 s0, s7;
	[dreg:$0x4] =	wrdreg s4  }
0xe: {  	s7 =	simm.s32 $0x0;
	s4 =	sadd.s32 s8, s24;
	[dreg:$0x5] =	wrdreg s25  }
0xf: {  	s26 =	sadd.s32 $0x800, s12;
	s19 =	sadd.s32 s5, s12;
	s22 =	sadd.s32 $0x1000, s12  }
0x10: {  	s23 =	sadd.s32 $0x1800, s12;
	s24 =	sadd.s32 s16, s12;
	[dreg:$0x6] =	wrdreg s19  }
0x11: {  	s18 =	sadd.s32 $0x2000, s12;
	s21 =	sadd.s32 s5, s26;
	[dreg:$0xb] =	wrdreg s24  }
0x12: {  	s12 =	sshrl.u32 s9, $0x3;
	s15 =	sadd.s32 s5, s22;
	[dreg:$0x7] =	wrdreg s21  }
0x13: {  	s19 =	sadd.s32 s5, s23;
	s5 =	sadd.s32 s5, s18;
	[dreg:$0x8] =	wrdreg s15  }
0x14: {  	s25 =	sadd.s32 s16, s26;
	s14 =	sadd.s32 s16, s22;
	[dreg:$0x9] =	wrdreg s19  }
0x15: {  	s26 =	sadd.s32 $0x4E200, s10;
	s10 =	sshrl.u32 s10, $0x3;
	[dreg:$0xa] =	wrdreg s5  }
0x16: {  	s13 =	sadd.s32 s12, s3;
	[dreg:$0xc] =	wrdreg s25;
	s15 =	sadd.s32 s16, s23  }
0x17: {  	s16 =	sadd.s32 s16, s18;
	s5 =	sshrl.u32 s26, $0x3;
	s18 =	sadd.s32 s10, s8  }
0x18: {  	s10 =	smul.u32 $0x27100, s20;
	s21 =	simm.s32 $0x0;
	s23 =	sadd.s32 $0x2E00, s3  }
0x19: {  	s24 =	sadd.s32 $0x2800, s13;
	s25 =	sadd.s32 $0x2810, s13;
	s26 =	sadd.s32 $0x2820, s13  }
0x1a: {  	s28 =	sadd.s32 $0x2830, s13;
	s29 =	sadd.s32 $0x2840, s13;
	s3 =	simm.s32 $0x13880  }
0x1b: {  	s19 =	sadd.s32 s5, s8;
	[smem:$0x7FF] =	sst s21;
	s5 =	simm.s32 $0x80  }
0x1c: {  	s20 =	sadd.s32 s10, s6;
	s22 =	sadd.s32 s10, s0;
	_ =	strace $0x8000004A  }
0x1d: {  	s0 =	simm.s32 $0x1;
	s6 =	simm.s32 $0x14100;
	s31 =	sadd.s32 $0x4E2000, s20  }
.LBB2_1:
0x1e: {  	[tilespmem:s17], [sflag:$0x1] =	stream.linear.gather [hbm4b:s23+s21], $0x4000, $0x38;
	[tilespmem:$0x17900] =	vst v63  }
0x1f: {  	_ =	swait.ge [sflag:s0], $0x4000  }
0x20: {  	[sflag:s0] =	ssyncset.done $0x0  }
0x21: {  	[sflag:s0] =	ssyncadd.s32 $0xFFFFC000  }
0x22: {  	[tilespmem:s3], [sflag:$0x1] =	stream.linear.gather [hbm4b:s24+s21], $0x80, $0x38;
	[tilespmem:$0x17900] =	vst v63  }
0x23: {  	_ =	swait.ge [sflag:s0], $0x80  }
0x24: {  	[sflag:s0] =	ssyncset.done $0x0  }
0x25: {  	[sflag:s0] =	ssyncadd.s32 $0xFFFFFF80  }
0x26: {  	[spmem:s1] =	stream.indirect.scatter [tilespmem:s17], [sflag:$0x1], $0x80, s3, s5, $0xb8;
	[tilespmem:$0x17900] =	vst v63  }
0x27: {  	_ =	swait.ge [sflag:s0], $0x4000  }
0x28: {  	[sflag:s0] =	ssyncset.done $0x0  }
0x29: {  	[sflag:s0] =	ssyncadd.s32 $0xFFFFC000  }
0x2a: {  	[tilespmem:s3], [sflag:$0x1] =	stream.linear.gather [hbm4b:s25+s21], $0x80, $0x38;
	[tilespmem:$0x17900] =	vst v63  }
0x2b: {  	_ =	swait.ge [sflag:s0], $0x80  }
0x2c: {  	[sflag:s0] =	ssyncset.done $0x0  }
0x2d: {  	[sflag:s0] =	ssyncadd.s32 $0xFFFFFF80  }
0x2e: {  	[spmem:s1] =	stream.indirect.scatter [tilespmem:s17], [sflag:$0x1], $0x80, s3, s5, $0xb8;
	[tilespmem:$0x17900] =	vst v63  }
0x2f: {  	_ =	swait.ge [sflag:s0], $0x4000  }
0x30: {  	[sflag:s0] =	ssyncset.done $0x0  }
0x31: {  	[sflag:s0] =	ssyncadd.s32 $0xFFFFC000  }
0x32: {  	[tilespmem:s3], [sflag:$0x1] =	stream.linear.gather [hbm4b:s26+s21], $0x80, $0x38;
	[tilespmem:$0x17900] =	vst v63  }
0x33: {  	_ =	swait.ge [sflag:s0], $0x80  }
0x34: {  	[sflag:s0] =	ssyncset.done $0x0  }
0x35: {  	[sflag:s0] =	ssyncadd.s32 $0xFFFFFF80  }
0x36: {  	[spmem:s1] =	stream.indirect.scatter [tilespmem:s17], [sflag:$0x1], $0x80, s3, s5, $0xb8;
	[tilespmem:$0x17900] =	vst v63  }
0x37: {  	_ =	swait.ge [sflag:s0], $0x4000  }
0x38: {  	[sflag:s0] =	ssyncset.done $0x0  }
0x39: {  	[sflag:s0] =	ssyncadd.s32 $0xFFFFC000  }
0x3a: {  	[tilespmem:s3], [sflag:$0x1] =	stream.linear.gather [hbm4b:s28+s21], $0x80, $0x38;
	[tilespmem:$0x17900] =	vst v63  }
0x3b: {  	_ =	swait.ge [sflag:s0], $0x80  }
0x3c: {  	[sflag:s0] =	ssyncset.done $0x0  }
0x3d: {  	[sflag:s0] =	ssyncadd.s32 $0xFFFFFF80  }
0x3e: {  	[spmem:s1] =	stream.indirect.scatter [tilespmem:s17], [sflag:$0x1], $0x80, s3, s5, $0xb8;
	[tilespmem:$0x17900] =	vst v63  }
0x3f: {  	_ =	swait.ge [sflag:s0], $0x4000  }
0x40: {  	[sflag:s0] =	ssyncset.done $0x0  }
0x41: {  	[sflag:s0] =	ssyncadd.s32 $0xFFFFC000  }
0x42: {  	[tilespmem:s3], [sflag:$0x1] =	stream.linear.gather [hbm4b:s29+s21], $0x80, $0x38;
	[tilespmem:$0x17900] =	vst v63  }
0x43: {  	_ =	swait.ge [sflag:s0], $0x80  }
0x44: {  	[sflag:s0] =	ssyncset.done $0x0  }
0x45: {  	[sflag:s0] =	ssyncadd.s32 $0xFFFFFF80  }
0x46: {  	[spmem:s1] =	stream.indirect.scatter [tilespmem:s17], [sflag:$0x1], $0x80, s3, s5, $0xb8;
	[tilespmem:$0x17900] =	vst v63  }
0x47: {  	_ =	swait.ge [sflag:s0], $0x4000  }
0x48: {  	[sflag:s0] =	ssyncset.done $0x0  }
0x49: {  	[sflag:s0] =	ssyncadd.s32 $0xFFFFC000  }
0x4a: {  	s8 =	sadd.s32 $0x0, s18;
	[bflag:$0x0] =	sbarrier.arrive $0xFFFF  }
0x4b: {  	[tilespmem:s3], [sflag:$0x1] =	stream.linear.gather [hbm4b:s8+s21], $0x80, $0x38;
	[tilespmem:$0x17900] =	vst v63  }
0x4c: {  	_ =	swait.ge [sflag:s0], $0x80  }
0x4d: {  	[sflag:s0] =	ssyncset.done $0x0  }
0x4e: {  	[sflag:s0] =	ssyncadd.s32 $0xFFFFFF80  }
0x4f: {  	[tilespmem:s17], [sflag:$0x1] =	stream.linear.gather [hbm4b:s20+s21], $0x4000, $0x38;
	[tilespmem:$0x17900] =	vst v63  }
0x50: {  	_ =	swait.ge [sflag:s0], $0x4000  }
0x51: {  	[sflag:s0] =	ssyncset.done $0x0  }
0x52: {  	[sflag:s0] =	ssyncadd.s32 $0xFFFFC000  }
0x53: {  	[spmem:s1] =	stream.indirect.scatter.add.f32 [tilespmem:s17], [sflag:$0x1], $0x80, s3, s5, $0xb8;
	[tilespmem:$0x17900] =	vst v63  }
0x54: {  	s9 =	simm.s32 $0x10;
	_ =	swait.ge [sflag:s0], $0x4000  }
0x55: {  	s10 =	simm.s32 $0x20;
	s8 =	sadd.s32 $0x800, s20;
	[sflag:s0] =	ssyncset.done $0x0  }
.LBB2_2:
0x56: {  	s12 =	sadd.s32 s9, s18  }
0x57: {  	[sflag:s0] =	ssyncadd.s32 $0xFFFFC000;
	s9 =	smov.u32 s10;
	s13 =	sadd.s32 $0x10, s10  }
0x58: {  	[tilespmem:s3], [sflag:$0x1] =	stream.linear.gather [hbm4b:s12+s21], $0x80, $0x38;
	[tilespmem:$0x17900] =	vst v63  }
0x59: {  	p0 =	sne.s32 s10, $0x4D0;
	_ =	swait.ge [sflag:s0], $0x80  }
0x5a: {  	[sflag:s0] =	ssyncset.done $0x0  }
0x5b: {  	[sflag:s0] =	ssyncadd.s32 $0xFFFFFF80  }
0x5c: {  	[tilespmem:s17], [sflag:$0x1] =	stream.linear.gather [hbm4b:s8+s21], $0x4000, $0x38;
	[tilespmem:$0x17900] =	vst v63  }
0x5d: {  	_ =	swait.ge [sflag:s0], $0x4000  }
.Ltmp0:
0x5e: {  	[sflag:s0] =	ssyncset.done $0x0;
	(pc) =	sbr.rel @p0 .LBB2_2-.Ltmp0, $4  }
0x5f: {  	[sflag:s0] =	ssyncadd.s32 $0xFFFFC000  }
0x60: {  	[spmem:s1] =	stream.indirect.scatter.add.f32 [tilespmem:s17], [sflag:$0x1], $0x80, s3, s5, $0xb8;
	[tilespmem:$0x17900] =	vst v63  }
0x61: {  	_ =	swait.ge [sflag:s0], $0x4000  }
0x62: {  	s10 =	smov.u32 s13;
	s8 =	sadd.s32 $0x800, s8;
	[sflag:s0] =	ssyncset.done $0x0  }
0x63: {  	s9 =	sadd.s32 s9, s18;
	[sflag:s0] =	ssyncadd.s32 $0xFFFFC000  }
0x64: {  	[tilespmem:s3], [sflag:$0x1] =	stream.linear.gather [hbm4b:s9+s21], $0x80, $0x38;
	[tilespmem:$0x17900] =	vst v63  }
0x65: {  	_ =	swait.ge [sflag:s0], $0x80  }
0x66: {  	[sflag:s0] =	ssyncset.done $0x0  }
0x67: {  	[sflag:s0] =	ssyncadd.s32 $0xFFFFFF80  }
0x68: {  	[tilespmem:s17], [sflag:$0x1] =	stream.linear.gather [hbm4b:s8+s21], $0x4000, $0x38;
	[tilespmem:$0x17900] =	vst v63  }
0x69: {  	_ =	swait.ge [sflag:s0], $0x4000  }
0x6a: {  	[sflag:s0] =	ssyncset.done $0x0  }
0x6b: {  	[sflag:s0] =	ssyncadd.s32 $0xFFFFC000  }
0x6c: {  	[spmem:s1] =	stream.indirect.scatter.add.f32 [tilespmem:s17], [sflag:$0x1], $0x80, s3, s5, $0xb8;
	[tilespmem:$0x17900] =	vst v63  }
0x6d: {  	_ =	swait.ge [sflag:s0], $0x4000  }
0x6e: {  	[sflag:s0] =	ssyncset.done $0x0  }
0x6f: {  	s10 =	simm.s32 $0x0;
	[sflag:s0] =	ssyncadd.s32 $0xFFFFC000  }
0x70: {  	[tilespmem:s3], [sflag:$0x1] =	stream.linear.gather [hbm4b:s2+s10], $0x10, $0x38;
	[tilespmem:$0x17900] =	vst v63  }
0x71: {  	_ =	swait.ge [sflag:s0], $0x10  }
0x72: {  	[sflag:s0] =	ssyncset.done $0x0  }
0x73: {  	s12 =	rddreg [dreg:$0x4];
	[sflag:s0] =	ssyncadd.s32 $0xFFFFFFF0  }
0x74: {  	[tilespmem:s17], [sflag:$0x1] =	stream.linear.gather [hbm4b:s12+s10], $0x800, $0x38;
	[tilespmem:$0x17900] =	vst v63  }
0x75: {  	_ =	swait.ge [sflag:s0], $0x800  }
0x76: {  	[sflag:s0] =	ssyncset.done $0x0  }
0x77: {  	[sflag:s0] =	ssyncadd.s32 $0xFFFFF800  }
0x78: {  	[tilespmem:s6], [sflag:$0x1] =	stream.linear.gather [hbm4b:s23+s10], $0x3800, $0x38;
	[tilespmem:$0x17900] =	vst v63  }
0x79: {  	_ =	swait.ge [sflag:s0], $0x3800  }
0x7a: {  	[sflag:s0] =	ssyncset.done $0x0  }
0x7b: {  	[sflag:s0] =	ssyncadd.s32 $0xFFFFC800  }
0x7c: {  	[spmem:s1] =	stream.indirect.scatter.add.f32 [tilespmem:s17], [sflag:$0x1], $0x80, s3, s5, $0xb8;
	[tilespmem:$0x17900] =	vst v63  }
0x7d: {  	_ =	swait.ge [sflag:s0], $0x4000  }
0x7e: {  	[sflag:s0] =	ssyncset.done $0x0  }
0x7f: {  	s13 =	sadd.s32 $0x0, s19;
	[sflag:s0] =	ssyncadd.s32 $0xFFFFC000  }
0x80: {  	[tilespmem:s3], [sflag:$0x1] =	stream.linear.gather [hbm4b:s13+s21], $0x80, $0x38;
	[tilespmem:$0x17900] =	vst v63  }
0x81: {  	_ =	swait.ge [sflag:s0], $0x80  }
0x82: {  	[sflag:s0] =	ssyncset.done $0x0  }
0x83: {  	[sflag:s0] =	ssyncadd.s32 $0xFFFFFF80  }
0x84: {  	[tilespmem:s17], [sflag:$0x1] =	stream.linear.gather [hbm4b:s31+s21], $0x4000, $0x38;
	[tilespmem:$0x17900] =	vst v63  }
0x85: {  	_ =	swait.ge [sflag:s0], $0x4000  }
0x86: {  	[sflag:s0] =	ssyncset.done $0x0  }
0x87: {  	[sflag:s0] =	ssyncadd.s32 $0xFFFFC000  }
0x88: {  	[spmem:s1] =	stream.indirect.scatter.add.f32 [tilespmem:s17], [sflag:$0x1], $0x80, s3, s5, $0xb8;
	[tilespmem:$0x17900] =	vst v63  }
0x89: {  	s9 =	simm.s32 $0x10;
	_ =	swait.ge [sflag:s0], $0x4000  }
0x8a: {  	s8 =	sadd.s32 $0x800, s31;
	s10 =	simm.s32 $0x20;
	[sflag:s0] =	ssyncset.done $0x0  }
.LBB2_4:
0x8b: {  	s12 =	sadd.s32 s9, s19  }
0x8c: {  	[sflag:s0] =	ssyncadd.s32 $0xFFFFC000;
	s9 =	smov.u32 s10;
	s13 =	sadd.s32 $0x10, s10  }
0x8d: {  	[tilespmem:s3], [sflag:$0x1] =	stream.linear.gather [hbm4b:s12+s21], $0x80, $0x38;
	[tilespmem:$0x17900] =	vst v63  }
0x8e: {  	p0 =	sne.s32 s10, $0x4D0;
	_ =	swait.ge [sflag:s0], $0x80  }
0x8f: {  	[sflag:s0] =	ssyncset.done $0x0  }
0x90: {  	[sflag:s0] =	ssyncadd.s32 $0xFFFFFF80  }
0x91: {  	[tilespmem:s17], [sflag:$0x1] =	stream.linear.gather [hbm4b:s8+s21], $0x4000, $0x38;
	[tilespmem:$0x17900] =	vst v63  }
0x92: {  	_ =	swait.ge [sflag:s0], $0x4000  }
.Ltmp1:
0x93: {  	[sflag:s0] =	ssyncset.done $0x0;
	(pc) =	sbr.rel @p0 .LBB2_4-.Ltmp1, $4  }
0x94: {  	[sflag:s0] =	ssyncadd.s32 $0xFFFFC000  }
0x95: {  	[spmem:s1] =	stream.indirect.scatter.add.f32 [tilespmem:s17], [sflag:$0x1], $0x80, s3, s5, $0xb8;
	[tilespmem:$0x17900] =	vst v63  }
0x96: {  	_ =	swait.ge [sflag:s0], $0x4000  }
0x97: {  	s10 =	smov.u32 s13;
	s8 =	sadd.s32 $0x800, s8;
	[sflag:s0] =	ssyncset.done $0x0  }
0x98: {  	s9 =	sadd.s32 s9, s19;
	[sflag:s0] =	ssyncadd.s32 $0xFFFFC000  }
0x99: {  	[tilespmem:s3], [sflag:$0x1] =	stream.linear.gather [hbm4b:s9+s21], $0x80, $0x38;
	[tilespmem:$0x17900] =	vst v63  }
0x9a: {  	_ =	swait.ge [sflag:s0], $0x80  }
0x9b: {  	[sflag:s0] =	ssyncset.done $0x0  }
0x9c: {  	[sflag:s0] =	ssyncadd.s32 $0xFFFFFF80  }
0x9d: {  	[tilespmem:s17], [sflag:$0x1] =	stream.linear.gather [hbm4b:s8+s21], $0x4000, $0x38;
	[tilespmem:$0x17900] =	vst v63  }
0x9e: {  	_ =	swait.ge [sflag:s0], $0x4000  }
0x9f: {  	[sflag:s0] =	ssyncset.done $0x0  }
0xa0: {  	[sflag:s0] =	ssyncadd.s32 $0xFFFFC000  }
0xa1: {  	[spmem:s1] =	stream.indirect.scatter.add.f32 [tilespmem:s17], [sflag:$0x1], $0x80, s3, s5, $0xb8;
	[tilespmem:$0x17900] =	vst v63  }
0xa2: {  	_ =	swait.ge [sflag:s0], $0x4000  }
0xa3: {  	[sflag:s0] =	ssyncset.done $0x0  }
0xa4: {  	s8 =	simm.s32 $0x0;
	[sflag:s0] =	ssyncadd.s32 $0xFFFFC000  }
0xa5: {  	[tilespmem:s3], [sflag:$0x1] =	stream.linear.gather [hbm4b:s4+s8], $0x10, $0x38;
	[tilespmem:$0x17900] =	vst v63  }
0xa6: {  	_ =	swait.ge [sflag:s0], $0x10  }
0xa7: {  	[sflag:s0] =	ssyncset.done $0x0  }
0xa8: {  	s13 =	rddreg [dreg:$0x5];
	[sflag:s0] =	ssyncadd.s32 $0xFFFFFFF0  }
0xa9: {  	[tilespmem:s17], [sflag:$0x1] =	stream.linear.gather [hbm4b:s13+s8], $0x800, $0x38;
	[tilespmem:$0x17900] =	vst v63  }
0xaa: {  	_ =	swait.ge [sflag:s0], $0x800  }
0xab: {  	[sflag:s0] =	ssyncset.done $0x0  }
0xac: {  	[sflag:s0] =	ssyncadd.s32 $0xFFFFF800  }
0xad: {  	[tilespmem:s6], [sflag:$0x1] =	stream.linear.gather [hbm4b:s23+s8], $0x3800, $0x38;
	[tilespmem:$0x17900] =	vst v63  }
0xae: {  	_ =	swait.ge [sflag:s0], $0x3800  }
0xaf: {  	[sflag:s0] =	ssyncset.done $0x0  }
0xb0: {  	[sflag:s0] =	ssyncadd.s32 $0xFFFFC800  }
0xb1: {  	[spmem:s1] =	stream.indirect.scatter.add.f32 [tilespmem:s17], [sflag:$0x1], $0x80, s3, s5, $0xb8;
	[tilespmem:$0x17900] =	vst v63  }
0xb2: {  	_ =	swait.ge [sflag:s0], $0x4000  }
0xb3: {  	[sflag:s0] =	ssyncset.done $0x0  }
0xb4: {  	[sflag:s0] =	ssyncadd.s32 $0xFFFFC000  }
0xb5: {  	[bflag:$0x0] =	sbarrier.arrive $0xFFFF  }
0xb6: {  	[tilespmem:s3], [sflag:$0x1] =	stream.linear.gather [hbm4b:s24+s8], $0x80, $0x38;
	[tilespmem:$0x17900] =	vst v63  }
0xb7: {  	_ =	swait.ge [sflag:s0], $0x80  }
0xb8: {  	[sflag:s0] =	ssyncset.done $0x0  }
0xb9: {  	[sflag:s0] =	ssyncadd.s32 $0xFFFFFF80  }
0xba: {  	[tilespmem:s17], [sflag:$0x1] =	stream.indirect.gather [spmem:s1], $0x80, s3, s5, $0xb8;
	[tilespmem:$0x17900] =	vst v63  }
0xbb: {  	_ =	swait.ge [sflag:s0], $0x4000  }
0xbc: {  	[sflag:s0] =	ssyncset.done $0x0  }
0xbd: {  	s10 =	rddreg [dreg:$0x6];
	[sflag:s0] =	ssyncadd.s32 $0xFFFFC000  }
0xbe: {  	[hbm4b:s10+s8] =	stream.linear.scatter [tilespmem:s17], [sflag:$0x1], $0x4000, $0x38;
	[tilespmem:$0x17900] =	vst v63  }
0xbf: {  	_ =	swait.ge [sflag:s0], $0x4000  }
0xc0: {  	[sflag:s0] =	ssyncset.done $0x0  }
0xc1: {  	[sflag:s0] =	ssyncadd.s32 $0xFFFFC000  }
0xc2: {  	[tilespmem:s3], [sflag:$0x1] =	stream.linear.gather [hbm4b:s25+s8], $0x80, $0x38;
	[tilespmem:$0x17900] =	vst v63  }
0xc3: {  	_ =	swait.ge [sflag:s0], $0x80  }
0xc4: {  	[sflag:s0] =	ssyncset.done $0x0  }
0xc5: {  	[sflag:s0] =	ssyncadd.s32 $0xFFFFFF80  }
0xc6: {  	[tilespmem:s17], [sflag:$0x1] =	stream.indirect.gather [spmem:s1], $0x80, s3, s5, $0xb8;
	[tilespmem:$0x17900] =	vst v63  }
0xc7: {  	_ =	swait.ge [sflag:s0], $0x4000  }
0xc8: {  	[sflag:s0] =	ssyncset.done $0x0  }
0xc9: {  	s12 =	rddreg [dreg:$0x7];
	[sflag:s0] =	ssyncadd.s32 $0xFFFFC000  }
0xca: {  	[hbm4b:s12+s8] =	stream.linear.scatter [tilespmem:s17], [sflag:$0x1], $0x4000, $0x38;
	[tilespmem:$0x17900] =	vst v63  }
0xcb: {  	_ =	swait.ge [sflag:s0], $0x4000  }
0xcc: {  	[sflag:s0] =	ssyncset.done $0x0  }
0xcd: {  	[sflag:s0] =	ssyncadd.s32 $0xFFFFC000  }
0xce: {  	[tilespmem:s3], [sflag:$0x1] =	stream.linear.gather [hbm4b:s26+s8], $0x80, $0x38;
	[tilespmem:$0x17900] =	vst v63  }
0xcf: {  	_ =	swait.ge [sflag:s0], $0x80  }
0xd0: {  	[sflag:s0] =	ssyncset.done $0x0  }
0xd1: {  	[sflag:s0] =	ssyncadd.s32 $0xFFFFFF80  }
0xd2: {  	[tilespmem:s17], [sflag:$0x1] =	stream.indirect.gather [spmem:s1], $0x80, s3, s5, $0xb8;
	[tilespmem:$0x17900] =	vst v63  }
0xd3: {  	_ =	swait.ge [sflag:s0], $0x4000  }
0xd4: {  	[sflag:s0] =	ssyncset.done $0x0  }
0xd5: {  	s13 =	rddreg [dreg:$0x8];
	[sflag:s0] =	ssyncadd.s32 $0xFFFFC000  }
0xd6: {  	[hbm4b:s13+s8] =	stream.linear.scatter [tilespmem:s17], [sflag:$0x1], $0x4000, $0x38;
	[tilespmem:$0x17900] =	vst v63  }
0xd7: {  	_ =	swait.ge [sflag:s0], $0x4000  }
0xd8: {  	[sflag:s0] =	ssyncset.done $0x0  }
0xd9: {  	[sflag:s0] =	ssyncadd.s32 $0xFFFFC000  }
0xda: {  	[tilespmem:s3], [sflag:$0x1] =	stream.linear.gather [hbm4b:s28+s8], $0x80, $0x38;
	[tilespmem:$0x17900] =	vst v63  }
0xdb: {  	_ =	swait.ge [sflag:s0], $0x80  }
0xdc: {  	[sflag:s0] =	ssyncset.done $0x0  }
0xdd: {  	[sflag:s0] =	ssyncadd.s32 $0xFFFFFF80  }
0xde: {  	[tilespmem:s17], [sflag:$0x1] =	stream.indirect.gather [spmem:s1], $0x80, s3, s5, $0xb8;
	[tilespmem:$0x17900] =	vst v63  }
0xdf: {  	_ =	swait.ge [sflag:s0], $0x4000  }
0xe0: {  	[sflag:s0] =	ssyncset.done $0x0  }
0xe1: {  	s10 =	rddreg [dreg:$0x9];
	[sflag:s0] =	ssyncadd.s32 $0xFFFFC000  }
0xe2: {  	[hbm4b:s10+s8] =	stream.linear.scatter [tilespmem:s17], [sflag:$0x1], $0x4000, $0x38;
	[tilespmem:$0x17900] =	vst v63  }
0xe3: {  	_ =	swait.ge [sflag:s0], $0x4000  }
0xe4: {  	[sflag:s0] =	ssyncset.done $0x0  }
0xe5: {  	[sflag:s0] =	ssyncadd.s32 $0xFFFFC000  }
0xe6: {  	[tilespmem:s3], [sflag:$0x1] =	stream.linear.gather [hbm4b:s29+s8], $0x80, $0x38;
	[tilespmem:$0x17900] =	vst v63  }
0xe7: {  	_ =	swait.ge [sflag:s0], $0x80  }
0xe8: {  	[sflag:s0] =	ssyncset.done $0x0  }
0xe9: {  	[sflag:s0] =	ssyncadd.s32 $0xFFFFFF80  }
0xea: {  	[tilespmem:s17], [sflag:$0x1] =	stream.indirect.gather [spmem:s1], $0x80, s3, s5, $0xb8;
	[tilespmem:$0x17900] =	vst v63  }
0xeb: {  	_ =	swait.ge [sflag:s0], $0x4000  }
0xec: {  	[sflag:s0] =	ssyncset.done $0x0  }
0xed: {  	s12 =	rddreg [dreg:$0xa];
	[sflag:s0] =	ssyncadd.s32 $0xFFFFC000  }
0xee: {  	[hbm4b:s12+s8] =	stream.linear.scatter [tilespmem:s17], [sflag:$0x1], $0x4000, $0x38;
	[tilespmem:$0x17900] =	vst v63  }
0xef: {  	_ =	swait.ge [sflag:s0], $0x4000  }
0xf0: {  	[sflag:s0] =	ssyncset.done $0x0  }
0xf1: {  	[sflag:s0] =	ssyncadd.s32 $0xFFFFC000  }
0xf2: {  	[bflag:$0x0] =	sbarrier.arrive $0xFFFF  }
0xf3: {  	[tilespmem:s17], [sflag:$0x1] =	stream.linear.gather [hbm4b:s23+s8], $0x4000, $0x38;
	[tilespmem:$0x17900] =	vst v63  }
0xf4: {  	_ =	swait.ge [sflag:s0], $0x4000  }
0xf5: {  	[sflag:s0] =	ssyncset.done $0x0  }
0xf6: {  	[sflag:s0] =	ssyncadd.s32 $0xFFFFC000  }
0xf7: {  	[tilespmem:s3], [sflag:$0x1] =	stream.linear.gather [hbm4b:s24+s8], $0x80, $0x38;
	[tilespmem:$0x17900] =	vst v63  }
0xf8: {  	_ =	swait.ge [sflag:s0], $0x80  }
0xf9: {  	[sflag:s0] =	ssyncset.done $0x0  }
0xfa: {  	[sflag:s0] =	ssyncadd.s32 $0xFFFFFF80  }
0xfb: {  	[spmem:s1] =	stream.indirect.scatter [tilespmem:s17], [sflag:$0x1], $0x80, s3, s5, $0xb8;
	[tilespmem:$0x17900] =	vst v63  }
0xfc: {  	_ =	swait.ge [sflag:s0], $0x4000  }
0xfd: {  	[sflag:s0] =	ssyncset.done $0x0  }
0xfe: {  	[sflag:s0] =	ssyncadd.s32 $0xFFFFC000  }
0xff: {  	[tilespmem:s3], [sflag:$0x1] =	stream.linear.gather [hbm4b:s25+s8], $0x80, $0x38;
	[tilespmem:$0x17900] =	vst v63  }
0x100: {  	_ =	swait.ge [sflag:s0], $0x80  }
0x101: {  	[sflag:s0] =	ssyncset.done $0x0  }
0x102: {  	[sflag:s0] =	ssyncadd.s32 $0xFFFFFF80  }
0x103: {  	[spmem:s1] =	stream.indirect.scatter [tilespmem:s17], [sflag:$0x1], $0x80, s3, s5, $0xb8;
	[tilespmem:$0x17900] =	vst v63  }
0x104: {  	_ =	swait.ge [sflag:s0], $0x4000  }
0x105: {  	[sflag:s0] =	ssyncset.done $0x0  }
0x106: {  	[sflag:s0] =	ssyncadd.s32 $0xFFFFC000  }
0x107: {  	[tilespmem:s3], [sflag:$0x1] =	stream.linear.gather [hbm4b:s26+s8], $0x80, $0x38;
	[tilespmem:$0x17900] =	vst v63  }
0x108: {  	_ =	swait.ge [sflag:s0], $0x80  }
0x109: {  	[sflag:s0] =	ssyncset.done $0x0  }
0x10a: {  	[sflag:s0] =	ssyncadd.s32 $0xFFFFFF80  }
0x10b: {  	[spmem:s1] =	stream.indirect.scatter [tilespmem:s17], [sflag:$0x1], $0x80, s3, s5, $0xb8;
	[tilespmem:$0x17900] =	vst v63  }
0x10c: {  	_ =	swait.ge [sflag:s0], $0x4000  }
0x10d: {  	[sflag:s0] =	ssyncset.done $0x0  }
0x10e: {  	[sflag:s0] =	ssyncadd.s32 $0xFFFFC000  }
0x10f: {  	[tilespmem:s3], [sflag:$0x1] =	stream.linear.gather [hbm4b:s28+s8], $0x80, $0x38;
	[tilespmem:$0x17900] =	vst v63  }
0x110: {  	_ =	swait.ge [sflag:s0], $0x80  }
0x111: {  	[sflag:s0] =	ssyncset.done $0x0  }
0x112: {  	[sflag:s0] =	ssyncadd.s32 $0xFFFFFF80  }
0x113: {  	[spmem:s1] =	stream.indirect.scatter [tilespmem:s17], [sflag:$0x1], $0x80, s3, s5, $0xb8;
	[tilespmem:$0x17900] =	vst v63  }
0x114: {  	_ =	swait.ge [sflag:s0], $0x4000  }
0x115: {  	[sflag:s0] =	ssyncset.done $0x0  }
0x116: {  	[sflag:s0] =	ssyncadd.s32 $0xFFFFC000  }
0x117: {  	[tilespmem:s3], [sflag:$0x1] =	stream.linear.gather [hbm4b:s29+s8], $0x80, $0x38;
	[tilespmem:$0x17900] =	vst v63  }
0x118: {  	_ =	swait.ge [sflag:s0], $0x80  }
0x119: {  	[sflag:s0] =	ssyncset.done $0x0  }
0x11a: {  	[sflag:s0] =	ssyncadd.s32 $0xFFFFFF80  }
0x11b: {  	[spmem:s1] =	stream.indirect.scatter [tilespmem:s17], [sflag:$0x1], $0x80, s3, s5, $0xb8;
	[tilespmem:$0x17900] =	vst v63  }
0x11c: {  	_ =	swait.ge [sflag:s0], $0x4000  }
0x11d: {  	[sflag:s0] =	ssyncset.done $0x0  }
0x11e: {  	[sflag:s0] =	ssyncadd.s32 $0xFFFFC000  }
0x11f: {  	s13 =	sadd.s32 $0x0, s18;
	[bflag:$0x0] =	sbarrier.arrive $0xFFFF  }
0x120: {  	[tilespmem:s3], [sflag:$0x1] =	stream.linear.gather [hbm4b:s13+s21], $0x80, $0x38;
	[tilespmem:$0x17900] =	vst v63  }
0x121: {  	_ =	swait.ge [sflag:s0], $0x80  }
0x122: {  	[sflag:s0] =	ssyncset.done $0x0  }
0x123: {  	[sflag:s0] =	ssyncadd.s32 $0xFFFFFF80  }
0x124: {  	[tilespmem:s17], [sflag:$0x1] =	stream.linear.gather [hbm4b:s22+s21], $0x4000, $0x38;
	[tilespmem:$0x17900] =	vst v63  }
0x125: {  	_ =	swait.ge [sflag:s0], $0x4000  }
0x126: {  	[sflag:s0] =	ssyncset.done $0x0  }
0x127: {  	[sflag:s0] =	ssyncadd.s32 $0xFFFFC000  }
0x128: {  	[spmem:s1] =	stream.indirect.scatter.add.f32 [tilespmem:s17], [sflag:$0x1], $0x80, s3, s5, $0xb8;
	[tilespmem:$0x17900] =	vst v63  }
0x129: {  	s9 =	simm.s32 $0x10;
	_ =	swait.ge [sflag:s0], $0x4000  }
0x12a: {  	s10 =	simm.s32 $0x20;
	s8 =	sadd.s32 $0x800, s22;
	[sflag:s0] =	ssyncset.done $0x0  }
.LBB2_6:
0x12b: {  	s12 =	sadd.s32 s9, s18  }
0x12c: {  	[sflag:s0] =	ssyncadd.s32 $0xFFFFC000;
	s9 =	smov.u32 s10;
	s13 =	sadd.s32 $0x10, s10  }
0x12d: {  	[tilespmem:s3], [sflag:$0x1] =	stream.linear.gather [hbm4b:s12+s21], $0x80, $0x38;
	[tilespmem:$0x17900] =	vst v63  }
0x12e: {  	p0 =	sne.s32 s10, $0x4D0;
	_ =	swait.ge [sflag:s0], $0x80  }
0x12f: {  	[sflag:s0] =	ssyncset.done $0x0  }
0x130: {  	[sflag:s0] =	ssyncadd.s32 $0xFFFFFF80  }
0x131: {  	[tilespmem:s17], [sflag:$0x1] =	stream.linear.gather [hbm4b:s8+s21], $0x4000, $0x38;
	[tilespmem:$0x17900] =	vst v63  }
0x132: {  	_ =	swait.ge [sflag:s0], $0x4000  }
.Ltmp2:
0x133: {  	[sflag:s0] =	ssyncset.done $0x0;
	(pc) =	sbr.rel @p0 .LBB2_6-.Ltmp2, $4  }
0x134: {  	[sflag:s0] =	ssyncadd.s32 $0xFFFFC000  }
0x135: {  	[spmem:s1] =	stream.indirect.scatter.add.f32 [tilespmem:s17], [sflag:$0x1], $0x80, s3, s5, $0xb8;
	[tilespmem:$0x17900] =	vst v63  }
0x136: {  	_ =	swait.ge [sflag:s0], $0x4000  }
0x137: {  	s10 =	smov.u32 s13;
	s8 =	sadd.s32 $0x800, s8;
	[sflag:s0] =	ssyncset.done $0x0  }
0x138: {  	s9 =	sadd.s32 s9, s18;
	[sflag:s0] =	ssyncadd.s32 $0xFFFFC000  }
0x139: {  	[tilespmem:s3], [sflag:$0x1] =	stream.linear.gather [hbm4b:s9+s21], $0x80, $0x38;
	[tilespmem:$0x17900] =	vst v63  }
0x13a: {  	_ =	swait.ge [sflag:s0], $0x80  }
0x13b: {  	[sflag:s0] =	ssyncset.done $0x0  }
0x13c: {  	[sflag:s0] =	ssyncadd.s32 $0xFFFFFF80  }
0x13d: {  	[tilespmem:s17], [sflag:$0x1] =	stream.linear.gather [hbm4b:s8+s21], $0x4000, $0x38;
	[tilespmem:$0x17900] =	vst v63  }
0x13e: {  	_ =	swait.ge [sflag:s0], $0x4000  }
0x13f: {  	[sflag:s0] =	ssyncset.done $0x0  }
0x140: {  	[sflag:s0] =	ssyncadd.s32 $0xFFFFC000  }
0x141: {  	[spmem:s1] =	stream.indirect.scatter.add.f32 [tilespmem:s17], [sflag:$0x1], $0x80, s3, s5, $0xb8;
	[tilespmem:$0x17900] =	vst v63  }
0x142: {  	_ =	swait.ge [sflag:s0], $0x4000  }
0x143: {  	[sflag:s0] =	ssyncset.done $0x0  }
0x144: {  	s12 =	simm.s32 $0x0;
	[sflag:s0] =	ssyncadd.s32 $0xFFFFC000  }
0x145: {  	[tilespmem:s3], [sflag:$0x1] =	stream.linear.gather [hbm4b:s2+s12], $0x10, $0x38;
	[tilespmem:$0x17900] =	vst v63  }
0x146: {  	_ =	swait.ge [sflag:s0], $0x10  }
0x147: {  	[sflag:s0] =	ssyncset.done $0x0  }
0x148: {  	[sflag:s0] =	ssyncadd.s32 $0xFFFFFFF0  }
0x149: {  	[tilespmem:s17], [sflag:$0x1] =	stream.linear.gather [hbm4b:s11+s12], $0x800, $0x38;
	[tilespmem:$0x17900] =	vst v63  }
0x14a: {  	_ =	swait.ge [sflag:s0], $0x800  }
0x14b: {  	[sflag:s0] =	ssyncset.done $0x0  }
0x14c: {  	[sflag:s0] =	ssyncadd.s32 $0xFFFFF800  }
0x14d: {  	[tilespmem:s6], [sflag:$0x1] =	stream.linear.gather [hbm4b:s23+s12], $0x3800, $0x38;
	[tilespmem:$0x17900] =	vst v63  }
0x14e: {  	_ =	swait.ge [sflag:s0], $0x3800  }
0x14f: {  	[sflag:s0] =	ssyncset.done $0x0  }
0x150: {  	[sflag:s0] =	ssyncadd.s32 $0xFFFFC800  }
0x151: {  	[spmem:s1] =	stream.indirect.scatter.add.f32 [tilespmem:s17], [sflag:$0x1], $0x80, s3, s5, $0xb8;
	[tilespmem:$0x17900] =	vst v63  }
0x152: {  	_ =	swait.ge [sflag:s0], $0x4000  }
0x153: {  	[sflag:s0] =	ssyncset.done $0x0  }
0x154: {  	s13 =	sadd.s32 $0x0, s19;
	[sflag:s0] =	ssyncadd.s32 $0xFFFFC000  }
0x155: {  	[tilespmem:s3], [sflag:$0x1] =	stream.linear.gather [hbm4b:s13+s21], $0x80, $0x38;
	[tilespmem:$0x17900] =	vst v63  }
0x156: {  	_ =	swait.ge [sflag:s0], $0x80  }
0x157: {  	[sflag:s0] =	ssyncset.done $0x0  }
0x158: {  	[sflag:s0] =	ssyncadd.s32 $0xFFFFFF80  }
0x159: {  	[tilespmem:s17], [sflag:$0x1] =	stream.linear.gather [hbm4b:s22+s21], $0x4000, $0x38;
	[tilespmem:$0x17900] =	vst v63  }
0x15a: {  	_ =	swait.ge [sflag:s0], $0x4000  }
0x15b: {  	[sflag:s0] =	ssyncset.done $0x0  }
0x15c: {  	[sflag:s0] =	ssyncadd.s32 $0xFFFFC000  }
0x15d: {  	[spmem:s1] =	stream.indirect.scatter.add.f32 [tilespmem:s17], [sflag:$0x1], $0x80, s3, s5, $0xb8;
	[tilespmem:$0x17900] =	vst v63  }
0x15e: {  	s10 =	simm.s32 $0x20;
	_ =	swait.ge [sflag:s0], $0x4000  }
0x15f: {  	s9 =	simm.s32 $0x10;
	s8 =	sadd.s32 $0x800, s22;
	[sflag:s0] =	ssyncset.done $0x0  }
.LBB2_8:
0x160: {  	s12 =	sadd.s32 s9, s19  }
0x161: {  	[sflag:s0] =	ssyncadd.s32 $0xFFFFC000;
	s9 =	smov.u32 s10;
	s13 =	sadd.s32 $0x10, s10  }
0x162: {  	[tilespmem:s3], [sflag:$0x1] =	stream.linear.gather [hbm4b:s12+s21], $0x80, $0x38;
	[tilespmem:$0x17900] =	vst v63  }
0x163: {  	p0 =	sne.s32 s10, $0x4D0;
	_ =	swait.ge [sflag:s0], $0x80  }
0x164: {  	[sflag:s0] =	ssyncset.done $0x0  }
0x165: {  	[sflag:s0] =	ssyncadd.s32 $0xFFFFFF80  }
0x166: {  	[tilespmem:s17], [sflag:$0x1] =	stream.linear.gather [hbm4b:s8+s21], $0x4000, $0x38;
	[tilespmem:$0x17900] =	vst v63  }
0x167: {  	_ =	swait.ge [sflag:s0], $0x4000  }
.Ltmp3:
0x168: {  	[sflag:s0] =	ssyncset.done $0x0;
	(pc) =	sbr.rel @p0 .LBB2_8-.Ltmp3, $4  }
0x169: {  	[sflag:s0] =	ssyncadd.s32 $0xFFFFC000  }
0x16a: {  	[spmem:s1] =	stream.indirect.scatter.add.f32 [tilespmem:s17], [sflag:$0x1], $0x80, s3, s5, $0xb8;
	[tilespmem:$0x17900] =	vst v63  }
0x16b: {  	_ =	swait.ge [sflag:s0], $0x4000  }
0x16c: {  	s10 =	smov.u32 s13;
	s8 =	sadd.s32 $0x800, s8;
	[sflag:s0] =	ssyncset.done $0x0  }
0x16d: {  	s9 =	sadd.s32 s9, s19;
	[sflag:s0] =	ssyncadd.s32 $0xFFFFC000  }
0x16e: {  	[tilespmem:s3], [sflag:$0x1] =	stream.linear.gather [hbm4b:s9+s21], $0x80, $0x38;
	[tilespmem:$0x17900] =	vst v63  }
0x16f: {  	_ =	swait.ge [sflag:s0], $0x80  }
0x170: {  	[sflag:s0] =	ssyncset.done $0x0  }
0x171: {  	[sflag:s0] =	ssyncadd.s32 $0xFFFFFF80  }
0x172: {  	[tilespmem:s17], [sflag:$0x1] =	stream.linear.gather [hbm4b:s8+s21], $0x4000, $0x38;
	[tilespmem:$0x17900] =	vst v63  }
0x173: {  	_ =	swait.ge [sflag:s0], $0x4000  }
0x174: {  	[sflag:s0] =	ssyncset.done $0x0  }
0x175: {  	[sflag:s0] =	ssyncadd.s32 $0xFFFFC000  }
0x176: {  	[spmem:s1] =	stream.indirect.scatter.add.f32 [tilespmem:s17], [sflag:$0x1], $0x80, s3, s5, $0xb8;
	[tilespmem:$0x17900] =	vst v63  }
0x177: {  	_ =	swait.ge [sflag:s0], $0x4000  }
0x178: {  	[sflag:s0] =	ssyncset.done $0x0  }
0x179: {  	[sflag:s0] =	ssyncadd.s32 $0xFFFFC000  }
0x17a: {  	[tilespmem:s3], [sflag:$0x1] =	stream.linear.gather [hbm4b:s4+s21], $0x10, $0x38;
	[tilespmem:$0x17900] =	vst v63  }
0x17b: {  	_ =	swait.ge [sflag:s0], $0x10  }
0x17c: {  	[sflag:s0] =	ssyncset.done $0x0  }
0x17d: {  	[sflag:s0] =	ssyncadd.s32 $0xFFFFFFF0  }
0x17e: {  	[tilespmem:s17], [sflag:$0x1] =	stream.linear.gather [hbm4b:s11+s21], $0x800, $0x38;
	[tilespmem:$0x17900] =	vst v63  }
0x17f: {  	_ =	swait.ge [sflag:s0], $0x800  }
0x180: {  	[sflag:s0] =	ssyncset.done $0x0  }
0x181: {  	[sflag:s0] =	ssyncadd.s32 $0xFFFFF800  }
0x182: {  	[tilespmem:s6], [sflag:$0x1] =	stream.linear.gather [hbm4b:s23+s21], $0x3800, $0x38;
	[tilespmem:$0x17900] =	vst v63  }
0x183: {  	_ =	swait.ge [sflag:s0], $0x3800  }
0x184: {  	[sflag:s0] =	ssyncset.done $0x0  }
0x185: {  	[sflag:s0] =	ssyncadd.s32 $0xFFFFC800  }
0x186: {  	[spmem:s1] =	stream.indirect.scatter.add.f32 [tilespmem:s17], [sflag:$0x1], $0x80, s3, s5, $0xb8;
	[tilespmem:$0x17900] =	vst v63  }
0x187: {  	_ =	swait.ge [sflag:s0], $0x4000  }
0x188: {  	[sflag:s0] =	ssyncset.done $0x0  }
0x189: {  	[sflag:s0] =	ssyncadd.s32 $0xFFFFC000  }
0x18a: {  	[bflag:$0x0] =	sbarrier.arrive $0xFFFF  }
0x18b: {  	[tilespmem:s3], [sflag:$0x1] =	stream.linear.gather [hbm4b:s24+s21], $0x80, $0x38;
	[tilespmem:$0x17900] =	vst v63  }
0x18c: {  	_ =	swait.ge [sflag:s0], $0x80  }
0x18d: {  	[sflag:s0] =	ssyncset.done $0x0  }
0x18e: {  	[sflag:s0] =	ssyncadd.s32 $0xFFFFFF80  }
0x18f: {  	[tilespmem:s17], [sflag:$0x1] =	stream.indirect.gather [spmem:s1], $0x80, s3, s5, $0xb8;
	[tilespmem:$0x17900] =	vst v63  }
0x190: {  	_ =	swait.ge [sflag:s0], $0x4000  }
0x191: {  	[sflag:s0] =	ssyncset.done $0x0  }
0x192: {  	s12 =	rddreg [dreg:$0xb];
	[sflag:s0] =	ssyncadd.s32 $0xFFFFC000  }
0x193: {  	[hbm4b:s12+s21] =	stream.linear.scatter [tilespmem:s17], [sflag:$0x1], $0x4000, $0x38;
	[tilespmem:$0x17900] =	vst v63  }
0x194: {  	_ =	swait.ge [sflag:s0], $0x4000  }
0x195: {  	[sflag:s0] =	ssyncset.done $0x0  }
0x196: {  	[sflag:s0] =	ssyncadd.s32 $0xFFFFC000  }
0x197: {  	[tilespmem:s3], [sflag:$0x1] =	stream.linear.gather [hbm4b:s25+s21], $0x80, $0x38;
	[tilespmem:$0x17900] =	vst v63  }
0x198: {  	_ =	swait.ge [sflag:s0], $0x80  }
0x199: {  	[sflag:s0] =	ssyncset.done $0x0  }
0x19a: {  	[sflag:s0] =	ssyncadd.s32 $0xFFFFFF80  }
0x19b: {  	[tilespmem:s17], [sflag:$0x1] =	stream.indirect.gather [spmem:s1], $0x80, s3, s5, $0xb8;
	[tilespmem:$0x17900] =	vst v63  }
0x19c: {  	_ =	swait.ge [sflag:s0], $0x4000  }
0x19d: {  	[sflag:s0] =	ssyncset.done $0x0  }
0x19e: {  	s13 =	rddreg [dreg:$0xc];
	[sflag:s0] =	ssyncadd.s32 $0xFFFFC000  }
0x19f: {  	[hbm4b:s13+s21] =	stream.linear.scatter [tilespmem:s17], [sflag:$0x1], $0x4000, $0x38;
	[tilespmem:$0x17900] =	vst v63  }
0x1a0: {  	_ =	swait.ge [sflag:s0], $0x4000  }
0x1a1: {  	[sflag:s0] =	ssyncset.done $0x0  }
0x1a2: {  	[sflag:s0] =	ssyncadd.s32 $0xFFFFC000  }
0x1a3: {  	[tilespmem:s3], [sflag:$0x1] =	stream.linear.gather [hbm4b:s26+s21], $0x80, $0x38;
	[tilespmem:$0x17900] =	vst v63  }
0x1a4: {  	_ =	swait.ge [sflag:s0], $0x80  }
0x1a5: {  	[sflag:s0] =	ssyncset.done $0x0  }
0x1a6: {  	[sflag:s0] =	ssyncadd.s32 $0xFFFFFF80  }
0x1a7: {  	[tilespmem:s17], [sflag:$0x1] =	stream.indirect.gather [spmem:s1], $0x80, s3, s5, $0xb8;
	[tilespmem:$0x17900] =	vst v63  }
0x1a8: {  	_ =	swait.ge [sflag:s0], $0x4000  }
0x1a9: {  	[sflag:s0] =	ssyncset.done $0x0  }
0x1aa: {  	[sflag:s0] =	ssyncadd.s32 $0xFFFFC000  }
0x1ab: {  	[hbm4b:s14+s21] =	stream.linear.scatter [tilespmem:s17], [sflag:$0x1], $0x4000, $0x38;
	[tilespmem:$0x17900] =	vst v63  }
0x1ac: {  	_ =	swait.ge [sflag:s0], $0x4000  }
0x1ad: {  	[sflag:s0] =	ssyncset.done $0x0  }
0x1ae: {  	[sflag:s0] =	ssyncadd.s32 $0xFFFFC000  }
0x1af: {  	[tilespmem:s3], [sflag:$0x1] =	stream.linear.gather [hbm4b:s28+s21], $0x80, $0x38;
	[tilespmem:$0x17900] =	vst v63  }
0x1b0: {  	_ =	swait.ge [sflag:s0], $0x80  }
0x1b1: {  	[sflag:s0] =	ssyncset.done $0x0  }
0x1b2: {  	[sflag:s0] =	ssyncadd.s32 $0xFFFFFF80  }
0x1b3: {  	[tilespmem:s17], [sflag:$0x1] =	stream.indirect.gather [spmem:s1], $0x80, s3, s5, $0xb8;
	[tilespmem:$0x17900] =	vst v63  }
0x1b4: {  	_ =	swait.ge [sflag:s0], $0x4000  }
0x1b5: {  	[sflag:s0] =	ssyncset.done $0x0  }
0x1b6: {  	[sflag:s0] =	ssyncadd.s32 $0xFFFFC000  }
0x1b7: {  	[hbm4b:s15+s21] =	stream.linear.scatter [tilespmem:s17], [sflag:$0x1], $0x4000, $0x38;
	[tilespmem:$0x17900] =	vst v63  }
0x1b8: {  	_ =	swait.ge [sflag:s0], $0x4000  }
0x1b9: {  	[sflag:s0] =	ssyncset.done $0x0  }
0x1ba: {  	[sflag:s0] =	ssyncadd.s32 $0xFFFFC000  }
0x1bb: {  	[tilespmem:s3], [sflag:$0x1] =	stream.linear.gather [hbm4b:s29+s21], $0x80, $0x38;
	[tilespmem:$0x17900] =	vst v63  }
0x1bc: {  	_ =	swait.ge [sflag:s0], $0x80  }
0x1bd: {  	[sflag:s0] =	ssyncset.done $0x0  }
0x1be: {  	[sflag:s0] =	ssyncadd.s32 $0xFFFFFF80  }
0x1bf: {  	[tilespmem:s17], [sflag:$0x1] =	stream.indirect.gather [spmem:s1], $0x80, s3, s5, $0xb8;
	[tilespmem:$0x17900] =	vst v63  }
0x1c0: {  	s7 =	sadd.s32 $0x1, s7;
	_ =	swait.ge [sflag:s0], $0x4000  }
0x1c1: {  	p0 =	sne.s32 s7, s30;
	[sflag:s0] =	ssyncset.done $0x0  }
.Ltmp4:
0x1c2: {  	[sflag:s0] =	ssyncadd.s32 $0xFFFFC000;
	(pc) =	sbr.rel @p0 .LBB2_1-.Ltmp4, $4  }
0x1c3: {  	[hbm4b:s16+s21] =	stream.linear.scatter [tilespmem:s17], [sflag:$0x1], $0x4000, $0x38;
	[tilespmem:$0x17900] =	vst v63  }
0x1c4: {  	_ =	swait.ge [sflag:s0], $0x4000  }
0x1c5: {  	[sflag:s0] =	ssyncset.done $0x0  }
0x1c6: {  	[sflag:s0] =	ssyncadd.s32 $0xFFFFC000  }
0x1c7: {  	_ =	sfence.sel $0x180000  }
0x1c8: {  	[bflag:$0x0] =	sbarrier.arrive $0xFFFF  }
0x1c9: {  	_ =	strace $0x9000004A  }
0x1ca: {  	s0 =	stileid.u32;
	[bflag:$0x2] =	sbarrier.arrive $0xFFFF  }
0x1cb: {  	p0 =	sne.s32 s0, $0x0;
	s0 =	rddreg [dreg:$0x3]  }
0x1cc: {  	s0 =	sadd.s32 @!p0 $0x100000, s0  }
0x1cd: {  	[sflag:s0] =	ssyncadd.tile.s32 @!p0 $0x1;
	_ =	shalt  }
.Lfunc_end2:
_tile_overlayer_lowered:
.L_overlay_start_2:
0x1ce: {  	(tag) =	ssettag $0x2  }
0x1cf: {  	s0 =	rddreg [dreg:$0x0];
	s2 =	stileid.u32  }
0x1d0: {  	s1 =	rddreg [dreg:$0x1];
	p0 =	sne.s32 s2, $0x0  }
0x1d1: {  	s3 =	rddreg [dreg:$0x2];
	[bflag:$0x3] =	sbarrier.arrive $0xFFFF;
	s2 =	simm.s32 @!p0 $0x1C01  }
0x1d2: {  	[timem:s3], [sflag:s2] =	dma.local @!p0 [hbm:s0], s1  }
0x1d3: {  	s0 =	simm.s32 @!p0 $0x1  }
0x1d4: {  	_ =	swait.ge @!p0 [sflag:s0], s1  }
0x1d5: {  	s1 =	ssub.s32 @!p0 $0x0, s1;
	[sflag:s0] =	ssyncset.done @!p0 $0x0  }
0x1d6: {  	[sflag:s0] =	ssyncadd.s32 @!p0 s1  }
0x1d7: {  	[bflag:$0x3] =	sbarrier.arrive $0xFFFF  }
0x1d8: {  	_ =	shalt  }

// kernel: kernel.7.cloned.1.call-start
scs
__scs_entry_jumppad:
0x0: {  	(pc) =	sbr.rel $0x88, $3  }
0x1: {  	(tag) =	ssettag $0x0;
	lr =	simm.s32 $0x1  }
0x2: {  	[smem:$0x3F95] =	sst lr;
	_ =	strace $0xD0000000  }
0x3: {  	_ = 	snop  }
0x4: {  	_ = 	snop  }
0x5: {  	_ = 	snop  }
0x6: {  	_ = 	snop  }
0x7: {  	_ = 	snop  }
__scs_overlays_trampoline_lowered:
0x8: {  	[smem:$0x3FA4] =	sst s0  }
0x9: {  	[smem:$0x3FA5] =	sst s1  }
0xa: {  	[smem:$0x3FA6] =	sst s2  }
0xb: {  	[smem:$0x3FA7] =	sst s3  }
0xc: {  	[smem:$0x3FA8] =	sst s4  }
0xd: {  	[smem:$0x3FA9] =	sst s5  }
0xe: {  	[smem:$0x3FAA] =	sst s6  }
0xf: {  	[smem:$0x3FAB] =	sst s7  }
0x10: {  	[smem:$0x3FAC] =	sst s8  }
0x11: {  	[smem:$0x3FAD] =	sst s9;
	s0 =	simm.s32 @!p0 $0x0  }
0x12: {  	s1 =	sld [smem:$0x3F93];
	s0 =	simm.s32 @p0 $0x1  }
0x13: {  	[smem:$0x3FAE] =	sst s0;
	s0 =	simm.s32 @!p1 $0x0  }
0x14: {  	s2 =	sld [smem:$0x3F92];
	s0 =	simm.s32 @p1 $0x1  }
0x15: {  	[smem:$0x3FAF] =	sst s0;
	s0 =	simm.s32 @!p2 $0x0  }
0x16: {  	s3 =	sld [smem:$0x3FDB];
	s0 =	simm.s32 @p2 $0x1  }
0x17: {  	s4 =	simm.s32 $0x1BF5;
	[smem:$0x3FB1] =	sst s0  }
0x18: {  	s0 =	sld [smem:$0x3F94];
	_ =	swait.ge [sflag:s4], $0x0  }
0x19: {  	s7 =	sld [smem:$0x3F95]  }
0x1a: {  	s8 =	sadd.s32 $0xFFFFE003, lr  }
0x1b: {  	s9 =	sadd.s32 $0xFFFFFEF7, lr;
	s5 =	simm.s32 $0xFFFFFFFF;
	p2 =	slt.u32 s8, $0xFFFFF086  }
0x1c: {  	p1 =	slt.u32 s9, $0xF7A;
	s5 =	simm.s32 @!p2 $0x0  }
0x1d: {  	s5 =	simm.s32 @p1 $0x1;
	p0 =	seq.s32 s7, s2  }
0x1e: {  	s7 =	smul.u32 @!p0 $0xF7A, s2;
	p2 =	seq.s32 @!p0 s5, $0x0  }
0x1f: {  	s9 =	smul.u32 $0xF7A, s1;
	s8 =	simm.s32 @!p0 $0x1BF5;
	p2 =	por !p2, p0  }
0x20: {  	[sflag:s8] =	ssyncset.s32 @!p0 $0xFFFFF086;
	s6 =	sadd.s32 @!p0 s3, s7;
	s7 =	simm.s32 @!p0 $0x108  }
0x21: {  	s3 =	sadd.s32 s3, s9;
	s6 =	sadd.s32 @!p0 $0x88, s6;
	s7 =	simm.s32 @p2 $0x1082  }
0x22: {  	[simem:s7], [sflag:s8] =	dma.local @!p0 [hbm:s6], $0xF7A  }
0x23: {  	s9 =	sor.u32 $0xD0000000, s2;
	s6 =	simm.s32 $0x108;
	_ =	swait.ge @!p0 [sflag:s8], $0x0  }
0x24: {  	s3 =	sadd.s32 $0x88, s3;
	s6 =	simm.s32 @!p1 $0x1082;
	[sflag:s4] =	ssyncset.s32 $0xFFFFF086  }
0x25: {  	[simem:s6], [sflag:s4] =	dma.local [hbm:s3], $0xF7A  }
0x26: {  	[smem:$0x3F95] =	sst s1;
	(tag) =	ssettag s2;
	_ =	strace s9  }
0x27: {  	s1 =	sld [smem:$0x3FA5]  }
0x28: {  	s2 =	sld [smem:$0x3FA6]  }
0x29: {  	s4 =	sld [smem:$0x3FA8]  }
0x2a: {  	p0 =	seq.s32 s5, $0x0;
	s5 =	sld [smem:$0x3FA9]  }
0x2b: {  	s6 =	sld [smem:$0x3FAA]  }
0x2c: {  	s7 =	sld [smem:$0x3FAB]  }
0x2d: {  	s3 =	simm.s32 $0x108;
	s8 =	sld [smem:$0x3FAC]  }
0x2e: {  	s3 =	simm.s32 @!p0 $0x1082;
	s9 =	sld [smem:$0x3FAD]  }
0x2f: {  	lr =	sadd.s32 s0, s3;
	s0 =	sld [smem:$0x3FA4]  }
0x30: {  	s3 =	sld [smem:$0x3FA7]  }
0x31: {  	[smem:$0x3FB0] =	sst s10  }
0x32: {  	s10 =	sld [smem:$0x3FAE];
	_ =	sdelay $0x3  }
0x33: {  	p0 =	seq.s32 s10, $0x1;
	s10 =	sld [smem:$0x3FB0];
	_ =	sdelay $0x3  }
0x34: {  	[smem:$0x3FB0] =	sst s10  }
0x35: {  	s10 =	sld [smem:$0x3FAF];
	_ =	sdelay $0x3  }
0x36: {  	p1 =	seq.s32 s10, $0x1;
	s10 =	sld [smem:$0x3FB0];
	_ =	sdelay $0x3  }
0x37: {  	[smem:$0x3FB0] =	sst s10  }
0x38: {  	s10 =	sld [smem:$0x3FB1]  }
0x39: {  	_ = 	snop;
	(pc) =	sbr.ind lr, $3  }
0x3a: {  	_ = 	snop  }
0x3b: {  	_ = 	snop  }
0x3c: {  	p2 =	seq.s32 s10, $0x1;
	s10 =	sld [smem:$0x3FB0]  }
0x3d: {  	_ =	shalt  }
0x3e: {  	_ =	shalt  }
0x3f: {  	_ =	shalt  }
0x40: {  	_ =	shalt  }
0x41: {  	_ =	shalt  }
0x42: {  	_ =	shalt  }
0x43: {  	_ =	shalt  }
0x44: {  	_ =	shalt  }
0x45: {  	_ =	shalt  }
0x46: {  	_ =	shalt  }
0x47: {  	_ =	shalt  }
0x48: {  	_ =	shalt  }
0x49: {  	_ =	shalt  }
0x4a: {  	_ =	shalt  }
0x4b: {  	_ =	shalt  }
0x4c: {  	_ =	shalt  }
0x4d: {  	_ =	shalt  }
0x4e: {  	_ =	shalt  }
0x4f: {  	_ =	shalt  }
0x50: {  	_ =	shalt  }
0x51: {  	_ =	shalt  }
0x52: {  	_ =	shalt  }
0x53: {  	_ =	shalt  }
0x54: {  	_ =	shalt  }
0x55: {  	_ =	shalt  }
0x56: {  	_ =	shalt  }
0x57: {  	_ =	shalt  }
0x58: {  	_ =	shalt  }
0x59: {  	_ =	shalt  }
0x5a: {  	_ =	shalt  }
0x5b: {  	_ =	shalt  }
0x5c: {  	_ =	shalt  }
0x5d: {  	_ =	shalt  }
0x5e: {  	_ =	shalt  }
0x5f: {  	_ =	shalt  }
0x60: {  	_ =	shalt  }
0x61: {  	_ =	shalt  }
0x62: {  	_ =	shalt  }
0x63: {  	_ =	shalt  }
0x64: {  	_ =	shalt  }
0x65: {  	_ =	shalt  }
0x66: {  	_ =	shalt  }
0x67: {  	_ =	shalt  }
0x68: {  	_ =	shalt  }
0x69: {  	_ =	shalt  }
0x6a: {  	_ =	shalt  }
0x6b: {  	_ =	shalt  }
0x6c: {  	_ =	shalt  }
0x6d: {  	_ =	shalt  }
0x6e: {  	_ =	shalt  }
0x6f: {  	_ =	shalt  }
0x70: {  	_ =	shalt  }
0x71: {  	_ =	shalt  }
0x72: {  	_ =	shalt  }
0x73: {  	_ =	shalt  }
0x74: {  	_ =	shalt  }
0x75: {  	_ =	shalt  }
0x76: {  	_ =	shalt  }
0x77: {  	_ =	shalt  }
0x78: {  	_ =	shalt  }
0x79: {  	_ =	shalt  }
0x7a: {  	_ =	shalt  }
0x7b: {  	_ =	shalt  }
0x7c: {  	_ =	shalt  }
0x7d: {  	_ =	shalt  }
0x7e: {  	_ =	shalt  }
0x7f: {  	_ =	shalt  }
0x80: {  	_ =	shalt  }
0x81: {  	_ =	shalt  }
0x82: {  	_ =	shalt  }
0x83: {  	_ =	shalt  }
0x84: {  	_ =	shalt  }
0x85: {  	_ =	shalt  }
0x86: {  	_ =	shalt  }
0x87: {  	_ =	shalt  }
.Lfunc_end0:
.L_simem_size_0:
called_computation_lowered:
.L_overlay_start_0:
0x88: {  	s2 =	sld [smem:$0x3FD9]  }
0x89: {  	s3 =	sld [smem:$0x3FFE];
	_ =	sdelay $0x1  }
0x8a: {  	s1 =	srdreg.scid  }
0x8b: {  	s0 =	sand.u32 $0x1, s1  }
0x8c: {  	s14 =	sshll.u32 s0, $0xA;
	s2 =	sadd.s32 s3, s2  }
0x8d: {  	s2 =	sadd.s32 s2, s14  }
0x8e: {  	[smem:$0x3FBC] =	sst s2  }
0x8f: {  	_ = 	snop  }
0x90: {  	s2 =	sld [smem:$0x3FD0];
	_ =	sdelay $0x2  }
0x91: {  	s15 =	simm.s32 $0xA;
	s4 =	simm.s32 $0x10  }
0x92: {  	[smem:s4], [sflag:s15] =	dma.local [hbm:s2], $0x1  }
0x93: {  	_ =	swait.eq [sflag:s15], $0x1  }
0x94: {  	[sflag:s15] =	ssyncset.done $0x0  }
0x95: {  	s16 =	sld [smem:$0x10];
	[sflag:s15] =	ssyncadd.s32 $0xFFFFFFFF  }
0x96: {  	s17 =	sld [smem:$0x11];
	(tm) =	ssettm $0x1  }
0x97: {  	s18 =	sld [smem:$0x3FFB];
	_ =	sdelay $0x3  }
0x98: {  	_ =	strace s18  }
0x99: {  	s4 =	sld [smem:$0x3FFC];
	_ =	sdelay $0x3  }
0x9a: {  	_ =	strace s4  }
0x9b: {  	s4 =	sld [smem:$0x3FFD];
	_ =	sdelay $0x3  }
0x9c: {  	_ =	strace s4  }
0x9d: {  	_ =	strace $0x8FFFFFFF  }
0x9e: {  	s19 =	sld [smem:$0x3FDB];
	_ =	sdelay $0x1  }
0x9f: {  	s5 =	simm.s32 $_scs_section_size  }
0xa0: {  	s6 =	simm.s32 $_size__tile_overlayer_lowered;
	s7 =	simm.s32 $_tile_overlayer_lowered  }
0xa1: {  	s22 =	simm.s32 $0x1BFF;
	s21 =	sshll.u32 s7, $0x1;
	s4 =	sadd.s32 s5, s19  }
0xa2: {  	s8 =	simm.s32 $0x0;
	s20 =	sshll.u32 s6, $0x1;
	s6 =	sadd.s32 s21, s4  }
0xa3: {  	[timem:s8], [sflag:s22] =	dma.local [hbm:s6], s20  }
0xa4: {  	_ =	swait.ge [sflag:s22], s20  }
0xa5: {  	s5 =	ssub.s32 $0x0, s20;
	[sflag:s22] =	ssyncset.done $0x0  }
0xa6: {  	[sflag:s22] =	ssyncadd.s32 s5;
	_ =	sdelay $0x1  }
0xa7: {  	s23 =	simm.s32 $0x1B8B  }
0xa8: {  	_ =	swait.ge [sflag:s23], $0x1  }
0xa9: {  	[sflag:s23] =	ssyncset.done $0x0  }
0xaa: {  	s25 =	simm.s32 $0x1B8E;
	s24 =	sld [smem:$0x3FFE];
	[sflag:s23] =	ssyncadd.s32 $0xFFFFFFFF  }
0xab: {  	s26 =	simm.s32 $execute0_lowered;
	[smem:$0x3FD2] =	sst s25  }
0xac: {  	s6 =	sshll.u32 s26, $0x1;
	_ =	strace $0x80000046;
	[dreg:$0x1] =	wrdreg $0xFFFFFFFF  }
0xad: {  	s28 =	simm.s32 $_size_execute0_lowered;
	s4 =	sadd.s32 s4, s6;
	[dreg:$0x0] =	wrdreg $0x0  }
0xae: {  	s6 =	sshll.u32 s28, $0x1;
	[dreg:$0x2] =	wrdreg s4  }
0xaf: {  	[dreg:$0x3] =	wrdreg s6  }
0xb0: {  	[dreg:$0x4] =	wrdreg $0xC0  }
0xb1: {  	_ =	task [dreg:s8], $0x5FFFF  }
0xb2: {  	[dreg:$0x1] =	wrdreg $0xFFFFFFFF  }
0xb3: {  	[dreg:$0x0] =	wrdreg $0x60  }
0xb4: {  	[dreg:$0x2] =	wrdreg s16  }
0xb5: {  	[dreg:$0x3] =	wrdreg s17  }
0xb6: {  	[dreg:$0x4] =	wrdreg s24  }
0xb7: {  	[dreg:$0x5] =	wrdreg $0x9  }
0xb8: {  	_ =	task.clear_ibuf [dreg:s8], $0x6FFFF;
	_ =	strace $0x90000046  }
0xb9: {  	s29 =	simm.s32 $0x9;
	_ =	strace $0x80000048  }
0xba: {  	_ =	swait.ge [sflag:s29], $0x1  }
0xbb: {  	[sflag:s29] =	ssyncadd.s32 $0xFFFFFFFF  }
0xbc: {  	_ =	strace $0x90000048  }
0xbd: {  	_ =	sfence  }
0xbe: {  	s30 =	sld [smem:$0x0];
	_ =	sdelay $0x2  }
0xbf: {  	s31 =	sshll.u32 s1, $0xD;
	s1 =	sshrl.u32 s1, $0x2  }
0xc0: {  	s3 =	sand.u32 $0x4000, s31;
	s1 =	sadd.s32 s1, s30  }
0xc1: {  	s0 =	sor.u32 s3, s0;
	s1 =	sshll.u32 s1, $0x11  }
0xc2: {  	s0 =	sor.u32 s1, s0  }
0xc3: {  	s0 =	sadd.s32 $0x8F2B, s0  }
0xc4: {  	[sflag:s0] =	ssyncadd.remote.s32 $0x1  }
0xc5: {  	_ =	sfence.sel $0xFFFF  }
0xc6: {  	[dreg:$0x0] =	wrdreg $0xFFFFFFFF;
	(pc) =	sbr.abs _section_cstart, $3  }
0xc7: {  	[dreg:$0x1] =	wrdreg $0xFFFFFFFF  }
0xc8: {  	_ =	task.clear_ibuf [dreg:s8], $0x2FFFF;
	_ =	strace $0x9FFFFFFF  }
0xc9: {  	(tm) =	ssettm $0x7FFFFFFF  }
tec
execute0_lowered:
.L_overlay_start_1:
0x0: {  	(tag) =	ssettag $0x1  }
0x1: {  	s1 =	rddreg [dreg:$0x0]  }
0x2: {  	s2 =	rddreg [dreg:$0x1]  }
0x3: {  	s5 =	rddreg [dreg:$0x2]  }
0x4: {  	s3 =	srdreg.scid;
	s0 =	rddreg [dreg:$0x3]  }
0x5: {  	s4 =	simm.s32 $0x0;
	s18 =	simm.s32 $0x8100;
	s19 =	simm.s32 $0x8180  }
0x6: {  	s20 =	simm.s32 $0x10;
	s21 =	simm.s32 $0x8200;
	s22 =	simm.s32 $0x8A00  }
0x7: {  	s23 =	simm.s32 $0x0;
	s6 =	sand.u32 $0x1, s3;
	s3 =	stileid.u32  }
0x8: {  	[smem:$0x7FF] =	sst s4;
	s13 =	sadd.s32 $0xC600, s5;
	s14 =	smul.u32 $0x271000, s6  }
0x9: {  	s12 =	sadd.s32 $0x2800, s5;
	s7 =	sshll.u32 s6, $0x4;
	s16 =	smul.u32 $0x27100, s6  }
0xa: {  	s10 =	sadd.s32 $0x16400, s5;
	s17 =	smul.u32 $0x2710, s3;
	s7 =	sor.u32 s3, s7  }
0xb: {  	s11 =	sadd.s32 $0x4F8400, s5;
	s8 =	ssub.s32 $0x2, s6;
	s7 =	smul.u32 $0x2710, s7  }
0xc: {  	_ =	strace $0x80000047;
	s30 =	smul.u32 $0x27100, s3;
	s28 =	sshrl.u32 s8, $0x1  }
0xd: {  	s9 =	ssub.s32 s8, s28;
	s31 =	sadd.s32 s17, s16;
	s7 =	sadd.s32 $0x2700, s7  }
0xe: {  	s16 =	simm.s32 $0x100;
	s17 =	simm.s32 $0x4100;
	s29 =	sshrl.u32 s7, $0x3  }
0xf: {  	s9 =	smax.u32 s9, $0x1;
	s15 =	sshll.u32 s7, $0x4;
	s5 =	sadd.s32 s13, s29  }
0x10: {  	s6 =	sadd.s32 s12, s29;
	s7 =	sadd.s32 s10, s15;
	s8 =	sadd.s32 s11, s15  }
0x11: {  	s10 =	sadd.s32 s14, s10;
	s11 =	sadd.s32 s14, s11;
	s14 =	sshrl.u32 s31, $0x3  }
0x12: {  	s15 =	simm.s32 $0x80;
	s10 =	sadd.s32 s30, s10;
	s11 =	sadd.s32 s30, s11  }
0x13: {  	s12 =	sadd.s32 s14, s12;
	s13 =	sadd.s32 s14, s13;
	s14 =	simm.s32 $0x1  }
.LBB2_1:
0x14: {  	s24 =	sadd.s32 $0x0, s13  }
0x15: {  	[tilespmem:s4], [sflag:$0x1] =	stream.linear.gather [hbm4b:s24+s4], $0x80, $0x38;
	[tilespmem:$0x9200] =	vst v63  }
0x16: {  	_ =	swait.ge [sflag:s14], $0x80  }
0x17: {  	[sflag:s14] =	ssyncset.done $0x0  }
0x18: {  	s31 =	sadd.s32 $0x0, s12;
	[sflag:s14] =	ssyncadd.s32 $0xFFFFFF80  }
0x19: {  	[tilespmem:s15], [sflag:$0x1] =	stream.linear.gather [hbm4b:s31+s4], $0x80, $0x38;
	[tilespmem:$0x9200] =	vst v63  }
0x1a: {  	_ =	swait.ge [sflag:s14], $0x80  }
0x1b: {  	[sflag:s14] =	ssyncset.done $0x0  }
0x1c: {  	[sflag:s14] =	ssyncadd.s32 $0xFFFFFF80  }
0x1d: {  	[tilespmem:s16], [sflag:$0x1] =	stream.indirect.gather [hbm4b:s1+s15], $0x80, s4, s15, $0xb8;
	[tilespmem:$0x9200] =	vst v63  }
0x1e: {  	_ =	swait.ge [sflag:s14], $0x4000  }
0x1f: {  	[sflag:s14] =	ssyncset.done $0x0  }
0x20: {  	[sflag:s14] =	ssyncadd.s32 $0xFFFFC000  }
0x21: {  	[tilespmem:s17], [sflag:$0x1] =	stream.indirect.gather [hbm4b:s2+s15], $0x80, s15, s15, $0xb8;
	[tilespmem:$0x9200] =	vst v63  }
0x22: {  	_ =	swait.ge [sflag:s14], $0x4000  }
0x23: {  	[sflag:s14] =	ssyncset.done $0x0  }
0x24: {  	[sflag:s14] =	ssyncadd.s32 $0xFFFFC000  }
0x25: {  	[hbm4b:s10+s4] =	stream.linear.scatter [tilespmem:s16], [sflag:$0x1], $0x4000, $0x38;
	[tilespmem:$0x9200] =	vst v63  }
0x26: {  	_ =	swait.ge [sflag:s14], $0x4000  }
0x27: {  	[sflag:s14] =	ssyncset.done $0x0  }
0x28: {  	[sflag:s14] =	ssyncadd.s32 $0xFFFFC000  }
0x29: {  	[hbm4b:s11+s4] =	stream.linear.scatter [tilespmem:s17], [sflag:$0x1], $0x4000, $0x38;
	[tilespmem:$0x9200] =	vst v63  }
0x2a: {  	s26 =	simm.s32 $0x10;
	s28 =	simm.s32 $0x20;
	_ =	swait.ge [sflag:s14], $0x4000  }
0x2b: {  	s25 =	sadd.s32 $0x800, s10;
	s24 =	sadd.s32 $0x800, s11;
	[sflag:s14] =	ssyncset.done $0x0  }
.LBB2_2:
0x2c: {  	s29 =	sadd.s32 s26, s13  }
0x2d: {  	[sflag:s14] =	ssyncadd.s32 $0xFFFFC000;
	s30 =	smov.u32 s28;
	s31 =	sadd.s32 $0x10, s28  }
0x2e: {  	[tilespmem:s4], [sflag:$0x1] =	stream.linear.gather [hbm4b:s29+s4], $0x80, $0x38;
	[tilespmem:$0x9200] =	vst v63  }
0x2f: {  	p0 =	sne.s32 s28, $0x4D0;
	_ =	swait.ge [sflag:s14], $0x80  }
0x30: {  	[sflag:s14] =	ssyncset.done $0x0  }
0x31: {  	s28 =	sadd.s32 s26, s12;
	s26 =	smov.u32 s30;
	[sflag:s14] =	ssyncadd.s32 $0xFFFFFF80  }
0x32: {  	[tilespmem:s15], [sflag:$0x1] =	stream.linear.gather [hbm4b:s28+s4], $0x80, $0x38;
	[tilespmem:$0x9200] =	vst v63  }
0x33: {  	_ =	swait.ge [sflag:s14], $0x80  }
0x34: {  	[sflag:s14] =	ssyncset.done $0x0  }
0x35: {  	[sflag:s14] =	ssyncadd.s32 $0xFFFFFF80  }
0x36: {  	[tilespmem:s16], [sflag:$0x1] =	stream.indirect.gather [hbm4b:s1+s15], $0x80, s4, s15, $0xb8;
	[tilespmem:$0x9200] =	vst v63  }
0x37: {  	_ =	swait.ge [sflag:s14], $0x4000  }
0x38: {  	[sflag:s14] =	ssyncset.done $0x0  }
0x39: {  	[sflag:s14] =	ssyncadd.s32 $0xFFFFC000  }
0x3a: {  	[tilespmem:s17], [sflag:$0x1] =	stream.indirect.gather [hbm4b:s2+s15], $0x80, s15, s15, $0xb8;
	[tilespmem:$0x9200] =	vst v63  }
0x3b: {  	_ =	swait.ge [sflag:s14], $0x4000  }
0x3c: {  	[sflag:s14] =	ssyncset.done $0x0  }
0x3d: {  	[sflag:s14] =	ssyncadd.s32 $0xFFFFC000  }
0x3e: {  	[hbm4b:s25+s4] =	stream.linear.scatter [tilespmem:s16], [sflag:$0x1], $0x4000, $0x38;
	[tilespmem:$0x9200] =	vst v63  }
0x3f: {  	_ =	swait.ge [sflag:s14], $0x4000  }
.Ltmp0:
0x40: {  	[sflag:s14] =	ssyncset.done $0x0;
	(pc) =	sbr.rel @p0 .LBB2_2-.Ltmp0, $4  }
0x41: {  	[sflag:s14] =	ssyncadd.s32 $0xFFFFC000  }
0x42: {  	[hbm4b:s24+s4] =	stream.linear.scatter [tilespmem:s17], [sflag:$0x1], $0x4000, $0x38;
	[tilespmem:$0x9200] =	vst v63  }
0x43: {  	s28 =	smov.u32 s31;
	_ =	swait.ge [sflag:s14], $0x4000  }
0x44: {  	s25 =	sadd.s32 $0x800, s25;
	s24 =	sadd.s32 $0x800, s24;
	[sflag:s14] =	ssyncset.done $0x0  }
0x45: {  	s28 =	sadd.s32 s26, s13;
	[sflag:s14] =	ssyncadd.s32 $0xFFFFC000  }
0x46: {  	[tilespmem:s4], [sflag:$0x1] =	stream.linear.gather [hbm4b:s28+s4], $0x80, $0x38;
	[tilespmem:$0x9200] =	vst v63  }
0x47: {  	_ =	swait.ge [sflag:s14], $0x80  }
0x48: {  	[sflag:s14] =	ssyncset.done $0x0  }
0x49: {  	s31 =	sadd.s32 s26, s12;
	[sflag:s14] =	ssyncadd.s32 $0xFFFFFF80  }
0x4a: {  	[tilespmem:s15], [sflag:$0x1] =	stream.linear.gather [hbm4b:s31+s4], $0x80, $0x38;
	[tilespmem:$0x9200] =	vst v63  }
0x4b: {  	_ =	swait.ge [sflag:s14], $0x80  }
0x4c: {  	[sflag:s14] =	ssyncset.done $0x0  }
0x4d: {  	[sflag:s14] =	ssyncadd.s32 $0xFFFFFF80  }
0x4e: {  	[tilespmem:s16], [sflag:$0x1] =	stream.indirect.gather [hbm4b:s1+s15], $0x80, s4, s15, $0xb8;
	[tilespmem:$0x9200] =	vst v63  }
0x4f: {  	_ =	swait.ge [sflag:s14], $0x4000  }
0x50: {  	[sflag:s14] =	ssyncset.done $0x0  }
0x51: {  	[sflag:s14] =	ssyncadd.s32 $0xFFFFC000  }
0x52: {  	[tilespmem:s17], [sflag:$0x1] =	stream.indirect.gather [hbm4b:s2+s15], $0x80, s15, s15, $0xb8;
	[tilespmem:$0x9200] =	vst v63  }
0x53: {  	_ =	swait.ge [sflag:s14], $0x4000  }
0x54: {  	[sflag:s14] =	ssyncset.done $0x0  }
0x55: {  	[sflag:s14] =	ssyncadd.s32 $0xFFFFC000  }
0x56: {  	[hbm4b:s25+s4] =	stream.linear.scatter [tilespmem:s16], [sflag:$0x1], $0x4000, $0x38;
	[tilespmem:$0x9200] =	vst v63  }
0x57: {  	_ =	swait.ge [sflag:s14], $0x4000  }
0x58: {  	[sflag:s14] =	ssyncset.done $0x0  }
0x59: {  	[sflag:s14] =	ssyncadd.s32 $0xFFFFC000  }
0x5a: {  	[hbm4b:s24+s4] =	stream.linear.scatter [tilespmem:s17], [sflag:$0x1], $0x4000, $0x38;
	[tilespmem:$0x9200] =	vst v63  }
0x5b: {  	_ =	swait.ge [sflag:s14], $0x4000  }
0x5c: {  	[sflag:s14] =	ssyncset.done $0x0  }
0x5d: {  	[sflag:s14] =	ssyncadd.s32 $0xFFFFC000  }
0x5e: {  	[tilespmem:s18], [sflag:$0x1] =	stream.linear.gather [hbm4b:s5+s4], $0x10, $0x38;
	[tilespmem:$0x9200] =	vst v63  }
0x5f: {  	_ =	swait.ge [sflag:s14], $0x10  }
0x60: {  	[sflag:s14] =	ssyncset.done $0x0  }
0x61: {  	[sflag:s14] =	ssyncadd.s32 $0xFFFFFFF0  }
0x62: {  	[tilespmem:s19], [sflag:$0x1] =	stream.linear.gather [hbm4b:s6+s4], $0x10, $0x38;
	[tilespmem:$0x9200] =	vst v63  }
0x63: {  	_ =	swait.ge [sflag:s14], $0x10  }
0x64: {  	[sflag:s14] =	ssyncset.done $0x0  }
0x65: {  	[sflag:s14] =	ssyncadd.s32 $0xFFFFFFF0  }
0x66: {  	[tilespmem:s21], [sflag:$0x1] =	stream.indirect.gather [hbm4b:s1+s20], $0x80, s18, s20, $0xb8;
	[tilespmem:$0x9200] =	vst v63  }
0x67: {  	_ =	swait.ge [sflag:s14], $0x800  }
0x68: {  	[sflag:s14] =	ssyncset.done $0x0  }
0x69: {  	[sflag:s14] =	ssyncadd.s32 $0xFFFFF800  }
0x6a: {  	[tilespmem:s22], [sflag:$0x1] =	stream.indirect.gather [hbm4b:s2+s20], $0x80, s19, s20, $0xb8;
	[tilespmem:$0x9200] =	vst v63  }
0x6b: {  	_ =	swait.ge [sflag:s14], $0x800  }
0x6c: {  	[sflag:s14] =	ssyncset.done $0x0  }
0x6d: {  	[sflag:s14] =	ssyncadd.s32 $0xFFFFF800  }
0x6e: {  	[hbm4b:s7+s4] =	stream.linear.scatter [tilespmem:s21], [sflag:$0x1], $0x800, $0x38;
	[tilespmem:$0x9200] =	vst v63  }
0x6f: {  	s23 =	sadd.s32 $0x1, s23;
	_ =	swait.ge [sflag:s14], $0x800  }
0x70: {  	p0 =	sne.s32 s23, s9;
	[sflag:s14] =	ssyncset.done $0x0  }
.Ltmp1:
0x71: {  	[sflag:s14] =	ssyncadd.s32 $0xFFFFF800;
	(pc) =	sbr.rel @p0 .LBB2_1-.Ltmp1, $4  }
0x72: {  	[hbm4b:s8+s4] =	stream.linear.scatter [tilespmem:s22], [sflag:$0x1], $0x800, $0x38;
	[tilespmem:$0x9200] =	vst v63  }
0x73: {  	_ =	swait.ge [sflag:s14], $0x800  }
0x74: {  	[sflag:s14] =	ssyncset.done $0x0  }
0x75: {  	[sflag:s14] =	ssyncadd.s32 $0xFFFFF800  }
0x76: {  	_ =	sfence.sel $0x180000  }
0x77: {  	[bflag:$0x0] =	sbarrier.arrive $0xFFFF  }
0x78: {  	p0 =	sne.s32 s3, $0x0;
	_ =	strace $0x90000047  }
0x79: {  	s0 =	sadd.s32 @!p0 $0x100000, s0;
	[bflag:$0x2] =	sbarrier.arrive $0xFFFF  }
0x7a: {  	[sflag:s0] =	ssyncadd.tile.s32 @!p0 $0x1;
	_ =	shalt  }
.Lfunc_end2:
_tile_overlayer_lowered:
.L_overlay_start_2:
0x7b: {  	(tag) =	ssettag $0x2  }
0x7c: {  	s0 =	rddreg [dreg:$0x0];
	s2 =	stileid.u32  }
0x7d: {  	s1 =	rddreg [dreg:$0x1];
	p0 =	sne.s32 s2, $0x0  }
0x7e: {  	s3 =	rddreg [dreg:$0x2];
	[bflag:$0x3] =	sbarrier.arrive $0xFFFF;
	s2 =	simm.s32 @!p0 $0x1C01  }
0x7f: {  	[timem:s3], [sflag:s2] =	dma.local @!p0 [hbm:s0], s1  }
0x80: {  	s0 =	simm.s32 @!p0 $0x1  }
0x81: {  	_ =	swait.ge @!p0 [sflag:s0], s1  }
0x82: {  	s1 =	ssub.s32 @!p0 $0x0, s1;
	[sflag:s0] =	ssyncset.done @!p0 $0x0  }
0x83: {  	[sflag:s0] =	ssyncadd.s32 @!p0 s1  }
0x84: {  	[bflag:$0x3] =	sbarrier.arrive $0xFFFF  }
0x85: {  	_ =	shalt  }

</sc_bundles>
